<compile_context>
chip_gen: v7x
topology: tpu7x:2x2x1
jax: 0.10.2.dev20260603
libtpu: 0.0.44.dev20260713+nightly
codegen_flags: <defaults>
</compile_context>

<pallas_src>
import functools

import jax
import jax.numpy as jnp
from jax import lax
from jax.experimental import pallas as pl
from jax.experimental.pallas import tpu as pltpu
from jax.experimental.pallas import tpu_sc as plsc

N = 10000
E = 320000
D_IN = 128
D_H = 64

NC = 2
NS = 16
NW = NC * NS

N_PAD = 10240
ROWS_PS = N_PAD // NS
CHUNK = 128
EPW = E // NW
NG = EPW // CHUNK
TAIL = EPW - NG * CHUNK
BLK = 2048
GRID = N_PAD // BLK

NB = 6
PF = 4

_mesh = plsc.VectorSubcoreMesh(core_axis_name="c", subcore_axis_name="s")


@functools.partial(
    pl.kernel,
    out_type=jax.ShapeDtypeStruct((NC * N_PAD,), jnp.float32),
    mesh=_mesh,
    scratch_types=[
        pltpu.VMEM((EPW,), jnp.int32),
        pltpu.VMEM((CHUNK,), jnp.float32),
        pltpu.VMEM_SHARED((N_PAD,), jnp.float32),
        pltpu.SemaphoreType.DMA,
    ],
)
def _sc_hist(ei_hbm, ones_hbm, zeros_hbm, hist_hbm, dst_v, ones_v, hist_sp,
             ssem):
    c = lax.axis_index("c")
    s = lax.axis_index("s")
    wid = c * NS + s

    pltpu.sync_copy(zeros_hbm.at[pl.ds(s * ROWS_PS, ROWS_PS)],
                    hist_sp.at[pl.ds(s * ROWS_PS, ROWS_PS)])
    pltpu.sync_copy(ones_hbm, ones_v)
    pltpu.sync_copy(ei_hbm.at[pl.ds(E + wid * EPW, EPW)], dst_v)
    plsc.subcore_barrier()

    for j0 in range(8):
        pltpu.async_copy(ones_v, hist_sp.at[dst_v.at[pl.ds(j0 * CHUNK, CHUNK)]],
                         ssem, add=True)

    def step(j, carry):
        pltpu.make_async_copy(
            ones_v, hist_sp.at[dst_v.at[pl.ds(0, CHUNK)]], ssem).wait()
        pltpu.async_copy(
            ones_v, hist_sp.at[dst_v.at[pl.ds((j + 8) * CHUNK, CHUNK)]],
            ssem, add=True)
        return carry

    lax.fori_loop(0, NG - 8, step, 0)
    for _ in range(8):
        pltpu.make_async_copy(
            ones_v, hist_sp.at[dst_v.at[pl.ds(0, CHUNK)]], ssem).wait()
    pltpu.sync_copy(ones_v.at[pl.ds(0, TAIL)],
                    hist_sp.at[dst_v.at[pl.ds(NG * CHUNK, TAIL)]], add=True)

    plsc.subcore_barrier()
    pltpu.sync_copy(hist_sp.at[pl.ds(s * ROWS_PS, ROWS_PS)],
                    hist_hbm.at[pl.ds(c * N_PAD + s * ROWS_PS, ROWS_PS)])


@functools.partial(
    pl.kernel,
    out_type=jax.ShapeDtypeStruct((NC * N_PAD, D_H), jnp.float32),
    mesh=_mesh,
    scratch_types=[
        pltpu.VMEM((EPW,), jnp.int32),
        pltpu.VMEM((EPW,), jnp.int32),
        pltpu.VMEM((NB, CHUNK, D_H), jnp.float32),
        pltpu.VMEM_SHARED((N_PAD, D_H), jnp.float32),
        pltpu.SemaphoreType.DMA,
        pltpu.SemaphoreType.DMA,
    ],
    compiler_params=pltpu.CompilerParams(use_tc_tiling_on_sc=False),
)
def _sc_segsum(y_hbm, ei_hbm, zeros_hbm, z_hbm,
               src_v, dst_v, gbuf, z_sp, gsem, ssem):
    c = lax.axis_index("c")
    s = lax.axis_index("s")
    wid = c * NS + s

    pltpu.sync_copy(zeros_hbm.at[pl.ds(s * ROWS_PS, ROWS_PS)],
                    z_sp.at[pl.ds(s * ROWS_PS, ROWS_PS)])
    pltpu.sync_copy(ei_hbm.at[pl.ds(wid * EPW, EPW)], src_v)
    pltpu.sync_copy(ei_hbm.at[pl.ds(E + wid * EPW, EPW)], dst_v)
    plsc.subcore_barrier()

    def src_at(g):
        return src_v.at[pl.ds(g * CHUNK, CHUNK)]

    def dst_at(g):
        return dst_v.at[pl.ds(g * CHUNK, CHUNK)]

    for b0 in range(PF):
        pltpu.async_copy(y_hbm.at[src_at(b0)], gbuf.at[b0], gsem)

    def step(j, carry):
        for b in range(NB):
            g = NB * j + b
            pltpu.make_async_copy(y_hbm.at[src_at(g)], gbuf.at[b],
                                  gsem).wait()
            pltpu.async_copy(gbuf.at[b], z_sp.at[dst_at(g)], ssem,
                             add=True)
            @pl.when(g >= NB - PF)
            def _():
                pltpu.make_async_copy(gbuf.at[b], z_sp.at[dst_at(g)],
                                      ssem).wait()
            @pl.when(g + PF < NG)
            def _():
                pltpu.async_copy(y_hbm.at[src_at(g + PF)],
                                 gbuf.at[(b + PF) % NB], gsem)
        return carry

    lax.fori_loop(0, NG // NB, step, 0)
    for _ in range(NB - PF):
        pltpu.make_async_copy(gbuf.at[0], z_sp.at[dst_at(0)], ssem).wait()
    pltpu.async_copy(y_hbm.at[src_v.at[pl.ds(NG * CHUNK, TAIL)]],
                     gbuf.at[0, pl.ds(0, TAIL)], gsem)
    pltpu.make_async_copy(y_hbm.at[src_v.at[pl.ds(NG * CHUNK, TAIL)]],
                          gbuf.at[0, pl.ds(0, TAIL)], gsem).wait()
    pltpu.sync_copy(gbuf.at[0, pl.ds(0, TAIL)],
                    z_sp.at[dst_v.at[pl.ds(NG * CHUNK, TAIL)]], add=True)

    plsc.subcore_barrier()
    pltpu.sync_copy(z_sp.at[pl.ds(s * ROWS_PS, ROWS_PS)],
                    z_hbm.at[pl.ds(c * N_PAD + s * ROWS_PS, ROWS_PS)])


def _dinv_col(hist_ref):
    deg = hist_ref[0:1, :] + hist_ref[1:2, :] + 1.0
    return lax.rsqrt(deg).reshape(BLK, 1)


def _tc_scale_matmul_body(hist_ref, x_ref, w_ref, y_ref):
    y_ref[...] = jnp.dot(x_ref[...], w_ref[...],
                         preferred_element_type=jnp.float32) * _dinv_col(hist_ref)


def _tc_mid_body(hist_ref, z0_ref, z1_ref, y_ref, w_ref, b_ref, y2_ref):
    dinv = _dinv_col(hist_ref)
    zsum = z0_ref[...] + z1_ref[...] + y_ref[...]
    h = jnp.maximum(dinv * zsum + b_ref[...], 0.0)
    y2_ref[...] = jnp.dot(h, w_ref[...],
                          preferred_element_type=jnp.float32) * dinv


def _tc_final_body(hist_ref, z0_ref, z1_ref, y_ref, b_ref, out_ref):
    zsum = z0_ref[...] + z1_ref[...] + y_ref[...]
    out_ref[...] = jnp.maximum(_dinv_col(hist_ref) * zsum + b_ref[...], 0.0)


_hist_spec = pl.BlockSpec((2, BLK), lambda i: (0, i))
_row_spec = pl.BlockSpec((BLK, D_H), lambda i: (i, 0))
_z0_spec = pl.BlockSpec((BLK, D_H), lambda i: (i, 0))
_z1_spec = pl.BlockSpec((BLK, D_H), lambda i: (i + GRID, 0))
_b_spec = pl.BlockSpec((1, D_H), lambda i: (0, 0))

_tc_scale_matmul = pl.pallas_call(
    _tc_scale_matmul_body,
    grid=(GRID,),
    in_specs=[_hist_spec,
              pl.BlockSpec((BLK, D_IN), lambda i: (i, 0)),
              pl.BlockSpec((D_IN, D_H), lambda i: (0, 0))],
    out_specs=_row_spec,
    out_shape=jax.ShapeDtypeStruct((N, D_H), jnp.float32),
)

_tc_mid = pl.pallas_call(
    _tc_mid_body,
    grid=(GRID,),
    in_specs=[_hist_spec, _z0_spec, _z1_spec, _row_spec,
              pl.BlockSpec((D_H, D_H), lambda i: (0, 0)), _b_spec],
    out_specs=_row_spec,
    out_shape=jax.ShapeDtypeStruct((N, D_H), jnp.float32),
)

_tc_final = pl.pallas_call(
    _tc_final_body,
    grid=(GRID,),
    in_specs=[_hist_spec, _z0_spec, _z1_spec, _row_spec, _b_spec],
    out_specs=_row_spec,
    out_shape=jax.ShapeDtypeStruct((N, D_H), jnp.float32),
)


def kernel(x, edge_index, W1, b1, W2, b2):
    ei_flat = edge_index.reshape(2 * E)
    zeros1 = jnp.zeros((N_PAD,), jnp.float32)
    zeros2 = jnp.zeros((N_PAD, D_H), jnp.float32)
    ones_c = jnp.ones((CHUNK,), jnp.float32)

    hist = _sc_hist(ei_flat, ones_c, zeros1).reshape(NC, N_PAD)

    y1 = _tc_scale_matmul(hist, x, W1)
    z1 = _sc_segsum(y1, ei_flat, zeros2)
    y2 = _tc_mid(hist, z1, z1, y1, W2, b1.reshape(1, D_H))
    z2 = _sc_segsum(y2, ei_flat, zeros2)
    return _tc_final(hist, z2, z2, y2, b2.reshape(1, D_H))

# --- scband reference (transcript-rebuilt; emitter-appended) ---
"""Pipeline reference for scband-link-predictor-model-7834020348027 (READ-ONLY COPY).

The authoritative reference and input builder live on the scoring server;
editing this copy changes nothing except your own understanding.
"""

import jax, jax.numpy as jnp
import numpy as np

N = 10000
E = 320000
D_IN = 128
D_H = 64


def setup_inputs(seed: int = 0) -> dict:
    key = jax.random.key(seed)
    k1, k2, k3, k4 = jax.random.split(key, 4)
    x = jax.random.normal(k1, (N, D_IN), dtype=jnp.float32)
    edge_index = jax.random.randint(k2, (2, E), 0, N, dtype=jnp.int32)
    # GCNConv layer params (glorot-ish init)
    W1 = jax.random.normal(k3, (D_IN, D_H), dtype=jnp.float32) * (1.0 / np.sqrt(D_IN))
    b1 = jnp.zeros((D_H,), dtype=jnp.float32)
    W2 = jax.random.normal(k4, (D_H, D_H), dtype=jnp.float32) * (1.0 / np.sqrt(D_H))
    b2 = jnp.zeros((D_H,), dtype=jnp.float32)
    return {"x": x, "edge_index": edge_index, "W1": W1, "b1": b1, "W2": W2, "b2": b2}


def _gcn_layer(x, W, b, src, dst, num_nodes):
    # linear transform
    x_lin = x @ W
    # add self-loops
    loop = jnp.arange(num_nodes, dtype=src.dtype)
    src_f = jnp.concatenate([src, loop])
    dst_f = jnp.concatenate([dst, loop])
    # symmetric normalization: deg^{-1/2}[src] * deg^{-1/2}[dst]
    deg = jnp.zeros((num_nodes,), dtype=x_lin.dtype).at[dst_f].add(1.0)
    dinv = jax.lax.rsqrt(jnp.maximum(deg, 1e-12))
    norm = dinv[src_f] * dinv[dst_f]
    # gather messages, scale, scatter-add to destination nodes
    msgs = x_lin[src_f] * norm[:, None]
    out = jnp.zeros((num_nodes, x_lin.shape[1]), dtype=x_lin.dtype).at[dst_f].add(msgs)
    return out + b


def reference(x, edge_index, W1, b1, W2, b2):
    src = edge_index[0]
    dst = edge_index[1]
    h = _gcn_layer(x, W1, b1, src, dst, N)
    h = jax.nn.relu(h)
    # dropout p=0.0 (identity)
    h = _gcn_layer(h, W2, b2, src, dst, N)
    h = jax.nn.relu(h)
    return h

if __name__ == "__main__":
    import jax
    _d = setup_inputs()
    print(jax.jit(kernel)(*tuple(_d.values())))

</pallas_src>

<mosaic_0001>
#map = affine_map<(d0, d1) -> (0, 0)>
#map1 = affine_map<(d0, d1) -> (0)>
module attributes {stable_mosaic.version = 14 : i64} {
  func.func @_sc_segsum(%arg0: i32, %arg1: i32, %arg2: memref<10000x64xf32, #tpu.memory_space<hbm>>, %arg3: memref<640000xi32, #tpu.memory_space<hbm>>, %arg4: memref<10240x64xf32, #tpu.memory_space<hbm>>, %arg5: memref<20480x64xf32, #tpu.memory_space<hbm>>, %arg6: memref<10000xi32, #tpu.memory_space<vmem>>, %arg7: memref<10000xi32, #tpu.memory_space<vmem>>, %arg8: memref<6x128x64xf32, #tpu.memory_space<vmem>>, %arg9: memref<10240x64xf32, #tpu.memory_space<vmem_shared>>, %arg10: memref<!tpu.dma_semaphore, #tpu.memory_space<semaphore_mem>>, %arg11: memref<!tpu.dma_semaphore, #tpu.memory_space<semaphore_mem>>) attributes {dimension_semantics = [#tpu.dimension_semantics<core_parallel>, #tpu.dimension_semantics<subcore_parallel>], iteration_bounds = array<i64: 2, 16>, scalar_prefetch = 0 : i64, scratch_operands = 6 : i64, tpu.core_type = #tpu.core_type<sc_vector_subcore>, window_params = [{transform_indices = #map}, {transform_indices = #map1}, {transform_indices = #map}, {transform_indices = #map}]} {
    %mul3A = arith.constant 16 : i32
    %mul3A_0 = arith.muli %arg0, %mul3A : i32
    %add3A = arith.addi %mul3A_0, %arg1 : i32
    %mul3A_1 = arith.constant 640 : i32
    %mul3A_2 = arith.muli %arg1, %mul3A_1 : i32
    %mul3A_3 = arith.constant 640 : i32
    %mul3A_4 = arith.muli %arg1, %mul3A_3 : i32
    "tpu.region"() ({
      %run_scoped3A_102 = tpu.sem_alloc : memref<!tpu.dma_semaphore, #tpu.memory_space<semaphore_mem>>
      %dma_start3A_103 = arith.constant 0 : i32
      %dma_start3A_104 = tpu.memref_slice %arg9[%mul3A_4, %dma_start3A_103] : memref<10240x64xf32, #tpu.memory_space<vmem_shared>> -> memref<640x64xf32, #tpu.memory_space<vmem_shared>>
      %dma_start3A_105 = arith.constant 0 : i32
      %dma_start3A_106 = tpu.memref_slice %arg4[%mul3A_2, %dma_start3A_105] : memref<10240x64xf32, #tpu.memory_space<hbm>> -> memref<640x64xf32, #tpu.memory_space<hbm>>
      tpu.enqueue_dma source(%dma_start3A_106 : memref<640x64xf32, #tpu.memory_space<hbm>>) target(%dma_start3A_104 : memref<640x64xf32, #tpu.memory_space<vmem_shared>>) target_semaphore(%run_scoped3A_102 : memref<!tpu.dma_semaphore, #tpu.memory_space<semaphore_mem>>)
      %dma_wait3A_107 = arith.constant 0 : i32
      %dma_wait3A_108 = tpu.memref_slice %arg9[%mul3A_4, %dma_wait3A_107] : memref<10240x64xf32, #tpu.memory_space<vmem_shared>> -> memref<640x64xf32, #tpu.memory_space<vmem_shared>>
      %dma_wait3A_109 = arith.constant 0 : i32
      %dma_wait3A_110 = tpu.memref_slice %arg4[%mul3A_2, %dma_wait3A_109] : memref<10240x64xf32, #tpu.memory_space<hbm>> -> memref<640x64xf32, #tpu.memory_space<hbm>>
      tpu.wait_dma2 semaphore(%run_scoped3A_102 : memref<!tpu.dma_semaphore, #tpu.memory_space<semaphore_mem>>) src(%dma_wait3A_110 : memref<640x64xf32, #tpu.memory_space<hbm>>) dst(%dma_wait3A_108 : memref<640x64xf32, #tpu.memory_space<vmem_shared>>)
      tpu.yield
    }) : () -> ()
    %mul3A_5 = arith.constant 10000 : i32
    %mul3A_6 = arith.muli %add3A, %mul3A_5 : i32
    "tpu.region"() ({
      %run_scoped3A_102 = tpu.sem_alloc : memref<!tpu.dma_semaphore, #tpu.memory_space<semaphore_mem>>
      %dma_start3A_103 = tpu.memref_slice %arg3[%mul3A_6] : memref<640000xi32, #tpu.memory_space<hbm>> -> memref<10000xi32, #tpu.memory_space<hbm>>
      %dma_start3A_104 = tpu.memref_slice %arg3[%mul3A_6] : memref<640000xi32, #tpu.memory_space<hbm>> -> memref<10000xi32, #tpu.memory_space<hbm>>
      tpu.enqueue_dma source(%dma_start3A_104 : memref<10000xi32, #tpu.memory_space<hbm>>) target(%arg6 : memref<10000xi32, #tpu.memory_space<vmem>>) target_semaphore(%run_scoped3A_102 : memref<!tpu.dma_semaphore, #tpu.memory_space<semaphore_mem>>)
      %dma_wait3A_105 = tpu.memref_slice %arg3[%mul3A_6] : memref<640000xi32, #tpu.memory_space<hbm>> -> memref<10000xi32, #tpu.memory_space<hbm>>
      %dma_wait3A_106 = tpu.memref_slice %arg3[%mul3A_6] : memref<640000xi32, #tpu.memory_space<hbm>> -> memref<10000xi32, #tpu.memory_space<hbm>>
      tpu.wait_dma2 semaphore(%run_scoped3A_102 : memref<!tpu.dma_semaphore, #tpu.memory_space<semaphore_mem>>) src(%dma_wait3A_106 : memref<10000xi32, #tpu.memory_space<hbm>>) dst(%arg6 : memref<10000xi32, #tpu.memory_space<vmem>>)
      tpu.yield
    }) : () -> ()
    %mul3A_7 = arith.constant 10000 : i32
    %mul3A_8 = arith.muli %add3A, %mul3A_7 : i32
    %add3A_9 = arith.constant 320000 : i32
    %add3A_10 = arith.addi %add3A_9, %mul3A_8 : i32
    "tpu.region"() ({
      %run_scoped3A_102 = tpu.sem_alloc : memref<!tpu.dma_semaphore, #tpu.memory_space<semaphore_mem>>
      %dma_start3A_103 = tpu.memref_slice %arg3[%add3A_10] : memref<640000xi32, #tpu.memory_space<hbm>> -> memref<10000xi32, #tpu.memory_space<hbm>>
      %dma_start3A_104 = tpu.memref_slice %arg3[%add3A_10] : memref<640000xi32, #tpu.memory_space<hbm>> -> memref<10000xi32, #tpu.memory_space<hbm>>
      tpu.enqueue_dma source(%dma_start3A_104 : memref<10000xi32, #tpu.memory_space<hbm>>) target(%arg7 : memref<10000xi32, #tpu.memory_space<vmem>>) target_semaphore(%run_scoped3A_102 : memref<!tpu.dma_semaphore, #tpu.memory_space<semaphore_mem>>)
      %dma_wait3A_105 = tpu.memref_slice %arg3[%add3A_10] : memref<640000xi32, #tpu.memory_space<hbm>> -> memref<10000xi32, #tpu.memory_space<hbm>>
      %dma_wait3A_106 = tpu.memref_slice %arg3[%add3A_10] : memref<640000xi32, #tpu.memory_space<hbm>> -> memref<10000xi32, #tpu.memory_space<hbm>>
      tpu.wait_dma2 semaphore(%run_scoped3A_102 : memref<!tpu.dma_semaphore, #tpu.memory_space<semaphore_mem>>) src(%dma_wait3A_106 : memref<10000xi32, #tpu.memory_space<hbm>>) dst(%arg7 : memref<10000xi32, #tpu.memory_space<vmem>>)
      tpu.yield
    }) : () -> ()
    %barrier3A = arith.constant 0 : index
    tpu.barrier barrier_id(%barrier3A)
    %dma_start3A = arith.constant 0 : i32
    %dma_start3A_11 = arith.constant 0 : i32
    %dma_start3A_12 = arith.constant 0 : i32
    %dma_start3A_13 = tpu.memref_slice %arg8[%dma_start3A, %dma_start3A_11, %dma_start3A_12] : memref<6x128x64xf32, #tpu.memory_space<vmem>> -> memref<1x128x64xf32, #tpu.memory_space<vmem>>
    %dma_start3A_14 = tpu.memref_squeeze %dma_start3A_13 : memref<1x128x64xf32, #tpu.memory_space<vmem>> -> memref<128x64xf32, #tpu.memory_space<vmem>>
    %dma_start3A_15 = arith.constant 0 : i32
    %dma_start3A_16 = tpu.memref_slice %arg6[%dma_start3A_15] : memref<10000xi32, #tpu.memory_space<vmem>> -> memref<128xi32, #tpu.memory_space<vmem>>
    %dma_start3A_17 = arith.constant 0 : i32
    %dma_start3A_18 = arith.constant 0 : i32
    %dma_start3A_19 = tpu.memref_slice %arg2[%dma_start3A_17, %dma_start3A_18] : memref<10000x64xf32, #tpu.memory_space<hbm>> -> memref<10000x64xf32, #tpu.memory_space<hbm>>
    tpu.enqueue_indirect_dma source(%dma_start3A_19 : memref<10000x64xf32, #tpu.memory_space<hbm>>) target(%dma_start3A_14 : memref<128x64xf32, #tpu.memory_space<vmem>>) offsets(%dma_start3A_16 : memref<128xi32, #tpu.memory_space<vmem>>) semaphore(%arg10 : memref<!tpu.dma_semaphore, #tpu.memory_space<semaphore_mem>>)
    %dma_start3A_20 = arith.constant 1 : i32
    %dma_start3A_21 = arith.constant 0 : i32
    %dma_start3A_22 = arith.constant 0 : i32
    %dma_start3A_23 = tpu.memref_slice %arg8[%dma_start3A_20, %dma_start3A_21, %dma_start3A_22] : memref<6x128x64xf32, #tpu.memory_space<vmem>> -> memref<1x128x64xf32, #tpu.memory_space<vmem>>
    %dma_start3A_24 = tpu.memref_squeeze %dma_start3A_23 : memref<1x128x64xf32, #tpu.memory_space<vmem>> -> memref<128x64xf32, #tpu.memory_space<vmem>>
    %dma_start3A_25 = arith.constant 128 : i32
    %dma_start3A_26 = tpu.memref_slice %arg6[%dma_start3A_25] : memref<10000xi32, #tpu.memory_space<vmem>> -> memref<128xi32, #tpu.memory_space<vmem>>
    %dma_start3A_27 = arith.constant 0 : i32
    %dma_start3A_28 = arith.constant 0 : i32
    %dma_start3A_29 = tpu.memref_slice %arg2[%dma_start3A_27, %dma_start3A_28] : memref<10000x64xf32, #tpu.memory_space<hbm>> -> memref<10000x64xf32, #tpu.memory_space<hbm>>
    tpu.enqueue_indirect_dma source(%dma_start3A_29 : memref<10000x64xf32, #tpu.memory_space<hbm>>) target(%dma_start3A_24 : memref<128x64xf32, #tpu.memory_space<vmem>>) offsets(%dma_start3A_26 : memref<128xi32, #tpu.memory_space<vmem>>) semaphore(%arg10 : memref<!tpu.dma_semaphore, #tpu.memory_space<semaphore_mem>>)
    %dma_start3A_30 = arith.constant 2 : i32
    %dma_start3A_31 = arith.constant 0 : i32
    %dma_start3A_32 = arith.constant 0 : i32
    %dma_start3A_33 = tpu.memref_slice %arg8[%dma_start3A_30, %dma_start3A_31, %dma_start3A_32] : memref<6x128x64xf32, #tpu.memory_space<vmem>> -> memref<1x128x64xf32, #tpu.memory_space<vmem>>
    %dma_start3A_34 = tpu.memref_squeeze %dma_start3A_33 : memref<1x128x64xf32, #tpu.memory_space<vmem>> -> memref<128x64xf32, #tpu.memory_space<vmem>>
    %dma_start3A_35 = arith.constant 256 : i32
    %dma_start3A_36 = tpu.memref_slice %arg6[%dma_start3A_35] : memref<10000xi32, #tpu.memory_space<vmem>> -> memref<128xi32, #tpu.memory_space<vmem>>
    %dma_start3A_37 = arith.constant 0 : i32
    %dma_start3A_38 = arith.constant 0 : i32
    %dma_start3A_39 = tpu.memref_slice %arg2[%dma_start3A_37, %dma_start3A_38] : memref<10000x64xf32, #tpu.memory_space<hbm>> -> memref<10000x64xf32, #tpu.memory_space<hbm>>
    tpu.enqueue_indirect_dma source(%dma_start3A_39 : memref<10000x64xf32, #tpu.memory_space<hbm>>) target(%dma_start3A_34 : memref<128x64xf32, #tpu.memory_space<vmem>>) offsets(%dma_start3A_36 : memref<128xi32, #tpu.memory_space<vmem>>) semaphore(%arg10 : memref<!tpu.dma_semaphore, #tpu.memory_space<semaphore_mem>>)
    %dma_start3A_40 = arith.constant 3 : i32
    %dma_start3A_41 = arith.constant 0 : i32
    %dma_start3A_42 = arith.constant 0 : i32
    %dma_start3A_43 = tpu.memref_slice %arg8[%dma_start3A_40, %dma_start3A_41, %dma_start3A_42] : memref<6x128x64xf32, #tpu.memory_space<vmem>> -> memref<1x128x64xf32, #tpu.memory_space<vmem>>
    %dma_start3A_44 = tpu.memref_squeeze %dma_start3A_43 : memref<1x128x64xf32, #tpu.memory_space<vmem>> -> memref<128x64xf32, #tpu.memory_space<vmem>>
    %dma_start3A_45 = arith.constant 384 : i32
    %dma_start3A_46 = tpu.memref_slice %arg6[%dma_start3A_45] : memref<10000xi32, #tpu.memory_space<vmem>> -> memref<128xi32, #tpu.memory_space<vmem>>
    %dma_start3A_47 = arith.constant 0 : i32
    %dma_start3A_48 = arith.constant 0 : i32
    %dma_start3A_49 = tpu.memref_slice %arg2[%dma_start3A_47, %dma_start3A_48] : memref<10000x64xf32, #tpu.memory_space<hbm>> -> memref<10000x64xf32, #tpu.memory_space<hbm>>
    tpu.enqueue_indirect_dma source(%dma_start3A_49 : memref<10000x64xf32, #tpu.memory_space<hbm>>) target(%dma_start3A_44 : memref<128x64xf32, #tpu.memory_space<vmem>>) offsets(%dma_start3A_46 : memref<128xi32, #tpu.memory_space<vmem>>) semaphore(%arg10 : memref<!tpu.dma_semaphore, #tpu.memory_space<semaphore_mem>>)
    %scan3A = arith.constant 0 : i32
    %scan3A_50 = arith.constant 0 : i32
    %scan3A_51 = arith.constant 13 : i32
    %scan3A_52 = arith.addi %scan3A_50, %scan3A_51 : i32
    %scan3A_53 = arith.constant 1 : i32
    scf.for %scan3A_102 = %scan3A_50 to %scan3A_52 step %scan3A_53  : i32 {
      %mul3A_103 = arith.constant 6 : i32
      %mul3A_104 = arith.muli %mul3A_103, %scan3A_102 : i32
      %add3A_105 = arith.constant 0 : i32
      %add3A_106 = arith.addi %mul3A_104, %add3A_105 : i32
      %mul3A_107 = arith.constant 128 : i32
      %mul3A_108 = arith.muli %add3A_106, %mul3A_107 : i32
      %dma_wait3A_109 = arith.constant 0 : i32
      %dma_wait3A_110 = arith.constant 0 : i32
      %dma_wait3A_111 = arith.constant 0 : i32
      %dma_wait3A_112 = tpu.memref_slice %arg8[%dma_wait3A_109, %dma_wait3A_110, %dma_wait3A_111] : memref<6x128x64xf32, #tpu.memory_space<vmem>> -> memref<1x128x64xf32, #tpu.memory_space<vmem>>
      %dma_wait3A_113 = tpu.memref_squeeze %dma_wait3A_112 : memref<1x128x64xf32, #tpu.memory_space<vmem>> -> memref<128x64xf32, #tpu.memory_space<vmem>>
      %dma_wait3A_114 = tpu.memref_slice %arg6[%mul3A_108] : memref<10000xi32, #tpu.memory_space<vmem>> -> memref<128xi32, #tpu.memory_space<vmem>>
      %dma_wait3A_115 = arith.constant 0 : i32
      %dma_wait3A_116 = arith.constant 0 : i32
      %dma_wait3A_117 = tpu.memref_slice %arg2[%dma_wait3A_115, %dma_wait3A_116] : memref<10000x64xf32, #tpu.memory_space<hbm>> -> memref<10000x64xf32, #tpu.memory_space<hbm>>
      tpu.wait_indirect_dma semaphore(%arg10 : memref<!tpu.dma_semaphore, #tpu.memory_space<semaphore_mem>>) src(%dma_wait3A_117 : memref<10000x64xf32, #tpu.memory_space<hbm>>) dst(%dma_wait3A_113 : memref<128x64xf32, #tpu.memory_space<vmem>>)
      %mul3A_118 = arith.constant 128 : i32
      %mul3A_119 = arith.muli %add3A_106, %mul3A_118 : i32
      %dma_start3A_120 = arith.constant 0 : i32
      %dma_start3A_121 = arith.constant 0 : i32
      %dma_start3A_122 = arith.constant 0 : i32
      %dma_start3A_123 = tpu.memref_slice %arg8[%dma_start3A_120, %dma_start3A_121, %dma_start3A_122] : memref<6x128x64xf32, #tpu.memory_space<vmem>> -> memref<1x128x64xf32, #tpu.memory_space<vmem>>
      %dma_start3A_124 = tpu.memref_squeeze %dma_start3A_123 : memref<1x128x64xf32, #tpu.memory_space<vmem>> -> memref<128x64xf32, #tpu.memory_space<vmem>>
      %dma_start3A_125 = tpu.memref_slice %arg7[%mul3A_119] : memref<10000xi32, #tpu.memory_space<vmem>> -> memref<128xi32, #tpu.memory_space<vmem>>
      %dma_start3A_126 = arith.constant 0 : i32
      %dma_start3A_127 = arith.constant 0 : i32
      %dma_start3A_128 = tpu.memref_slice %arg9[%dma_start3A_126, %dma_start3A_127] : memref<10240x64xf32, #tpu.memory_space<vmem_shared>> -> memref<10240x64xf32, #tpu.memory_space<vmem_shared>>
      tpu.enqueue_indirect_dma source(%dma_start3A_124 : memref<128x64xf32, #tpu.memory_space<vmem>>) target(%dma_start3A_128 : memref<10240x64xf32, #tpu.memory_space<vmem_shared>>) offsets(%dma_start3A_125 : memref<128xi32, #tpu.memory_space<vmem>>) semaphore(%arg11 : memref<!tpu.dma_semaphore, #tpu.memory_space<semaphore_mem>>) {add = true}
      %ge3A = arith.constant 2 : i32
      %ge3A_129 = arith.cmpi sge, %add3A_106, %ge3A : i32
      %convert_element_type3A = arith.extui %ge3A_129 : i1 to i32
      %cond3A = arith.constant 0 : i32
      %cond3A_130 = arith.cmpi ne, %convert_element_type3A, %cond3A : i32
      scf.if %cond3A_130 {
        %mul3A_327 = arith.constant 128 : i32
        %mul3A_328 = arith.muli %add3A_106, %mul3A_327 : i32
        %dma_wait3A_329 = arith.constant 0 : i32
        %dma_wait3A_330 = arith.constant 0 : i32
        %dma_wait3A_331 = arith.constant 0 : i32
        %dma_wait3A_332 = tpu.memref_slice %arg8[%dma_wait3A_329, %dma_wait3A_330, %dma_wait3A_331] : memref<6x128x64xf32, #tpu.memory_space<vmem>> -> memref<1x128x64xf32, #tpu.memory_space<vmem>>
        %dma_wait3A_333 = tpu.memref_squeeze %dma_wait3A_332 : memref<1x128x64xf32, #tpu.memory_space<vmem>> -> memref<128x64xf32, #tpu.memory_space<vmem>>
        %dma_wait3A_334 = tpu.memref_slice %arg7[%mul3A_328] : memref<10000xi32, #tpu.memory_space<vmem>> -> memref<128xi32, #tpu.memory_space<vmem>>
        %dma_wait3A_335 = arith.constant 0 : i32
        %dma_wait3A_336 = arith.constant 0 : i32
        %dma_wait3A_337 = tpu.memref_slice %arg9[%dma_wait3A_335, %dma_wait3A_336] : memref<10240x64xf32, #tpu.memory_space<vmem_shared>> -> memref<10240x64xf32, #tpu.memory_space<vmem_shared>>
        tpu.wait_indirect_dma semaphore(%arg11 : memref<!tpu.dma_semaphore, #tpu.memory_space<semaphore_mem>>) src(%dma_wait3A_333 : memref<128x64xf32, #tpu.memory_space<vmem>>) dst(%dma_wait3A_337 : memref<10240x64xf32, #tpu.memory_space<vmem_shared>>)
      } else {
      }
      %add3A_131 = arith.constant 4 : i32
      %add3A_132 = arith.addi %add3A_106, %add3A_131 : i32
      %lt3A = arith.constant 78 : i32
      %lt3A_133 = arith.cmpi slt, %add3A_132, %lt3A : i32
      %convert_element_type3A_134 = arith.extui %lt3A_133 : i1 to i32
      %cond3A_135 = arith.constant 0 : i32
      %cond3A_136 = arith.cmpi ne, %convert_element_type3A_134, %cond3A_135 : i32
      scf.if %cond3A_136 {
        %add3A_327 = arith.constant 4 : i32
        %add3A_328 = arith.addi %add3A_106, %add3A_327 : i32
        %mul3A_329 = arith.constant 128 : i32
        %mul3A_330 = arith.muli %add3A_328, %mul3A_329 : i32
        %dma_start3A_331 = arith.constant 4 : i32
        %dma_start3A_332 = arith.constant 0 : i32
        %dma_start3A_333 = arith.constant 0 : i32
        %dma_start3A_334 = tpu.memref_slice %arg8[%dma_start3A_331, %dma_start3A_332, %dma_start3A_333] : memref<6x128x64xf32, #tpu.memory_space<vmem>> -> memref<1x128x64xf32, #tpu.memory_space<vmem>>
        %dma_start3A_335 = tpu.memref_squeeze %dma_start3A_334 : memref<1x128x64xf32, #tpu.memory_space<vmem>> -> memref<128x64xf32, #tpu.memory_space<vmem>>
        %dma_start3A_336 = tpu.memref_slice %arg6[%mul3A_330] : memref<10000xi32, #tpu.memory_space<vmem>> -> memref<128xi32, #tpu.memory_space<vmem>>
        %dma_start3A_337 = arith.constant 0 : i32
        %dma_start3A_338 = arith.constant 0 : i32
        %dma_start3A_339 = tpu.memref_slice %arg2[%dma_start3A_337, %dma_start3A_338] : memref<10000x64xf32, #tpu.memory_space<hbm>> -> memref<10000x64xf32, #tpu.memory_space<hbm>>
        tpu.enqueue_indirect_dma source(%dma_start3A_339 : memref<10000x64xf32, #tpu.memory_space<hbm>>) target(%dma_start3A_335 : memref<128x64xf32, #tpu.memory_space<vmem>>) offsets(%dma_start3A_336 : memref<128xi32, #tpu.memory_space<vmem>>) semaphore(%arg10 : memref<!tpu.dma_semaphore, #tpu.memory_space<semaphore_mem>>)
      } else {
      }
      %mul3A_137 = arith.constant 6 : i32
      %mul3A_138 = arith.muli %mul3A_137, %scan3A_102 : i32
      %add3A_139 = arith.constant 1 : i32
      %add3A_140 = arith.addi %mul3A_138, %add3A_139 : i32
      %mul3A_141 = arith.constant 128 : i32
      %mul3A_142 = arith.muli %add3A_140, %mul3A_141 : i32
      %dma_wait3A_143 = arith.constant 1 : i32
      %dma_wait3A_144 = arith.constant 0 : i32
      %dma_wait3A_145 = arith.constant 0 : i32
      %dma_wait3A_146 = tpu.memref_slice %arg8[%dma_wait3A_143, %dma_wait3A_144, %dma_wait3A_145] : memref<6x128x64xf32, #tpu.memory_space<vmem>> -> memref<1x128x64xf32, #tpu.memory_space<vmem>>
      %dma_wait3A_147 = tpu.memref_squeeze %dma_wait3A_146 : memref<1x128x64xf32, #tpu.memory_space<vmem>> -> memref<128x64xf32, #tpu.memory_space<vmem>>
      %dma_wait3A_148 = tpu.memref_slice %arg6[%mul3A_142] : memref<10000xi32, #tpu.memory_space<vmem>> -> memref<128xi32, #tpu.memory_space<vmem>>
      %dma_wait3A_149 = arith.constant 0 : i32
      %dma_wait3A_150 = arith.constant 0 : i32
      %dma_wait3A_151 = tpu.memref_slice %arg2[%dma_wait3A_149, %dma_wait3A_150] : memref<10000x64xf32, #tpu.memory_space<hbm>> -> memref<10000x64xf32, #tpu.memory_space<hbm>>
      tpu.wait_indirect_dma semaphore(%arg10 : memref<!tpu.dma_semaphore, #tpu.memory_space<semaphore_mem>>) src(%dma_wait3A_151 : memref<10000x64xf32, #tpu.memory_space<hbm>>) dst(%dma_wait3A_147 : memref<128x64xf32, #tpu.memory_space<vmem>>)
      %mul3A_152 = arith.constant 128 : i32
      %mul3A_153 = arith.muli %add3A_140, %mul3A_152 : i32
      %dma_start3A_154 = arith.constant 1 : i32
      %dma_start3A_155 = arith.constant 0 : i32
      %dma_start3A_156 = arith.constant 0 : i32
      %dma_start3A_157 = tpu.memref_slice %arg8[%dma_start3A_154, %dma_start3A_155, %dma_start3A_156] : memref<6x128x64xf32, #tpu.memory_space<vmem>> -> memref<1x128x64xf32, #tpu.memory_space<vmem>>
      %dma_start3A_158 = tpu.memref_squeeze %dma_start3A_157 : memref<1x128x64xf32, #tpu.memory_space<vmem>> -> memref<128x64xf32, #tpu.memory_space<vmem>>
      %dma_start3A_159 = tpu.memref_slice %arg7[%mul3A_153] : memref<10000xi32, #tpu.memory_space<vmem>> -> memref<128xi32, #tpu.memory_space<vmem>>
      %dma_start3A_160 = arith.constant 0 : i32
      %dma_start3A_161 = arith.constant 0 : i32
      %dma_start3A_162 = tpu.memref_slice %arg9[%dma_start3A_160, %dma_start3A_161] : memref<10240x64xf32, #tpu.memory_space<vmem_shared>> -> memref<10240x64xf32, #tpu.memory_space<vmem_shared>>
      tpu.enqueue_indirect_dma source(%dma_start3A_158 : memref<128x64xf32, #tpu.memory_space<vmem>>) target(%dma_start3A_162 : memref<10240x64xf32, #tpu.memory_space<vmem_shared>>) offsets(%dma_start3A_159 : memref<128xi32, #tpu.memory_space<vmem>>) semaphore(%arg11 : memref<!tpu.dma_semaphore, #tpu.memory_space<semaphore_mem>>) {add = true}
      %ge3A_163 = arith.constant 2 : i32
      %ge3A_164 = arith.cmpi sge, %add3A_140, %ge3A_163 : i32
      %convert_element_type3A_165 = arith.extui %ge3A_164 : i1 to i32
      %cond3A_166 = arith.constant 0 : i32
      %cond3A_167 = arith.cmpi ne, %convert_element_type3A_165, %cond3A_166 : i32
      scf.if %cond3A_167 {
        %mul3A_327 = arith.constant 128 : i32
        %mul3A_328 = arith.muli %add3A_140, %mul3A_327 : i32
        %dma_wait3A_329 = arith.constant 1 : i32
        %dma_wait3A_330 = arith.constant 0 : i32
        %dma_wait3A_331 = arith.constant 0 : i32
        %dma_wait3A_332 = tpu.memref_slice %arg8[%dma_wait3A_329, %dma_wait3A_330, %dma_wait3A_331] : memref<6x128x64xf32, #tpu.memory_space<vmem>> -> memref<1x128x64xf32, #tpu.memory_space<vmem>>
        %dma_wait3A_333 = tpu.memref_squeeze %dma_wait3A_332 : memref<1x128x64xf32, #tpu.memory_space<vmem>> -> memref<128x64xf32, #tpu.memory_space<vmem>>
        %dma_wait3A_334 = tpu.memref_slice %arg7[%mul3A_328] : memref<10000xi32, #tpu.memory_space<vmem>> -> memref<128xi32, #tpu.memory_space<vmem>>
        %dma_wait3A_335 = arith.constant 0 : i32
        %dma_wait3A_336 = arith.constant 0 : i32
        %dma_wait3A_337 = tpu.memref_slice %arg9[%dma_wait3A_335, %dma_wait3A_336] : memref<10240x64xf32, #tpu.memory_space<vmem_shared>> -> memref<10240x64xf32, #tpu.memory_space<vmem_shared>>
        tpu.wait_indirect_dma semaphore(%arg11 : memref<!tpu.dma_semaphore, #tpu.memory_space<semaphore_mem>>) src(%dma_wait3A_333 : memref<128x64xf32, #tpu.memory_space<vmem>>) dst(%dma_wait3A_337 : memref<10240x64xf32, #tpu.memory_space<vmem_shared>>)
      } else {
      }
      %add3A_168 = arith.constant 4 : i32
      %add3A_169 = arith.addi %add3A_140, %add3A_168 : i32
      %lt3A_170 = arith.constant 78 : i32
      %lt3A_171 = arith.cmpi slt, %add3A_169, %lt3A_170 : i32
      %convert_element_type3A_172 = arith.extui %lt3A_171 : i1 to i32
      %cond3A_173 = arith.constant 0 : i32
      %cond3A_174 = arith.cmpi ne, %convert_element_type3A_172, %cond3A_173 : i32
      scf.if %cond3A_174 {
        %add3A_327 = arith.constant 4 : i32
        %add3A_328 = arith.addi %add3A_140, %add3A_327 : i32
        %mul3A_329 = arith.constant 128 : i32
        %mul3A_330 = arith.muli %add3A_328, %mul3A_329 : i32
        %dma_start3A_331 = arith.constant 5 : i32
        %dma_start3A_332 = arith.constant 0 : i32
        %dma_start3A_333 = arith.constant 0 : i32
        %dma_start3A_334 = tpu.memref_slice %arg8[%dma_start3A_331, %dma_start3A_332, %dma_start3A_333] : memref<6x128x64xf32, #tpu.memory_space<vmem>> -> memref<1x128x64xf32, #tpu.memory_space<vmem>>
        %dma_start3A_335 = tpu.memref_squeeze %dma_start3A_334 : memref<1x128x64xf32, #tpu.memory_space<vmem>> -> memref<128x64xf32, #tpu.memory_space<vmem>>
        %dma_start3A_336 = tpu.memref_slice %arg6[%mul3A_330] : memref<10000xi32, #tpu.memory_space<vmem>> -> memref<128xi32, #tpu.memory_space<vmem>>
        %dma_start3A_337 = arith.constant 0 : i32
        %dma_start3A_338 = arith.constant 0 : i32
        %dma_start3A_339 = tpu.memref_slice %arg2[%dma_start3A_337, %dma_start3A_338] : memref<10000x64xf32, #tpu.memory_space<hbm>> -> memref<10000x64xf32, #tpu.memory_space<hbm>>
        tpu.enqueue_indirect_dma source(%dma_start3A_339 : memref<10000x64xf32, #tpu.memory_space<hbm>>) target(%dma_start3A_335 : memref<128x64xf32, #tpu.memory_space<vmem>>) offsets(%dma_start3A_336 : memref<128xi32, #tpu.memory_space<vmem>>) semaphore(%arg10 : memref<!tpu.dma_semaphore, #tpu.memory_space<semaphore_mem>>)
      } else {
      }
      %mul3A_175 = arith.constant 6 : i32
      %mul3A_176 = arith.muli %mul3A_175, %scan3A_102 : i32
      %add3A_177 = arith.constant 2 : i32
      %add3A_178 = arith.addi %mul3A_176, %add3A_177 : i32
      %mul3A_179 = arith.constant 128 : i32
      %mul3A_180 = arith.muli %add3A_178, %mul3A_179 : i32
      %dma_wait3A_181 = arith.constant 2 : i32
      %dma_wait3A_182 = arith.constant 0 : i32
      %dma_wait3A_183 = arith.constant 0 : i32
      %dma_wait3A_184 = tpu.memref_slice %arg8[%dma_wait3A_181, %dma_wait3A_182, %dma_wait3A_183] : memref<6x128x64xf32, #tpu.memory_space<vmem>> -> memref<1x128x64xf32, #tpu.memory_space<vmem>>
      %dma_wait3A_185 = tpu.memref_squeeze %dma_wait3A_184 : memref<1x128x64xf32, #tpu.memory_space<vmem>> -> memref<128x64xf32, #tpu.memory_space<vmem>>
      %dma_wait3A_186 = tpu.memref_slice %arg6[%mul3A_180] : memref<10000xi32, #tpu.memory_space<vmem>> -> memref<128xi32, #tpu.memory_space<vmem>>
      %dma_wait3A_187 = arith.constant 0 : i32
      %dma_wait3A_188 = arith.constant 0 : i32
      %dma_wait3A_189 = tpu.memref_slice %arg2[%dma_wait3A_187, %dma_wait3A_188] : memref<10000x64xf32, #tpu.memory_space<hbm>> -> memref<10000x64xf32, #tpu.memory_space<hbm>>
      tpu.wait_indirect_dma semaphore(%arg10 : memref<!tpu.dma_semaphore, #tpu.memory_space<semaphore_mem>>) src(%dma_wait3A_189 : memref<10000x64xf32, #tpu.memory_space<hbm>>) dst(%dma_wait3A_185 : memref<128x64xf32, #tpu.memory_space<vmem>>)
      %mul3A_190 = arith.constant 128 : i32
      %mul3A_191 = arith.muli %add3A_178, %mul3A_190 : i32
      %dma_start3A_192 = arith.constant 2 : i32
      %dma_start3A_193 = arith.constant 0 : i32
      %dma_start3A_194 = arith.constant 0 : i32
      %dma_start3A_195 = tpu.memref_slice %arg8[%dma_start3A_192, %dma_start3A_193, %dma_start3A_194] : memref<6x128x64xf32, #tpu.memory_space<vmem>> -> memref<1x128x64xf32, #tpu.memory_space<vmem>>
      %dma_start3A_196 = tpu.memref_squeeze %dma_start3A_195 : memref<1x128x64xf32, #tpu.memory_space<vmem>> -> memref<128x64xf32, #tpu.memory_space<vmem>>
      %dma_start3A_197 = tpu.memref_slice %arg7[%mul3A_191] : memref<10000xi32, #tpu.memory_space<vmem>> -> memref<128xi32, #tpu.memory_space<vmem>>
      %dma_start3A_198 = arith.constant 0 : i32
      %dma_start3A_199 = arith.constant 0 : i32
      %dma_start3A_200 = tpu.memref_slice %arg9[%dma_start3A_198, %dma_start3A_199] : memref<10240x64xf32, #tpu.memory_space<vmem_shared>> -> memref<10240x64xf32, #tpu.memory_space<vmem_shared>>
      tpu.enqueue_indirect_dma source(%dma_start3A_196 : memref<128x64xf32, #tpu.memory_space<vmem>>) target(%dma_start3A_200 : memref<10240x64xf32, #tpu.memory_space<vmem_shared>>) offsets(%dma_start3A_197 : memref<128xi32, #tpu.memory_space<vmem>>) semaphore(%arg11 : memref<!tpu.dma_semaphore, #tpu.memory_space<semaphore_mem>>) {add = true}
      %ge3A_201 = arith.constant 2 : i32
      %ge3A_202 = arith.cmpi sge, %add3A_178, %ge3A_201 : i32
      %convert_element_type3A_203 = arith.extui %ge3A_202 : i1 to i32
      %cond3A_204 = arith.constant 0 : i32
      %cond3A_205 = arith.cmpi ne, %convert_element_type3A_203, %cond3A_204 : i32
      scf.if %cond3A_205 {
        %mul3A_327 = arith.constant 128 : i32
        %mul3A_328 = arith.muli %add3A_178, %mul3A_327 : i32
        %dma_wait3A_329 = arith.constant 2 : i32
        %dma_wait3A_330 = arith.constant 0 : i32
        %dma_wait3A_331 = arith.constant 0 : i32
        %dma_wait3A_332 = tpu.memref_slice %arg8[%dma_wait3A_329, %dma_wait3A_330, %dma_wait3A_331] : memref<6x128x64xf32, #tpu.memory_space<vmem>> -> memref<1x128x64xf32, #tpu.memory_space<vmem>>
        %dma_wait3A_333 = tpu.memref_squeeze %dma_wait3A_332 : memref<1x128x64xf32, #tpu.memory_space<vmem>> -> memref<128x64xf32, #tpu.memory_space<vmem>>
        %dma_wait3A_334 = tpu.memref_slice %arg7[%mul3A_328] : memref<10000xi32, #tpu.memory_space<vmem>> -> memref<128xi32, #tpu.memory_space<vmem>>
        %dma_wait3A_335 = arith.constant 0 : i32
        %dma_wait3A_336 = arith.constant 0 : i32
        %dma_wait3A_337 = tpu.memref_slice %arg9[%dma_wait3A_335, %dma_wait3A_336] : memref<10240x64xf32, #tpu.memory_space<vmem_shared>> -> memref<10240x64xf32, #tpu.memory_space<vmem_shared>>
        tpu.wait_indirect_dma semaphore(%arg11 : memref<!tpu.dma_semaphore, #tpu.memory_space<semaphore_mem>>) src(%dma_wait3A_333 : memref<128x64xf32, #tpu.memory_space<vmem>>) dst(%dma_wait3A_337 : memref<10240x64xf32, #tpu.memory_space<vmem_shared>>)
      } else {
      }
      %add3A_206 = arith.constant 4 : i32
      %add3A_207 = arith.addi %add3A_178, %add3A_206 : i32
      %lt3A_208 = arith.constant 78 : i32
      %lt3A_209 = arith.cmpi slt, %add3A_207, %lt3A_208 : i32
      %convert_element_type3A_210 = arith.extui %lt3A_209 : i1 to i32
      %cond3A_211 = arith.constant 0 : i32
      %cond3A_212 = arith.cmpi ne, %convert_element_type3A_210, %cond3A_211 : i32
      scf.if %cond3A_212 {
        %add3A_327 = arith.constant 4 : i32
        %add3A_328 = arith.addi %add3A_178, %add3A_327 : i32
        %mul3A_329 = arith.constant 128 : i32
        %mul3A_330 = arith.muli %add3A_328, %mul3A_329 : i32
        %dma_start3A_331 = arith.constant 0 : i32
        %dma_start3A_332 = arith.constant 0 : i32
        %dma_start3A_333 = arith.constant 0 : i32
        %dma_start3A_334 = tpu.memref_slice %arg8[%dma_start3A_331, %dma_start3A_332, %dma_start3A_333] : memref<6x128x64xf32, #tpu.memory_space<vmem>> -> memref<1x128x64xf32, #tpu.memory_space<vmem>>
        %dma_start3A_335 = tpu.memref_squeeze %dma_start3A_334 : memref<1x128x64xf32, #tpu.memory_space<vmem>> -> memref<128x64xf32, #tpu.memory_space<vmem>>
        %dma_start3A_336 = tpu.memref_slice %arg6[%mul3A_330] : memref<10000xi32, #tpu.memory_space<vmem>> -> memref<128xi32, #tpu.memory_space<vmem>>
        %dma_start3A_337 = arith.constant 0 : i32
        %dma_start3A_338 = arith.constant 0 : i32
        %dma_start3A_339 = tpu.memref_slice %arg2[%dma_start3A_337, %dma_start3A_338] : memref<10000x64xf32, #tpu.memory_space<hbm>> -> memref<10000x64xf32, #tpu.memory_space<hbm>>
        tpu.enqueue_indirect_dma source(%dma_start3A_339 : memref<10000x64xf32, #tpu.memory_space<hbm>>) target(%dma_start3A_335 : memref<128x64xf32, #tpu.memory_space<vmem>>) offsets(%dma_start3A_336 : memref<128xi32, #tpu.memory_space<vmem>>) semaphore(%arg10 : memref<!tpu.dma_semaphore, #tpu.memory_space<semaphore_mem>>)
      } else {
      }
      %mul3A_213 = arith.constant 6 : i32
      %mul3A_214 = arith.muli %mul3A_213, %scan3A_102 : i32
      %add3A_215 = arith.constant 3 : i32
      %add3A_216 = arith.addi %mul3A_214, %add3A_215 : i32
      %mul3A_217 = arith.constant 128 : i32
      %mul3A_218 = arith.muli %add3A_216, %mul3A_217 : i32
      %dma_wait3A_219 = arith.constant 3 : i32
      %dma_wait3A_220 = arith.constant 0 : i32
      %dma_wait3A_221 = arith.constant 0 : i32
      %dma_wait3A_222 = tpu.memref_slice %arg8[%dma_wait3A_219, %dma_wait3A_220, %dma_wait3A_221] : memref<6x128x64xf32, #tpu.memory_space<vmem>> -> memref<1x128x64xf32, #tpu.memory_space<vmem>>
      %dma_wait3A_223 = tpu.memref_squeeze %dma_wait3A_222 : memref<1x128x64xf32, #tpu.memory_space<vmem>> -> memref<128x64xf32, #tpu.memory_space<vmem>>
      %dma_wait3A_224 = tpu.memref_slice %arg6[%mul3A_218] : memref<10000xi32, #tpu.memory_space<vmem>> -> memref<128xi32, #tpu.memory_space<vmem>>
      %dma_wait3A_225 = arith.constant 0 : i32
      %dma_wait3A_226 = arith.constant 0 : i32
      %dma_wait3A_227 = tpu.memref_slice %arg2[%dma_wait3A_225, %dma_wait3A_226] : memref<10000x64xf32, #tpu.memory_space<hbm>> -> memref<10000x64xf32, #tpu.memory_space<hbm>>
      tpu.wait_indirect_dma semaphore(%arg10 : memref<!tpu.dma_semaphore, #tpu.memory_space<semaphore_mem>>) src(%dma_wait3A_227 : memref<10000x64xf32, #tpu.memory_space<hbm>>) dst(%dma_wait3A_223 : memref<128x64xf32, #tpu.memory_space<vmem>>)
      %mul3A_228 = arith.constant 128 : i32
      %mul3A_229 = arith.muli %add3A_216, %mul3A_228 : i32
      %dma_start3A_230 = arith.constant 3 : i32
      %dma_start3A_231 = arith.constant 0 : i32
      %dma_start3A_232 = arith.constant 0 : i32
      %dma_start3A_233 = tpu.memref_slice %arg8[%dma_start3A_230, %dma_start3A_231, %dma_start3A_232] : memref<6x128x64xf32, #tpu.memory_space<vmem>> -> memref<1x128x64xf32, #tpu.memory_space<vmem>>
      %dma_start3A_234 = tpu.memref_squeeze %dma_start3A_233 : memref<1x128x64xf32, #tpu.memory_space<vmem>> -> memref<128x64xf32, #tpu.memory_space<vmem>>
      %dma_start3A_235 = tpu.memref_slice %arg7[%mul3A_229] : memref<10000xi32, #tpu.memory_space<vmem>> -> memref<128xi32, #tpu.memory_space<vmem>>
      %dma_start3A_236 = arith.constant 0 : i32
      %dma_start3A_237 = arith.constant 0 : i32
      %dma_start3A_238 = tpu.memref_slice %arg9[%dma_start3A_236, %dma_start3A_237] : memref<10240x64xf32, #tpu.memory_space<vmem_shared>> -> memref<10240x64xf32, #tpu.memory_space<vmem_shared>>
      tpu.enqueue_indirect_dma source(%dma_start3A_234 : memref<128x64xf32, #tpu.memory_space<vmem>>) target(%dma_start3A_238 : memref<10240x64xf32, #tpu.memory_space<vmem_shared>>) offsets(%dma_start3A_235 : memref<128xi32, #tpu.memory_space<vmem>>) semaphore(%arg11 : memref<!tpu.dma_semaphore, #tpu.memory_space<semaphore_mem>>) {add = true}
      %ge3A_239 = arith.constant 2 : i32
      %ge3A_240 = arith.cmpi sge, %add3A_216, %ge3A_239 : i32
      %convert_element_type3A_241 = arith.extui %ge3A_240 : i1 to i32
      %cond3A_242 = arith.constant 0 : i32
      %cond3A_243 = arith.cmpi ne, %convert_element_type3A_241, %cond3A_242 : i32
      scf.if %cond3A_243 {
        %mul3A_327 = arith.constant 128 : i32
        %mul3A_328 = arith.muli %add3A_216, %mul3A_327 : i32
        %dma_wait3A_329 = arith.constant 3 : i32
        %dma_wait3A_330 = arith.constant 0 : i32
        %dma_wait3A_331 = arith.constant 0 : i32
        %dma_wait3A_332 = tpu.memref_slice %arg8[%dma_wait3A_329, %dma_wait3A_330, %dma_wait3A_331] : memref<6x128x64xf32, #tpu.memory_space<vmem>> -> memref<1x128x64xf32, #tpu.memory_space<vmem>>
        %dma_wait3A_333 = tpu.memref_squeeze %dma_wait3A_332 : memref<1x128x64xf32, #tpu.memory_space<vmem>> -> memref<128x64xf32, #tpu.memory_space<vmem>>
        %dma_wait3A_334 = tpu.memref_slice %arg7[%mul3A_328] : memref<10000xi32, #tpu.memory_space<vmem>> -> memref<128xi32, #tpu.memory_space<vmem>>
        %dma_wait3A_335 = arith.constant 0 : i32
        %dma_wait3A_336 = arith.constant 0 : i32
        %dma_wait3A_337 = tpu.memref_slice %arg9[%dma_wait3A_335, %dma_wait3A_336] : memref<10240x64xf32, #tpu.memory_space<vmem_shared>> -> memref<10240x64xf32, #tpu.memory_space<vmem_shared>>
        tpu.wait_indirect_dma semaphore(%arg11 : memref<!tpu.dma_semaphore, #tpu.memory_space<semaphore_mem>>) src(%dma_wait3A_333 : memref<128x64xf32, #tpu.memory_space<vmem>>) dst(%dma_wait3A_337 : memref<10240x64xf32, #tpu.memory_space<vmem_shared>>)
      } else {
      }
      %add3A_244 = arith.constant 4 : i32
      %add3A_245 = arith.addi %add3A_216, %add3A_244 : i32
      %lt3A_246 = arith.constant 78 : i32
      %lt3A_247 = arith.cmpi slt, %add3A_245, %lt3A_246 : i32
      %convert_element_type3A_248 = arith.extui %lt3A_247 : i1 to i32
      %cond3A_249 = arith.constant 0 : i32
      %cond3A_250 = arith.cmpi ne, %convert_element_type3A_248, %cond3A_249 : i32
      scf.if %cond3A_250 {
        %add3A_327 = arith.constant 4 : i32
        %add3A_328 = arith.addi %add3A_216, %add3A_327 : i32
        %mul3A_329 = arith.constant 128 : i32
        %mul3A_330 = arith.muli %add3A_328, %mul3A_329 : i32
        %dma_start3A_331 = arith.constant 1 : i32
        %dma_start3A_332 = arith.constant 0 : i32
        %dma_start3A_333 = arith.constant 0 : i32
        %dma_start3A_334 = tpu.memref_slice %arg8[%dma_start3A_331, %dma_start3A_332, %dma_start3A_333] : memref<6x128x64xf32, #tpu.memory_space<vmem>> -> memref<1x128x64xf32, #tpu.memory_space<vmem>>
        %dma_start3A_335 = tpu.memref_squeeze %dma_start3A_334 : memref<1x128x64xf32, #tpu.memory_space<vmem>> -> memref<128x64xf32, #tpu.memory_space<vmem>>
        %dma_start3A_336 = tpu.memref_slice %arg6[%mul3A_330] : memref<10000xi32, #tpu.memory_space<vmem>> -> memref<128xi32, #tpu.memory_space<vmem>>
        %dma_start3A_337 = arith.constant 0 : i32
        %dma_start3A_338 = arith.constant 0 : i32
        %dma_start3A_339 = tpu.memref_slice %arg2[%dma_start3A_337, %dma_start3A_338] : memref<10000x64xf32, #tpu.memory_space<hbm>> -> memref<10000x64xf32, #tpu.memory_space<hbm>>
        tpu.enqueue_indirect_dma source(%dma_start3A_339 : memref<10000x64xf32, #tpu.memory_space<hbm>>) target(%dma_start3A_335 : memref<128x64xf32, #tpu.memory_space<vmem>>) offsets(%dma_start3A_336 : memref<128xi32, #tpu.memory_space<vmem>>) semaphore(%arg10 : memref<!tpu.dma_semaphore, #tpu.memory_space<semaphore_mem>>)
      } else {
      }
      %mul3A_251 = arith.constant 6 : i32
      %mul3A_252 = arith.muli %mul3A_251, %scan3A_102 : i32
      %add3A_253 = arith.constant 4 : i32
      %add3A_254 = arith.addi %mul3A_252, %add3A_253 : i32
      %mul3A_255 = arith.constant 128 : i32
      %mul3A_256 = arith.muli %add3A_254, %mul3A_255 : i32
      %dma_wait3A_257 = arith.constant 4 : i32
      %dma_wait3A_258 = arith.constant 0 : i32
      %dma_wait3A_259 = arith.constant 0 : i32
      %dma_wait3A_260 = tpu.memref_slice %arg8[%dma_wait3A_257, %dma_wait3A_258, %dma_wait3A_259] : memref<6x128x64xf32, #tpu.memory_space<vmem>> -> memref<1x128x64xf32, #tpu.memory_space<vmem>>
      %dma_wait3A_261 = tpu.memref_squeeze %dma_wait3A_260 : memref<1x128x64xf32, #tpu.memory_space<vmem>> -> memref<128x64xf32, #tpu.memory_space<vmem>>
      %dma_wait3A_262 = tpu.memref_slice %arg6[%mul3A_256] : memref<10000xi32, #tpu.memory_space<vmem>> -> memref<128xi32, #tpu.memory_space<vmem>>
      %dma_wait3A_263 = arith.constant 0 : i32
      %dma_wait3A_264 = arith.constant 0 : i32
      %dma_wait3A_265 = tpu.memref_slice %arg2[%dma_wait3A_263, %dma_wait3A_264] : memref<10000x64xf32, #tpu.memory_space<hbm>> -> memref<10000x64xf32, #tpu.memory_space<hbm>>
      tpu.wait_indirect_dma semaphore(%arg10 : memref<!tpu.dma_semaphore, #tpu.memory_space<semaphore_mem>>) src(%dma_wait3A_265 : memref<10000x64xf32, #tpu.memory_space<hbm>>) dst(%dma_wait3A_261 : memref<128x64xf32, #tpu.memory_space<vmem>>)
      %mul3A_266 = arith.constant 128 : i32
      %mul3A_267 = arith.muli %add3A_254, %mul3A_266 : i32
      %dma_start3A_268 = arith.constant 4 : i32
      %dma_start3A_269 = arith.constant 0 : i32
      %dma_start3A_270 = arith.constant 0 : i32
      %dma_start3A_271 = tpu.memref_slice %arg8[%dma_start3A_268, %dma_start3A_269, %dma_start3A_270] : memref<6x128x64xf32, #tpu.memory_space<vmem>> -> memref<1x128x64xf32, #tpu.memory_space<vmem>>
      %dma_start3A_272 = tpu.memref_squeeze %dma_start3A_271 : memref<1x128x64xf32, #tpu.memory_space<vmem>> -> memref<128x64xf32, #tpu.memory_space<vmem>>
      %dma_start3A_273 = tpu.memref_slice %arg7[%mul3A_267] : memref<10000xi32, #tpu.memory_space<vmem>> -> memref<128xi32, #tpu.memory_space<vmem>>
      %dma_start3A_274 = arith.constant 0 : i32
      %dma_start3A_275 = arith.constant 0 : i32
      %dma_start3A_276 = tpu.memref_slice %arg9[%dma_start3A_274, %dma_start3A_275] : memref<10240x64xf32, #tpu.memory_space<vmem_shared>> -> memref<10240x64xf32, #tpu.memory_space<vmem_shared>>
      tpu.enqueue_indirect_dma source(%dma_start3A_272 : memref<128x64xf32, #tpu.memory_space<vmem>>) target(%dma_start3A_276 : memref<10240x64xf32, #tpu.memory_space<vmem_shared>>) offsets(%dma_start3A_273 : memref<128xi32, #tpu.memory_space<vmem>>) semaphore(%arg11 : memref<!tpu.dma_semaphore, #tpu.memory_space<semaphore_mem>>) {add = true}
      %ge3A_277 = arith.constant 2 : i32
      %ge3A_278 = arith.cmpi sge, %add3A_254, %ge3A_277 : i32
      %convert_element_type3A_279 = arith.extui %ge3A_278 : i1 to i32
      %cond3A_280 = arith.constant 0 : i32
      %cond3A_281 = arith.cmpi ne, %convert_element_type3A_279, %cond3A_280 : i32
      scf.if %cond3A_281 {
        %mul3A_327 = arith.constant 128 : i32
        %mul3A_328 = arith.muli %add3A_254, %mul3A_327 : i32
        %dma_wait3A_329 = arith.constant 4 : i32
        %dma_wait3A_330 = arith.constant 0 : i32
        %dma_wait3A_331 = arith.constant 0 : i32
        %dma_wait3A_332 = tpu.memref_slice %arg8[%dma_wait3A_329, %dma_wait3A_330, %dma_wait3A_331] : memref<6x128x64xf32, #tpu.memory_space<vmem>> -> memref<1x128x64xf32, #tpu.memory_space<vmem>>
        %dma_wait3A_333 = tpu.memref_squeeze %dma_wait3A_332 : memref<1x128x64xf32, #tpu.memory_space<vmem>> -> memref<128x64xf32, #tpu.memory_space<vmem>>
        %dma_wait3A_334 = tpu.memref_slice %arg7[%mul3A_328] : memref<10000xi32, #tpu.memory_space<vmem>> -> memref<128xi32, #tpu.memory_space<vmem>>
        %dma_wait3A_335 = arith.constant 0 : i32
        %dma_wait3A_336 = arith.constant 0 : i32
        %dma_wait3A_337 = tpu.memref_slice %arg9[%dma_wait3A_335, %dma_wait3A_336] : memref<10240x64xf32, #tpu.memory_space<vmem_shared>> -> memref<10240x64xf32, #tpu.memory_space<vmem_shared>>
        tpu.wait_indirect_dma semaphore(%arg11 : memref<!tpu.dma_semaphore, #tpu.memory_space<semaphore_mem>>) src(%dma_wait3A_333 : memref<128x64xf32, #tpu.memory_space<vmem>>) dst(%dma_wait3A_337 : memref<10240x64xf32, #tpu.memory_space<vmem_shared>>)
      } else {
      }
      %add3A_282 = arith.constant 4 : i32
      %add3A_283 = arith.addi %add3A_254, %add3A_282 : i32
      %lt3A_284 = arith.constant 78 : i32
      %lt3A_285 = arith.cmpi slt, %add3A_283, %lt3A_284 : i32
      %convert_element_type3A_286 = arith.extui %lt3A_285 : i1 to i32
      %cond3A_287 = arith.constant 0 : i32
      %cond3A_288 = arith.cmpi ne, %convert_element_type3A_286, %cond3A_287 : i32
      scf.if %cond3A_288 {
        %add3A_327 = arith.constant 4 : i32
        %add3A_328 = arith.addi %add3A_254, %add3A_327 : i32
        %mul3A_329 = arith.constant 128 : i32
        %mul3A_330 = arith.muli %add3A_328, %mul3A_329 : i32
        %dma_start3A_331 = arith.constant 2 : i32
        %dma_start3A_332 = arith.constant 0 : i32
        %dma_start3A_333 = arith.constant 0 : i32
        %dma_start3A_334 = tpu.memref_slice %arg8[%dma_start3A_331, %dma_start3A_332, %dma_start3A_333] : memref<6x128x64xf32, #tpu.memory_space<vmem>> -> memref<1x128x64xf32, #tpu.memory_space<vmem>>
        %dma_start3A_335 = tpu.memref_squeeze %dma_start3A_334 : memref<1x128x64xf32, #tpu.memory_space<vmem>> -> memref<128x64xf32, #tpu.memory_space<vmem>>
        %dma_start3A_336 = tpu.memref_slice %arg6[%mul3A_330] : memref<10000xi32, #tpu.memory_space<vmem>> -> memref<128xi32, #tpu.memory_space<vmem>>
        %dma_start3A_337 = arith.constant 0 : i32
        %dma_start3A_338 = arith.constant 0 : i32
        %dma_start3A_339 = tpu.memref_slice %arg2[%dma_start3A_337, %dma_start3A_338] : memref<10000x64xf32, #tpu.memory_space<hbm>> -> memref<10000x64xf32, #tpu.memory_space<hbm>>
        tpu.enqueue_indirect_dma source(%dma_start3A_339 : memref<10000x64xf32, #tpu.memory_space<hbm>>) target(%dma_start3A_335 : memref<128x64xf32, #tpu.memory_space<vmem>>) offsets(%dma_start3A_336 : memref<128xi32, #tpu.memory_space<vmem>>) semaphore(%arg10 : memref<!tpu.dma_semaphore, #tpu.memory_space<semaphore_mem>>)
      } else {
      }
      %mul3A_289 = arith.constant 6 : i32
      %mul3A_290 = arith.muli %mul3A_289, %scan3A_102 : i32
      %add3A_291 = arith.constant 5 : i32
      %add3A_292 = arith.addi %mul3A_290, %add3A_291 : i32
      %mul3A_293 = arith.constant 128 : i32
      %mul3A_294 = arith.muli %add3A_292, %mul3A_293 : i32
      %dma_wait3A_295 = arith.constant 5 : i32
      %dma_wait3A_296 = arith.constant 0 : i32
      %dma_wait3A_297 = arith.constant 0 : i32
      %dma_wait3A_298 = tpu.memref_slice %arg8[%dma_wait3A_295, %dma_wait3A_296, %dma_wait3A_297] : memref<6x128x64xf32, #tpu.memory_space<vmem>> -> memref<1x128x64xf32, #tpu.memory_space<vmem>>
      %dma_wait3A_299 = tpu.memref_squeeze %dma_wait3A_298 : memref<1x128x64xf32, #tpu.memory_space<vmem>> -> memref<128x64xf32, #tpu.memory_space<vmem>>
      %dma_wait3A_300 = tpu.memref_slice %arg6[%mul3A_294] : memref<10000xi32, #tpu.memory_space<vmem>> -> memref<128xi32, #tpu.memory_space<vmem>>
      %dma_wait3A_301 = arith.constant 0 : i32
      %dma_wait3A_302 = arith.constant 0 : i32
      %dma_wait3A_303 = tpu.memref_slice %arg2[%dma_wait3A_301, %dma_wait3A_302] : memref<10000x64xf32, #tpu.memory_space<hbm>> -> memref<10000x64xf32, #tpu.memory_space<hbm>>
      tpu.wait_indirect_dma semaphore(%arg10 : memref<!tpu.dma_semaphore, #tpu.memory_space<semaphore_mem>>) src(%dma_wait3A_303 : memref<10000x64xf32, #tpu.memory_space<hbm>>) dst(%dma_wait3A_299 : memref<128x64xf32, #tpu.memory_space<vmem>>)
      %mul3A_304 = arith.constant 128 : i32
      %mul3A_305 = arith.muli %add3A_292, %mul3A_304 : i32
      %dma_start3A_306 = arith.constant 5 : i32
      %dma_start3A_307 = arith.constant 0 : i32
      %dma_start3A_308 = arith.constant 0 : i32
      %dma_start3A_309 = tpu.memref_slice %arg8[%dma_start3A_306, %dma_start3A_307, %dma_start3A_308] : memref<6x128x64xf32, #tpu.memory_space<vmem>> -> memref<1x128x64xf32, #tpu.memory_space<vmem>>
      %dma_start3A_310 = tpu.memref_squeeze %dma_start3A_309 : memref<1x128x64xf32, #tpu.memory_space<vmem>> -> memref<128x64xf32, #tpu.memory_space<vmem>>
      %dma_start3A_311 = tpu.memref_slice %arg7[%mul3A_305] : memref<10000xi32, #tpu.memory_space<vmem>> -> memref<128xi32, #tpu.memory_space<vmem>>
      %dma_start3A_312 = arith.constant 0 : i32
      %dma_start3A_313 = arith.constant 0 : i32
      %dma_start3A_314 = tpu.memref_slice %arg9[%dma_start3A_312, %dma_start3A_313] : memref<10240x64xf32, #tpu.memory_space<vmem_shared>> -> memref<10240x64xf32, #tpu.memory_space<vmem_shared>>
      tpu.enqueue_indirect_dma source(%dma_start3A_310 : memref<128x64xf32, #tpu.memory_space<vmem>>) target(%dma_start3A_314 : memref<10240x64xf32, #tpu.memory_space<vmem_shared>>) offsets(%dma_start3A_311 : memref<128xi32, #tpu.memory_space<vmem>>) semaphore(%arg11 : memref<!tpu.dma_semaphore, #tpu.memory_space<semaphore_mem>>) {add = true}
      %ge3A_315 = arith.constant 2 : i32
      %ge3A_316 = arith.cmpi sge, %add3A_292, %ge3A_315 : i32
      %convert_element_type3A_317 = arith.extui %ge3A_316 : i1 to i32
      %cond3A_318 = arith.constant 0 : i32
      %cond3A_319 = arith.cmpi ne, %convert_element_type3A_317, %cond3A_318 : i32
      scf.if %cond3A_319 {
        %mul3A_327 = arith.constant 128 : i32
        %mul3A_328 = arith.muli %add3A_292, %mul3A_327 : i32
        %dma_wait3A_329 = arith.constant 5 : i32
        %dma_wait3A_330 = arith.constant 0 : i32
        %dma_wait3A_331 = arith.constant 0 : i32
        %dma_wait3A_332 = tpu.memref_slice %arg8[%dma_wait3A_329, %dma_wait3A_330, %dma_wait3A_331] : memref<6x128x64xf32, #tpu.memory_space<vmem>> -> memref<1x128x64xf32, #tpu.memory_space<vmem>>
        %dma_wait3A_333 = tpu.memref_squeeze %dma_wait3A_332 : memref<1x128x64xf32, #tpu.memory_space<vmem>> -> memref<128x64xf32, #tpu.memory_space<vmem>>
        %dma_wait3A_334 = tpu.memref_slice %arg7[%mul3A_328] : memref<10000xi32, #tpu.memory_space<vmem>> -> memref<128xi32, #tpu.memory_space<vmem>>
        %dma_wait3A_335 = arith.constant 0 : i32
        %dma_wait3A_336 = arith.constant 0 : i32
        %dma_wait3A_337 = tpu.memref_slice %arg9[%dma_wait3A_335, %dma_wait3A_336] : memref<10240x64xf32, #tpu.memory_space<vmem_shared>> -> memref<10240x64xf32, #tpu.memory_space<vmem_shared>>
        tpu.wait_indirect_dma semaphore(%arg11 : memref<!tpu.dma_semaphore, #tpu.memory_space<semaphore_mem>>) src(%dma_wait3A_333 : memref<128x64xf32, #tpu.memory_space<vmem>>) dst(%dma_wait3A_337 : memref<10240x64xf32, #tpu.memory_space<vmem_shared>>)
      } else {
      }
      %add3A_320 = arith.constant 4 : i32
      %add3A_321 = arith.addi %add3A_292, %add3A_320 : i32
      %lt3A_322 = arith.constant 78 : i32
      %lt3A_323 = arith.cmpi slt, %add3A_321, %lt3A_322 : i32
      %convert_element_type3A_324 = arith.extui %lt3A_323 : i1 to i32
      %cond3A_325 = arith.constant 0 : i32
      %cond3A_326 = arith.cmpi ne, %convert_element_type3A_324, %cond3A_325 : i32
      scf.if %cond3A_326 {
        %add3A_327 = arith.constant 4 : i32
        %add3A_328 = arith.addi %add3A_292, %add3A_327 : i32
        %mul3A_329 = arith.constant 128 : i32
        %mul3A_330 = arith.muli %add3A_328, %mul3A_329 : i32
        %dma_start3A_331 = arith.constant 3 : i32
        %dma_start3A_332 = arith.constant 0 : i32
        %dma_start3A_333 = arith.constant 0 : i32
        %dma_start3A_334 = tpu.memref_slice %arg8[%dma_start3A_331, %dma_start3A_332, %dma_start3A_333] : memref<6x128x64xf32, #tpu.memory_space<vmem>> -> memref<1x128x64xf32, #tpu.memory_space<vmem>>
        %dma_start3A_335 = tpu.memref_squeeze %dma_start3A_334 : memref<1x128x64xf32, #tpu.memory_space<vmem>> -> memref<128x64xf32, #tpu.memory_space<vmem>>
        %dma_start3A_336 = tpu.memref_slice %arg6[%mul3A_330] : memref<10000xi32, #tpu.memory_space<vmem>> -> memref<128xi32, #tpu.memory_space<vmem>>
        %dma_start3A_337 = arith.constant 0 : i32
        %dma_start3A_338 = arith.constant 0 : i32
        %dma_start3A_339 = tpu.memref_slice %arg2[%dma_start3A_337, %dma_start3A_338] : memref<10000x64xf32, #tpu.memory_space<hbm>> -> memref<10000x64xf32, #tpu.memory_space<hbm>>
        tpu.enqueue_indirect_dma source(%dma_start3A_339 : memref<10000x64xf32, #tpu.memory_space<hbm>>) target(%dma_start3A_335 : memref<128x64xf32, #tpu.memory_space<vmem>>) offsets(%dma_start3A_336 : memref<128xi32, #tpu.memory_space<vmem>>) semaphore(%arg10 : memref<!tpu.dma_semaphore, #tpu.memory_space<semaphore_mem>>)
      } else {
      }
    }
    %scan3A_54 = arith.constant 13 : i32
    %dma_wait3A = arith.constant 0 : i32
    %dma_wait3A_55 = arith.constant 0 : i32
    %dma_wait3A_56 = arith.constant 0 : i32
    %dma_wait3A_57 = tpu.memref_slice %arg8[%dma_wait3A, %dma_wait3A_55, %dma_wait3A_56] : memref<6x128x64xf32, #tpu.memory_space<vmem>> -> memref<1x128x64xf32, #tpu.memory_space<vmem>>
    %dma_wait3A_58 = tpu.memref_squeeze %dma_wait3A_57 : memref<1x128x64xf32, #tpu.memory_space<vmem>> -> memref<128x64xf32, #tpu.memory_space<vmem>>
    %dma_wait3A_59 = arith.constant 0 : i32
    %dma_wait3A_60 = tpu.memref_slice %arg7[%dma_wait3A_59] : memref<10000xi32, #tpu.memory_space<vmem>> -> memref<128xi32, #tpu.memory_space<vmem>>
    %dma_wait3A_61 = arith.constant 0 : i32
    %dma_wait3A_62 = arith.constant 0 : i32
    %dma_wait3A_63 = tpu.memref_slice %arg9[%dma_wait3A_61, %dma_wait3A_62] : memref<10240x64xf32, #tpu.memory_space<vmem_shared>> -> memref<10240x64xf32, #tpu.memory_space<vmem_shared>>
    tpu.wait_indirect_dma semaphore(%arg11 : memref<!tpu.dma_semaphore, #tpu.memory_space<semaphore_mem>>) src(%dma_wait3A_58 : memref<128x64xf32, #tpu.memory_space<vmem>>) dst(%dma_wait3A_63 : memref<10240x64xf32, #tpu.memory_space<vmem_shared>>)
    %dma_wait3A_64 = arith.constant 0 : i32
    %dma_wait3A_65 = arith.constant 0 : i32
    %dma_wait3A_66 = arith.constant 0 : i32
    %dma_wait3A_67 = tpu.memref_slice %arg8[%dma_wait3A_64, %dma_wait3A_65, %dma_wait3A_66] : memref<6x128x64xf32, #tpu.memory_space<vmem>> -> memref<1x128x64xf32, #tpu.memory_space<vmem>>
    %dma_wait3A_68 = tpu.memref_squeeze %dma_wait3A_67 : memref<1x128x64xf32, #tpu.memory_space<vmem>> -> memref<128x64xf32, #tpu.memory_space<vmem>>
    %dma_wait3A_69 = arith.constant 0 : i32
    %dma_wait3A_70 = tpu.memref_slice %arg7[%dma_wait3A_69] : memref<10000xi32, #tpu.memory_space<vmem>> -> memref<128xi32, #tpu.memory_space<vmem>>
    %dma_wait3A_71 = arith.constant 0 : i32
    %dma_wait3A_72 = arith.constant 0 : i32
    %dma_wait3A_73 = tpu.memref_slice %arg9[%dma_wait3A_71, %dma_wait3A_72] : memref<10240x64xf32, #tpu.memory_space<vmem_shared>> -> memref<10240x64xf32, #tpu.memory_space<vmem_shared>>
    tpu.wait_indirect_dma semaphore(%arg11 : memref<!tpu.dma_semaphore, #tpu.memory_space<semaphore_mem>>) src(%dma_wait3A_68 : memref<128x64xf32, #tpu.memory_space<vmem>>) dst(%dma_wait3A_73 : memref<10240x64xf32, #tpu.memory_space<vmem_shared>>)
    %dma_start3A_74 = arith.constant 0 : i32
    %dma_start3A_75 = arith.constant 0 : i32
    %dma_start3A_76 = arith.constant 0 : i32
    %dma_start3A_77 = tpu.memref_slice %arg8[%dma_start3A_74, %dma_start3A_75, %dma_start3A_76] : memref<6x128x64xf32, #tpu.memory_space<vmem>> -> memref<1x16x64xf32, #tpu.memory_space<vmem>>
    %dma_start3A_78 = tpu.memref_squeeze %dma_start3A_77 : memref<1x16x64xf32, #tpu.memory_space<vmem>> -> memref<16x64xf32, #tpu.memory_space<vmem>>
    %dma_start3A_79 = arith.constant 9984 : i32
    %dma_start3A_80 = tpu.memref_slice %arg6[%dma_start3A_79] : memref<10000xi32, #tpu.memory_space<vmem>> -> memref<16xi32, #tpu.memory_space<vmem>>
    %dma_start3A_81 = arith.constant 0 : i32
    %dma_start3A_82 = arith.constant 0 : i32
    %dma_start3A_83 = tpu.memref_slice %arg2[%dma_start3A_81, %dma_start3A_82] : memref<10000x64xf32, #tpu.memory_space<hbm>> -> memref<10000x64xf32, #tpu.memory_space<hbm>>
    tpu.enqueue_indirect_dma source(%dma_start3A_83 : memref<10000x64xf32, #tpu.memory_space<hbm>>) target(%dma_start3A_78 : memref<16x64xf32, #tpu.memory_space<vmem>>) offsets(%dma_start3A_80 : memref<16xi32, #tpu.memory_space<vmem>>) semaphore(%arg10 : memref<!tpu.dma_semaphore, #tpu.memory_space<semaphore_mem>>)
    %dma_wait3A_84 = arith.constant 0 : i32
    %dma_wait3A_85 = arith.constant 0 : i32
    %dma_wait3A_86 = arith.constant 0 : i32
    %dma_wait3A_87 = tpu.memref_slice %arg8[%dma_wait3A_84, %dma_wait3A_85, %dma_wait3A_86] : memref<6x128x64xf32, #tpu.memory_space<vmem>> -> memref<1x16x64xf32, #tpu.memory_space<vmem>>
    %dma_wait3A_88 = tpu.memref_squeeze %dma_wait3A_87 : memref<1x16x64xf32, #tpu.memory_space<vmem>> -> memref<16x64xf32, #tpu.memory_space<vmem>>
    %dma_wait3A_89 = arith.constant 9984 : i32
    %dma_wait3A_90 = tpu.memref_slice %arg6[%dma_wait3A_89] : memref<10000xi32, #tpu.memory_space<vmem>> -> memref<16xi32, #tpu.memory_space<vmem>>
    %dma_wait3A_91 = arith.constant 0 : i32
    %dma_wait3A_92 = arith.constant 0 : i32
    %dma_wait3A_93 = tpu.memref_slice %arg2[%dma_wait3A_91, %dma_wait3A_92] : memref<10000x64xf32, #tpu.memory_space<hbm>> -> memref<10000x64xf32, #tpu.memory_space<hbm>>
    tpu.wait_indirect_dma semaphore(%arg10 : memref<!tpu.dma_semaphore, #tpu.memory_space<semaphore_mem>>) src(%dma_wait3A_93 : memref<10000x64xf32, #tpu.memory_space<hbm>>) dst(%dma_wait3A_88 : memref<16x64xf32, #tpu.memory_space<vmem>>)
    %run_scoped3A = arith.constant 0 : i32
    "tpu.region"() ({
      %run_scoped3A_102 = tpu.sem_alloc : memref<!tpu.dma_semaphore, #tpu.memory_space<semaphore_mem>>
      %dma_start3A_103 = arith.constant 0 : i32
      %dma_start3A_104 = arith.constant 0 : i32
      %dma_start3A_105 = tpu.memref_slice %arg8[%run_scoped3A, %dma_start3A_103, %dma_start3A_104] : memref<6x128x64xf32, #tpu.memory_space<vmem>> -> memref<1x16x64xf32, #tpu.memory_space<vmem>>
      %dma_start3A_106 = tpu.memref_squeeze %dma_start3A_105 : memref<1x16x64xf32, #tpu.memory_space<vmem>> -> memref<16x64xf32, #tpu.memory_space<vmem>>
      %dma_start3A_107 = arith.constant 9984 : i32
      %dma_start3A_108 = tpu.memref_slice %arg7[%dma_start3A_107] : memref<10000xi32, #tpu.memory_space<vmem>> -> memref<16xi32, #tpu.memory_space<vmem>>
      %dma_start3A_109 = arith.constant 0 : i32
      %dma_start3A_110 = arith.constant 0 : i32
      %dma_start3A_111 = tpu.memref_slice %arg9[%dma_start3A_109, %dma_start3A_110] : memref<10240x64xf32, #tpu.memory_space<vmem_shared>> -> memref<10240x64xf32, #tpu.memory_space<vmem_shared>>
      tpu.enqueue_indirect_dma source(%dma_start3A_106 : memref<16x64xf32, #tpu.memory_space<vmem>>) target(%dma_start3A_111 : memref<10240x64xf32, #tpu.memory_space<vmem_shared>>) offsets(%dma_start3A_108 : memref<16xi32, #tpu.memory_space<vmem>>) semaphore(%run_scoped3A_102 : memref<!tpu.dma_semaphore, #tpu.memory_space<semaphore_mem>>) {add = true}
      %dma_wait3A_112 = arith.constant 0 : i32
      %dma_wait3A_113 = arith.constant 0 : i32
      %dma_wait3A_114 = tpu.memref_slice %arg8[%run_scoped3A, %dma_wait3A_112, %dma_wait3A_113] : memref<6x128x64xf32, #tpu.memory_space<vmem>> -> memref<1x16x64xf32, #tpu.memory_space<vmem>>
      %dma_wait3A_115 = tpu.memref_squeeze %dma_wait3A_114 : memref<1x16x64xf32, #tpu.memory_space<vmem>> -> memref<16x64xf32, #tpu.memory_space<vmem>>
      %dma_wait3A_116 = arith.constant 9984 : i32
      %dma_wait3A_117 = tpu.memref_slice %arg7[%dma_wait3A_116] : memref<10000xi32, #tpu.memory_space<vmem>> -> memref<16xi32, #tpu.memory_space<vmem>>
      %dma_wait3A_118 = arith.constant 0 : i32
      %dma_wait3A_119 = arith.constant 0 : i32
      %dma_wait3A_120 = tpu.memref_slice %arg9[%dma_wait3A_118, %dma_wait3A_119] : memref<10240x64xf32, #tpu.memory_space<vmem_shared>> -> memref<10240x64xf32, #tpu.memory_space<vmem_shared>>
      tpu.wait_indirect_dma semaphore(%run_scoped3A_102 : memref<!tpu.dma_semaphore, #tpu.memory_space<semaphore_mem>>) src(%dma_wait3A_115 : memref<16x64xf32, #tpu.memory_space<vmem>>) dst(%dma_wait3A_120 : memref<10240x64xf32, #tpu.memory_space<vmem_shared>>)
      tpu.yield
    }) : () -> ()
    %barrier3A_94 = arith.constant 0 : index
    tpu.barrier barrier_id(%barrier3A_94)
    %mul3A_95 = arith.constant 640 : i32
    %mul3A_96 = arith.muli %arg1, %mul3A_95 : i32
    %mul3A_97 = arith.constant 10240 : i32
    %mul3A_98 = arith.muli %arg0, %mul3A_97 : i32
    %mul3A_99 = arith.constant 640 : i32
    %mul3A_100 = arith.muli %arg1, %mul3A_99 : i32
    %add3A_101 = arith.addi %mul3A_98, %mul3A_100 : i32
    "tpu.region"() ({
      %run_scoped3A_102 = tpu.sem_alloc : memref<!tpu.dma_semaphore, #tpu.memory_space<semaphore_mem>>
      %dma_start3A_103 = arith.constant 0 : i32
      %dma_start3A_104 = tpu.memref_slice %arg5[%add3A_101, %dma_start3A_103] : memref<20480x64xf32, #tpu.memory_space<hbm>> -> memref<640x64xf32, #tpu.memory_space<hbm>>
      %dma_start3A_105 = arith.constant 0 : i32
      %dma_start3A_106 = tpu.memref_slice %arg9[%mul3A_96, %dma_start3A_105] : memref<10240x64xf32, #tpu.memory_space<vmem_shared>> -> memref<640x64xf32, #tpu.memory_space<vmem_shared>>
      tpu.enqueue_dma source(%dma_start3A_106 : memref<640x64xf32, #tpu.memory_space<vmem_shared>>) target(%dma_start3A_104 : memref<640x64xf32, #tpu.memory_space<hbm>>) target_semaphore(%run_scoped3A_102 : memref<!tpu.dma_semaphore, #tpu.memory_space<semaphore_mem>>)
      %dma_wait3A_107 = arith.constant 0 : i32
      %dma_wait3A_108 = tpu.memref_slice %arg5[%add3A_101, %dma_wait3A_107] : memref<20480x64xf32, #tpu.memory_space<hbm>> -> memref<640x64xf32, #tpu.memory_space<hbm>>
      %dma_wait3A_109 = arith.constant 0 : i32
      %dma_wait3A_110 = tpu.memref_slice %arg9[%mul3A_96, %dma_wait3A_109] : memref<10240x64xf32, #tpu.memory_space<vmem_shared>> -> memref<640x64xf32, #tpu.memory_space<vmem_shared>>
      tpu.wait_dma2 semaphore(%run_scoped3A_102 : memref<!tpu.dma_semaphore, #tpu.memory_space<semaphore_mem>>) src(%dma_wait3A_110 : memref<640x64xf32, #tpu.memory_space<vmem_shared>>) dst(%dma_wait3A_108 : memref<640x64xf32, #tpu.memory_space<hbm>>)
      tpu.yield
    }) : () -> ()
    return
  }
}

#map = affine_map<(d0, d1) -> (0, 0)>
#map1 = affine_map<(d0, d1) -> (0)>
module attributes {stable_mosaic.version = 14 : i64} {
  func.func @_sc_segsum(%arg0: i32, %arg1: i32, %arg2: memref<10000x64xf32, #tpu.memory_space<hbm>>, %arg3: memref<640000xi32, #tpu.memory_space<hbm>>, %arg4: memref<10240x64xf32, #tpu.memory_space<hbm>>, %arg5: memref<20480x64xf32, #tpu.memory_space<hbm>>, %arg6: memref<10000xi32, #tpu.memory_space<vmem>>, %arg7: memref<10000xi32, #tpu.memory_space<vmem>>, %arg8: memref<6x128x64xf32, #tpu.memory_space<vmem>>, %arg9: memref<10240x64xf32, #tpu.memory_space<vmem_shared>>, %arg10: memref<!tpu.dma_semaphore, #tpu.memory_space<semaphore_mem>>, %arg11: memref<!tpu.dma_semaphore, #tpu.memory_space<semaphore_mem>>) attributes {dimension_semantics = [#tpu.dimension_semantics<core_parallel>, #tpu.dimension_semantics<subcore_parallel>], iteration_bounds = array<i64: 2, 16>, scalar_prefetch = 0 : i64, scratch_operands = 6 : i64, tpu.core_type = #tpu.core_type<sc_vector_subcore>, window_params = [{transform_indices = #map}, {transform_indices = #map1}, {transform_indices = #map}, {transform_indices = #map}]} {
    %mul3A = arith.constant 16 : i32
    %mul3A_0 = arith.muli %arg0, %mul3A : i32
    %add3A = arith.addi %mul3A_0, %arg1 : i32
    %mul3A_1 = arith.constant 640 : i32
    %mul3A_2 = arith.muli %arg1, %mul3A_1 : i32
    %mul3A_3 = arith.constant 640 : i32
    %mul3A_4 = arith.muli %arg1, %mul3A_3 : i32
    "tpu.region"() ({
      %run_scoped3A_102 = tpu.sem_alloc : memref<!tpu.dma_semaphore, #tpu.memory_space<semaphore_mem>>
      %dma_start3A_103 = arith.constant 0 : i32
      %dma_start3A_104 = tpu.memref_slice %arg9[%mul3A_4, %dma_start3A_103] : memref<10240x64xf32, #tpu.memory_space<vmem_shared>> -> memref<640x64xf32, #tpu.memory_space<vmem_shared>>
      %dma_start3A_105 = arith.constant 0 : i32
      %dma_start3A_106 = tpu.memref_slice %arg4[%mul3A_2, %dma_start3A_105] : memref<10240x64xf32, #tpu.memory_space<hbm>> -> memref<640x64xf32, #tpu.memory_space<hbm>>
      tpu.enqueue_dma source(%dma_start3A_106 : memref<640x64xf32, #tpu.memory_space<hbm>>) target(%dma_start3A_104 : memref<640x64xf32, #tpu.memory_space<vmem_shared>>) target_semaphore(%run_scoped3A_102 : memref<!tpu.dma_semaphore, #tpu.memory_space<semaphore_mem>>)
      %dma_wait3A_107 = arith.constant 0 : i32
      %dma_wait3A_108 = tpu.memref_slice %arg9[%mul3A_4, %dma_wait3A_107] : memref<10240x64xf32, #tpu.memory_space<vmem_shared>> -> memref<640x64xf32, #tpu.memory_space<vmem_shared>>
      %dma_wait3A_109 = arith.constant 0 : i32
      %dma_wait3A_110 = tpu.memref_slice %arg4[%mul3A_2, %dma_wait3A_109] : memref<10240x64xf32, #tpu.memory_space<hbm>> -> memref<640x64xf32, #tpu.memory_space<hbm>>
      tpu.wait_dma2 semaphore(%run_scoped3A_102 : memref<!tpu.dma_semaphore, #tpu.memory_space<semaphore_mem>>) src(%dma_wait3A_110 : memref<640x64xf32, #tpu.memory_space<hbm>>) dst(%dma_wait3A_108 : memref<640x64xf32, #tpu.memory_space<vmem_shared>>)
      tpu.yield
    }) : () -> ()
    %mul3A_5 = arith.constant 10000 : i32
    %mul3A_6 = arith.muli %add3A, %mul3A_5 : i32
    "tpu.region"() ({
      %run_scoped3A_102 = tpu.sem_alloc : memref<!tpu.dma_semaphore, #tpu.memory_space<semaphore_mem>>
      %dma_start3A_103 = tpu.memref_slice %arg3[%mul3A_6] : memref<640000xi32, #tpu.memory_space<hbm>> -> memref<10000xi32, #tpu.memory_space<hbm>>
      %dma_start3A_104 = tpu.memref_slice %arg3[%mul3A_6] : memref<640000xi32, #tpu.memory_space<hbm>> -> memref<10000xi32, #tpu.memory_space<hbm>>
      tpu.enqueue_dma source(%dma_start3A_104 : memref<10000xi32, #tpu.memory_space<hbm>>) target(%arg6 : memref<10000xi32, #tpu.memory_space<vmem>>) target_semaphore(%run_scoped3A_102 : memref<!tpu.dma_semaphore, #tpu.memory_space<semaphore_mem>>)
      %dma_wait3A_105 = tpu.memref_slice %arg3[%mul3A_6] : memref<640000xi32, #tpu.memory_space<hbm>> -> memref<10000xi32, #tpu.memory_space<hbm>>
      %dma_wait3A_106 = tpu.memref_slice %arg3[%mul3A_6] : memref<640000xi32, #tpu.memory_space<hbm>> -> memref<10000xi32, #tpu.memory_space<hbm>>
      tpu.wait_dma2 semaphore(%run_scoped3A_102 : memref<!tpu.dma_semaphore, #tpu.memory_space<semaphore_mem>>) src(%dma_wait3A_106 : memref<10000xi32, #tpu.memory_space<hbm>>) dst(%arg6 : memref<10000xi32, #tpu.memory_space<vmem>>)
      tpu.yield
    }) : () -> ()
    %mul3A_7 = arith.constant 10000 : i32
    %mul3A_8 = arith.muli %add3A, %mul3A_7 : i32
    %add3A_9 = arith.constant 320000 : i32
    %add3A_10 = arith.addi %add3A_9, %mul3A_8 : i32
    "tpu.region"() ({
      %run_scoped3A_102 = tpu.sem_alloc : memref<!tpu.dma_semaphore, #tpu.memory_space<semaphore_mem>>
      %dma_start3A_103 = tpu.memref_slice %arg3[%add3A_10] : memref<640000xi32, #tpu.memory_space<hbm>> -> memref<10000xi32, #tpu.memory_space<hbm>>
      %dma_start3A_104 = tpu.memref_slice %arg3[%add3A_10] : memref<640000xi32, #tpu.memory_space<hbm>> -> memref<10000xi32, #tpu.memory_space<hbm>>
      tpu.enqueue_dma source(%dma_start3A_104 : memref<10000xi32, #tpu.memory_space<hbm>>) target(%arg7 : memref<10000xi32, #tpu.memory_space<vmem>>) target_semaphore(%run_scoped3A_102 : memref<!tpu.dma_semaphore, #tpu.memory_space<semaphore_mem>>)
      %dma_wait3A_105 = tpu.memref_slice %arg3[%add3A_10] : memref<640000xi32, #tpu.memory_space<hbm>> -> memref<10000xi32, #tpu.memory_space<hbm>>
      %dma_wait3A_106 = tpu.memref_slice %arg3[%add3A_10] : memref<640000xi32, #tpu.memory_space<hbm>> -> memref<10000xi32, #tpu.memory_space<hbm>>
      tpu.wait_dma2 semaphore(%run_scoped3A_102 : memref<!tpu.dma_semaphore, #tpu.memory_space<semaphore_mem>>) src(%dma_wait3A_106 : memref<10000xi32, #tpu.memory_space<hbm>>) dst(%arg7 : memref<10000xi32, #tpu.memory_space<vmem>>)
      tpu.yield
    }) : () -> ()
    %barrier3A = arith.constant 0 : index
    tpu.barrier barrier_id(%barrier3A)
    %dma_start3A = arith.constant 0 : i32
    %dma_start3A_11 = arith.constant 0 : i32
    %dma_start3A_12 = arith.constant 0 : i32
    %dma_start3A_13 = tpu.memref_slice %arg8[%dma_start3A, %dma_start3A_11, %dma_start3A_12] : memref<6x128x64xf32, #tpu.memory_space<vmem>> -> memref<1x128x64xf32, #tpu.memory_space<vmem>>
    %dma_start3A_14 = tpu.memref_squeeze %dma_start3A_13 : memref<1x128x64xf32, #tpu.memory_space<vmem>> -> memref<128x64xf32, #tpu.memory_space<vmem>>
    %dma_start3A_15 = arith.constant 0 : i32
    %dma_start3A_16 = tpu.memref_slice %arg6[%dma_start3A_15] : memref<10000xi32, #tpu.memory_space<vmem>> -> memref<128xi32, #tpu.memory_space<vmem>>
    %dma_start3A_17 = arith.constant 0 : i32
    %dma_start3A_18 = arith.constant 0 : i32
    %dma_start3A_19 = tpu.memref_slice %arg2[%dma_start3A_17, %dma_start3A_18] : memref<10000x64xf32, #tpu.memory_space<hbm>> -> memref<10000x64xf32, #tpu.memory_space<hbm>>
    tpu.enqueue_indirect_dma source(%dma_start3A_19 : memref<10000x64xf32, #tpu.memory_space<hbm>>) target(%dma_start3A_14 : memref<128x64xf32, #tpu.memory_space<vmem>>) offsets(%dma_start3A_16 : memref<128xi32, #tpu.memory_space<vmem>>) semaphore(%arg10 : memref<!tpu.dma_semaphore, #tpu.memory_space<semaphore_mem>>)
    %dma_start3A_20 = arith.constant 1 : i32
    %dma_start3A_21 = arith.constant 0 : i32
    %dma_start3A_22 = arith.constant 0 : i32
    %dma_start3A_23 = tpu.memref_slice %arg8[%dma_start3A_20, %dma_start3A_21, %dma_start3A_22] : memref<6x128x64xf32, #tpu.memory_space<vmem>> -> memref<1x128x64xf32, #tpu.memory_space<vmem>>
    %dma_start3A_24 = tpu.memref_squeeze %dma_start3A_23 : memref<1x128x64xf32, #tpu.memory_space<vmem>> -> memref<128x64xf32, #tpu.memory_space<vmem>>
    %dma_start3A_25 = arith.constant 128 : i32
    %dma_start3A_26 = tpu.memref_slice %arg6[%dma_start3A_25] : memref<10000xi32, #tpu.memory_space<vmem>> -> memref<128xi32, #tpu.memory_space<vmem>>
    %dma_start3A_27 = arith.constant 0 : i32
    %dma_start3A_28 = arith.constant 0 : i32
    %dma_start3A_29 = tpu.memref_slice %arg2[%dma_start3A_27, %dma_start3A_28] : memref<10000x64xf32, #tpu.memory_space<hbm>> -> memref<10000x64xf32, #tpu.memory_space<hbm>>
    tpu.enqueue_indirect_dma source(%dma_start3A_29 : memref<10000x64xf32, #tpu.memory_space<hbm>>) target(%dma_start3A_24 : memref<128x64xf32, #tpu.memory_space<vmem>>) offsets(%dma_start3A_26 : memref<128xi32, #tpu.memory_space<vmem>>) semaphore(%arg10 : memref<!tpu.dma_semaphore, #tpu.memory_space<semaphore_mem>>)
    %dma_start3A_30 = arith.constant 2 : i32
    %dma_start3A_31 = arith.constant 0 : i32
    %dma_start3A_32 = arith.constant 0 : i32
    %dma_start3A_33 = tpu.memref_slice %arg8[%dma_start3A_30, %dma_start3A_31, %dma_start3A_32] : memref<6x128x64xf32, #tpu.memory_space<vmem>> -> memref<1x128x64xf32, #tpu.memory_space<vmem>>
    %dma_start3A_34 = tpu.memref_squeeze %dma_start3A_33 : memref<1x128x64xf32, #tpu.memory_space<vmem>> -> memref<128x64xf32, #tpu.memory_space<vmem>>
    %dma_start3A_35 = arith.constant 256 : i32
    %dma_start3A_36 = tpu.memref_slice %arg6[%dma_start3A_35] : memref<10000xi32, #tpu.memory_space<vmem>> -> memref<128xi32, #tpu.memory_space<vmem>>
    %dma_start3A_37 = arith.constant 0 : i32
    %dma_start3A_38 = arith.constant 0 : i32
    %dma_start3A_39 = tpu.memref_slice %arg2[%dma_start3A_37, %dma_start3A_38] : memref<10000x64xf32, #tpu.memory_space<hbm>> -> memref<10000x64xf32, #tpu.memory_space<hbm>>
    tpu.enqueue_indirect_dma source(%dma_start3A_39 : memref<10000x64xf32, #tpu.memory_space<hbm>>) target(%dma_start3A_34 : memref<128x64xf32, #tpu.memory_space<vmem>>) offsets(%dma_start3A_36 : memref<128xi32, #tpu.memory_space<vmem>>) semaphore(%arg10 : memref<!tpu.dma_semaphore, #tpu.memory_space<semaphore_mem>>)
    %dma_start3A_40 = arith.constant 3 : i32
    %dma_start3A_41 = arith.constant 0 : i32
    %dma_start3A_42 = arith.constant 0 : i32
    %dma_start3A_43 = tpu.memref_slice %arg8[%dma_start3A_40, %dma_start3A_41, %dma_start3A_42] : memref<6x128x64xf32, #tpu.memory_space<vmem>> -> memref<1x128x64xf32, #tpu.memory_space<vmem>>
    %dma_start3A_44 = tpu.memref_squeeze %dma_start3A_43 : memref<1x128x64xf32, #tpu.memory_space<vmem>> -> memref<128x64xf32, #tpu.memory_space<vmem>>
    %dma_start3A_45 = arith.constant 384 : i32
    %dma_start3A_46 = tpu.memref_slice %arg6[%dma_start3A_45] : memref<10000xi32, #tpu.memory_space<vmem>> -> memref<128xi32, #tpu.memory_space<vmem>>
    %dma_start3A_47 = arith.constant 0 : i32
    %dma_start3A_48 = arith.constant 0 : i32
    %dma_start3A_49 = tpu.memref_slice %arg2[%dma_start3A_47, %dma_start3A_48] : memref<10000x64xf32, #tpu.memory_space<hbm>> -> memref<10000x64xf32, #tpu.memory_space<hbm>>
    tpu.enqueue_indirect_dma source(%dma_start3A_49 : memref<10000x64xf32, #tpu.memory_space<hbm>>) target(%dma_start3A_44 : memref<128x64xf32, #tpu.memory_space<vmem>>) offsets(%dma_start3A_46 : memref<128xi32, #tpu.memory_space<vmem>>) semaphore(%arg10 : memref<!tpu.dma_semaphore, #tpu.memory_space<semaphore_mem>>)
    %scan3A = arith.constant 0 : i32
    %scan3A_50 = arith.constant 0 : i32
    %scan3A_51 = arith.constant 13 : i32
    %scan3A_52 = arith.addi %scan3A_50, %scan3A_51 : i32
    %scan3A_53 = arith.constant 1 : i32
    scf.for %scan3A_102 = %scan3A_50 to %scan3A_52 step %scan3A_53  : i32 {
      %mul3A_103 = arith.constant 6 : i32
      %mul3A_104 = arith.muli %mul3A_103, %scan3A_102 : i32
      %add3A_105 = arith.constant 0 : i32
      %add3A_106 = arith.addi %mul3A_104, %add3A_105 : i32
      %mul3A_107 = arith.constant 128 : i32
      %mul3A_108 = arith.muli %add3A_106, %mul3A_107 : i32
      %dma_wait3A_109 = arith.constant 0 : i32
      %dma_wait3A_110 = arith.constant 0 : i32
      %dma_wait3A_111 = arith.constant 0 : i32
      %dma_wait3A_112 = tpu.memref_slice %arg8[%dma_wait3A_109, %dma_wait3A_110, %dma_wait3A_111] : memref<6x128x64xf32, #tpu.memory_space<vmem>> -> memref<1x128x64xf32, #tpu.memory_space<vmem>>
      %dma_wait3A_113 = tpu.memref_squeeze %dma_wait3A_112 : memref<1x128x64xf32, #tpu.memory_space<vmem>> -> memref<128x64xf32, #tpu.memory_space<vmem>>
      %dma_wait3A_114 = tpu.memref_slice %arg6[%mul3A_108] : memref<10000xi32, #tpu.memory_space<vmem>> -> memref<128xi32, #tpu.memory_space<vmem>>
      %dma_wait3A_115 = arith.constant 0 : i32
      %dma_wait3A_116 = arith.constant 0 : i32
      %dma_wait3A_117 = tpu.memref_slice %arg2[%dma_wait3A_115, %dma_wait3A_116] : memref<10000x64xf32, #tpu.memory_space<hbm>> -> memref<10000x64xf32, #tpu.memory_space<hbm>>
      tpu.wait_indirect_dma semaphore(%arg10 : memref<!tpu.dma_semaphore, #tpu.memory_space<semaphore_mem>>) src(%dma_wait3A_117 : memref<10000x64xf32, #tpu.memory_space<hbm>>) dst(%dma_wait3A_113 : memref<128x64xf32, #tpu.memory_space<vmem>>)
      %mul3A_118 = arith.constant 128 : i32
      %mul3A_119 = arith.muli %add3A_106, %mul3A_118 : i32
      %dma_start3A_120 = arith.constant 0 : i32
      %dma_start3A_121 = arith.constant 0 : i32
      %dma_start3A_122 = arith.constant 0 : i32
      %dma_start3A_123 = tpu.memref_slice %arg8[%dma_start3A_120, %dma_start3A_121, %dma_start3A_122] : memref<6x128x64xf32, #tpu.memory_space<vmem>> -> memref<1x128x64xf32, #tpu.memory_space<vmem>>
      %dma_start3A_124 = tpu.memref_squeeze %dma_start3A_123 : memref<1x128x64xf32, #tpu.memory_space<vmem>> -> memref<128x64xf32, #tpu.memory_space<vmem>>
      %dma_start3A_125 = tpu.memref_slice %arg7[%mul3A_119] : memref<10000xi32, #tpu.memory_space<vmem>> -> memref<128xi32, #tpu.memory_space<vmem>>
      %dma_start3A_126 = arith.constant 0 : i32
      %dma_start3A_127 = arith.constant 0 : i32
      %dma_start3A_128 = tpu.memref_slice %arg9[%dma_start3A_126, %dma_start3A_127] : memref<10240x64xf32, #tpu.memory_space<vmem_shared>> -> memref<10240x64xf32, #tpu.memory_space<vmem_shared>>
      tpu.enqueue_indirect_dma source(%dma_start3A_124 : memref<128x64xf32, #tpu.memory_space<vmem>>) target(%dma_start3A_128 : memref<10240x64xf32, #tpu.memory_space<vmem_shared>>) offsets(%dma_start3A_125 : memref<128xi32, #tpu.memory_space<vmem>>) semaphore(%arg11 : memref<!tpu.dma_semaphore, #tpu.memory_space<semaphore_mem>>) {add = true}
      %ge3A = arith.constant 2 : i32
      %ge3A_129 = arith.cmpi sge, %add3A_106, %ge3A : i32
      %convert_element_type3A = arith.extui %ge3A_129 : i1 to i32
      %cond3A = arith.constant 0 : i32
      %cond3A_130 = arith.cmpi ne, %convert_element_type3A, %cond3A : i32
      scf.if %cond3A_130 {
        %mul3A_327 = arith.constant 128 : i32
        %mul3A_328 = arith.muli %add3A_106, %mul3A_327 : i32
        %dma_wait3A_329 = arith.constant 0 : i32
        %dma_wait3A_330 = arith.constant 0 : i32
        %dma_wait3A_331 = arith.constant 0 : i32
        %dma_wait3A_332 = tpu.memref_slice %arg8[%dma_wait3A_329, %dma_wait3A_330, %dma_wait3A_331] : memref<6x128x64xf32, #tpu.memory_space<vmem>> -> memref<1x128x64xf32, #tpu.memory_space<vmem>>
        %dma_wait3A_333 = tpu.memref_squeeze %dma_wait3A_332 : memref<1x128x64xf32, #tpu.memory_space<vmem>> -> memref<128x64xf32, #tpu.memory_space<vmem>>
        %dma_wait3A_334 = tpu.memref_slice %arg7[%mul3A_328] : memref<10000xi32, #tpu.memory_space<vmem>> -> memref<128xi32, #tpu.memory_space<vmem>>
        %dma_wait3A_335 = arith.constant 0 : i32
        %dma_wait3A_336 = arith.constant 0 : i32
        %dma_wait3A_337 = tpu.memref_slice %arg9[%dma_wait3A_335, %dma_wait3A_336] : memref<10240x64xf32, #tpu.memory_space<vmem_shared>> -> memref<10240x64xf32, #tpu.memory_space<vmem_shared>>
        tpu.wait_indirect_dma semaphore(%arg11 : memref<!tpu.dma_semaphore, #tpu.memory_space<semaphore_mem>>) src(%dma_wait3A_333 : memref<128x64xf32, #tpu.memory_space<vmem>>) dst(%dma_wait3A_337 : memref<10240x64xf32, #tpu.memory_space<vmem_shared>>)
      } else {
      }
      %add3A_131 = arith.constant 4 : i32
      %add3A_132 = arith.addi %add3A_106, %add3A_131 : i32
      %lt3A = arith.constant 78 : i32
      %lt3A_133 = arith.cmpi slt, %add3A_132, %lt3A : i32
      %convert_element_type3A_134 = arith.extui %lt3A_133 : i1 to i32
      %cond3A_135 = arith.constant 0 : i32
      %cond3A_136 = arith.cmpi ne, %convert_element_type3A_134, %cond3A_135 : i32
      scf.if %cond3A_136 {
        %add3A_327 = arith.constant 4 : i32
        %add3A_328 = arith.addi %add3A_106, %add3A_327 : i32
        %mul3A_329 = arith.constant 128 : i32
        %mul3A_330 = arith.muli %add3A_328, %mul3A_329 : i32
        %dma_start3A_331 = arith.constant 4 : i32
        %dma_start3A_332 = arith.constant 0 : i32
        %dma_start3A_333 = arith.constant 0 : i32
        %dma_start3A_334 = tpu.memref_slice %arg8[%dma_start3A_331, %dma_start3A_332, %dma_start3A_333] : memref<6x128x64xf32, #tpu.memory_space<vmem>> -> memref<1x128x64xf32, #tpu.memory_space<vmem>>
        %dma_start3A_335 = tpu.memref_squeeze %dma_start3A_334 : memref<1x128x64xf32, #tpu.memory_space<vmem>> -> memref<128x64xf32, #tpu.memory_space<vmem>>
        %dma_start3A_336 = tpu.memref_slice %arg6[%mul3A_330] : memref<10000xi32, #tpu.memory_space<vmem>> -> memref<128xi32, #tpu.memory_space<vmem>>
        %dma_start3A_337 = arith.constant 0 : i32
        %dma_start3A_338 = arith.constant 0 : i32
        %dma_start3A_339 = tpu.memref_slice %arg2[%dma_start3A_337, %dma_start3A_338] : memref<10000x64xf32, #tpu.memory_space<hbm>> -> memref<10000x64xf32, #tpu.memory_space<hbm>>
        tpu.enqueue_indirect_dma source(%dma_start3A_339 : memref<10000x64xf32, #tpu.memory_space<hbm>>) target(%dma_start3A_335 : memref<128x64xf32, #tpu.memory_space<vmem>>) offsets(%dma_start3A_336 : memref<128xi32, #tpu.memory_space<vmem>>) semaphore(%arg10 : memref<!tpu.dma_semaphore, #tpu.memory_space<semaphore_mem>>)
      } else {
      }
      %mul3A_137 = arith.constant 6 : i32
      %mul3A_138 = arith.muli %mul3A_137, %scan3A_102 : i32
      %add3A_139 = arith.constant 1 : i32
      %add3A_140 = arith.addi %mul3A_138, %add3A_139 : i32
      %mul3A_141 = arith.constant 128 : i32
      %mul3A_142 = arith.muli %add3A_140, %mul3A_141 : i32
      %dma_wait3A_143 = arith.constant 1 : i32
      %dma_wait3A_144 = arith.constant 0 : i32
      %dma_wait3A_145 = arith.constant 0 : i32
      %dma_wait3A_146 = tpu.memref_slice %arg8[%dma_wait3A_143, %dma_wait3A_144, %dma_wait3A_145] : memref<6x128x64xf32, #tpu.memory_space<vmem>> -> memref<1x128x64xf32, #tpu.memory_space<vmem>>
      %dma_wait3A_147 = tpu.memref_squeeze %dma_wait3A_146 : memref<1x128x64xf32, #tpu.memory_space<vmem>> -> memref<128x64xf32, #tpu.memory_space<vmem>>
      %dma_wait3A_148 = tpu.memref_slice %arg6[%mul3A_142] : memref<10000xi32, #tpu.memory_space<vmem>> -> memref<128xi32, #tpu.memory_space<vmem>>
      %dma_wait3A_149 = arith.constant 0 : i32
      %dma_wait3A_150 = arith.constant 0 : i32
      %dma_wait3A_151 = tpu.memref_slice %arg2[%dma_wait3A_149, %dma_wait3A_150] : memref<10000x64xf32, #tpu.memory_space<hbm>> -> memref<10000x64xf32, #tpu.memory_space<hbm>>
      tpu.wait_indirect_dma semaphore(%arg10 : memref<!tpu.dma_semaphore, #tpu.memory_space<semaphore_mem>>) src(%dma_wait3A_151 : memref<10000x64xf32, #tpu.memory_space<hbm>>) dst(%dma_wait3A_147 : memref<128x64xf32, #tpu.memory_space<vmem>>)
      %mul3A_152 = arith.constant 128 : i32
      %mul3A_153 = arith.muli %add3A_140, %mul3A_152 : i32
      %dma_start3A_154 = arith.constant 1 : i32
      %dma_start3A_155 = arith.constant 0 : i32
      %dma_start3A_156 = arith.constant 0 : i32
      %dma_start3A_157 = tpu.memref_slice %arg8[%dma_start3A_154, %dma_start3A_155, %dma_start3A_156] : memref<6x128x64xf32, #tpu.memory_space<vmem>> -> memref<1x128x64xf32, #tpu.memory_space<vmem>>
      %dma_start3A_158 = tpu.memref_squeeze %dma_start3A_157 : memref<1x128x64xf32, #tpu.memory_space<vmem>> -> memref<128x64xf32, #tpu.memory_space<vmem>>
      %dma_start3A_159 = tpu.memref_slice %arg7[%mul3A_153] : memref<10000xi32, #tpu.memory_space<vmem>> -> memref<128xi32, #tpu.memory_space<vmem>>
      %dma_start3A_160 = arith.constant 0 : i32
      %dma_start3A_161 = arith.constant 0 : i32
      %dma_start3A_162 = tpu.memref_slice %arg9[%dma_start3A_160, %dma_start3A_161] : memref<10240x64xf32, #tpu.memory_space<vmem_shared>> -> memref<10240x64xf32, #tpu.memory_space<vmem_shared>>
      tpu.enqueue_indirect_dma source(%dma_start3A_158 : memref<128x64xf32, #tpu.memory_space<vmem>>) target(%dma_start3A_162 : memref<10240x64xf32, #tpu.memory_space<vmem_shared>>) offsets(%dma_start3A_159 : memref<128xi32, #tpu.memory_space<vmem>>) semaphore(%arg11 : memref<!tpu.dma_semaphore, #tpu.memory_space<semaphore_mem>>) {add = true}
      %ge3A_163 = arith.constant 2 : i32
      %ge3A_164 = arith.cmpi sge, %add3A_140, %ge3A_163 : i32
      %convert_element_type3A_165 = arith.extui %ge3A_164 : i1 to i32
      %cond3A_166 = arith.constant 0 : i32
      %cond3A_167 = arith.cmpi ne, %convert_element_type3A_165, %cond3A_166 : i32
      scf.if %cond3A_167 {
        %mul3A_327 = arith.constant 128 : i32
        %mul3A_328 = arith.muli %add3A_140, %mul3A_327 : i32
        %dma_wait3A_329 = arith.constant 1 : i32
        %dma_wait3A_330 = arith.constant 0 : i32
        %dma_wait3A_331 = arith.constant 0 : i32
        %dma_wait3A_332 = tpu.memref_slice %arg8[%dma_wait3A_329, %dma_wait3A_330, %dma_wait3A_331] : memref<6x128x64xf32, #tpu.memory_space<vmem>> -> memref<1x128x64xf32, #tpu.memory_space<vmem>>
        %dma_wait3A_333 = tpu.memref_squeeze %dma_wait3A_332 : memref<1x128x64xf32, #tpu.memory_space<vmem>> -> memref<128x64xf32, #tpu.memory_space<vmem>>
        %dma_wait3A_334 = tpu.memref_slice %arg7[%mul3A_328] : memref<10000xi32, #tpu.memory_space<vmem>> -> memref<128xi32, #tpu.memory_space<vmem>>
        %dma_wait3A_335 = arith.constant 0 : i32
        %dma_wait3A_336 = arith.constant 0 : i32
        %dma_wait3A_337 = tpu.memref_slice %arg9[%dma_wait3A_335, %dma_wait3A_336] : memref<10240x64xf32, #tpu.memory_space<vmem_shared>> -> memref<10240x64xf32, #tpu.memory_space<vmem_shared>>
        tpu.wait_indirect_dma semaphore(%arg11 : memref<!tpu.dma_semaphore, #tpu.memory_space<semaphore_mem>>) src(%dma_wait3A_333 : memref<128x64xf32, #tpu.memory_space<vmem>>) dst(%dma_wait3A_337 : memref<10240x64xf32, #tpu.memory_space<vmem_shared>>)
      } else {
      }
      %add3A_168 = arith.constant 4 : i32
      %add3A_169 = arith.addi %add3A_140, %add3A_168 : i32
      %lt3A_170 = arith.constant 78 : i32
      %lt3A_171 = arith.cmpi slt, %add3A_169, %lt3A_170 : i32
      %convert_element_type3A_172 = arith.extui %lt3A_171 : i1 to i32
      %cond3A_173 = arith.constant 0 : i32
      %cond3A_174 = arith.cmpi ne, %convert_element_type3A_172, %cond3A_173 : i32
      scf.if %cond3A_174 {
        %add3A_327 = arith.constant 4 : i32
        %add3A_328 = arith.addi %add3A_140, %add3A_327 : i32
        %mul3A_329 = arith.constant 128 : i32
        %mul3A_330 = arith.muli %add3A_328, %mul3A_329 : i32
        %dma_start3A_331 = arith.constant 5 : i32
        %dma_start3A_332 = arith.constant 0 : i32
        %dma_start3A_333 = arith.constant 0 : i32
        %dma_start3A_334 = tpu.memref_slice %arg8[%dma_start3A_331, %dma_start3A_332, %dma_start3A_333] : memref<6x128x64xf32, #tpu.memory_space<vmem>> -> memref<1x128x64xf32, #tpu.memory_space<vmem>>
        %dma_start3A_335 = tpu.memref_squeeze %dma_start3A_334 : memref<1x128x64xf32, #tpu.memory_space<vmem>> -> memref<128x64xf32, #tpu.memory_space<vmem>>
        %dma_start3A_336 = tpu.memref_slice %arg6[%mul3A_330] : memref<10000xi32, #tpu.memory_space<vmem>> -> memref<128xi32, #tpu.memory_space<vmem>>
        %dma_start3A_337 = arith.constant 0 : i32
        %dma_start3A_338 = arith.constant 0 : i32
        %dma_start3A_339 = tpu.memref_slice %arg2[%dma_start3A_337, %dma_start3A_338] : memref<10000x64xf32, #tpu.memory_space<hbm>> -> memref<10000x64xf32, #tpu.memory_space<hbm>>
        tpu.enqueue_indirect_dma source(%dma_start3A_339 : memref<10000x64xf32, #tpu.memory_space<hbm>>) target(%dma_start3A_335 : memref<128x64xf32, #tpu.memory_space<vmem>>) offsets(%dma_start3A_336 : memref<128xi32, #tpu.memory_space<vmem>>) semaphore(%arg10 : memref<!tpu.dma_semaphore, #tpu.memory_space<semaphore_mem>>)
      } else {
      }
      %mul3A_175 = arith.constant 6 : i32
      %mul3A_176 = arith.muli %mul3A_175, %scan3A_102 : i32
      %add3A_177 = arith.constant 2 : i32
      %add3A_178 = arith.addi %mul3A_176, %add3A_177 : i32
      %mul3A_179 = arith.constant 128 : i32
      %mul3A_180 = arith.muli %add3A_178, %mul3A_179 : i32
      %dma_wait3A_181 = arith.constant 2 : i32
      %dma_wait3A_182 = arith.constant 0 : i32
      %dma_wait3A_183 = arith.constant 0 : i32
      %dma_wait3A_184 = tpu.memref_slice %arg8[%dma_wait3A_181, %dma_wait3A_182, %dma_wait3A_183] : memref<6x128x64xf32, #tpu.memory_space<vmem>> -> memref<1x128x64xf32, #tpu.memory_space<vmem>>
      %dma_wait3A_185 = tpu.memref_squeeze %dma_wait3A_184 : memref<1x128x64xf32, #tpu.memory_space<vmem>> -> memref<128x64xf32, #tpu.memory_space<vmem>>
      %dma_wait3A_186 = tpu.memref_slice %arg6[%mul3A_180] : memref<10000xi32, #tpu.memory_space<vmem>> -> memref<128xi32, #tpu.memory_space<vmem>>
      %dma_wait3A_187 = arith.constant 0 : i32
      %dma_wait3A_188 = arith.constant 0 : i32
      %dma_wait3A_189 = tpu.memref_slice %arg2[%dma_wait3A_187, %dma_wait3A_188] : memref<10000x64xf32, #tpu.memory_space<hbm>> -> memref<10000x64xf32, #tpu.memory_space<hbm>>
      tpu.wait_indirect_dma semaphore(%arg10 : memref<!tpu.dma_semaphore, #tpu.memory_space<semaphore_mem>>) src(%dma_wait3A_189 : memref<10000x64xf32, #tpu.memory_space<hbm>>) dst(%dma_wait3A_185 : memref<128x64xf32, #tpu.memory_space<vmem>>)
      %mul3A_190 = arith.constant 128 : i32
      %mul3A_191 = arith.muli %add3A_178, %mul3A_190 : i32
      %dma_start3A_192 = arith.constant 2 : i32
      %dma_start3A_193 = arith.constant 0 : i32
      %dma_start3A_194 = arith.constant 0 : i32
      %dma_start3A_195 = tpu.memref_slice %arg8[%dma_start3A_192, %dma_start3A_193, %dma_start3A_194] : memref<6x128x64xf32, #tpu.memory_space<vmem>> -> memref<1x128x64xf32, #tpu.memory_space<vmem>>
      %dma_start3A_196 = tpu.memref_squeeze %dma_start3A_195 : memref<1x128x64xf32, #tpu.memory_space<vmem>> -> memref<128x64xf32, #tpu.memory_space<vmem>>
      %dma_start3A_197 = tpu.memref_slice %arg7[%mul3A_191] : memref<10000xi32, #tpu.memory_space<vmem>> -> memref<128xi32, #tpu.memory_space<vmem>>
      %dma_start3A_198 = arith.constant 0 : i32
      %dma_start3A_199 = arith.constant 0 : i32
      %dma_start3A_200 = tpu.memref_slice %arg9[%dma_start3A_198, %dma_start3A_199] : memref<10240x64xf32, #tpu.memory_space<vmem_shared>> -> memref<10240x64xf32, #tpu.memory_space<vmem_shared>>
      tpu.enqueue_indirect_dma source(%dma_start3A_196 : memref<128x64xf32, #tpu.memory_space<vmem>>) target(%dma_start3A_200 : memref<10240x64xf32, #tpu.memory_space<vmem_shared>>) offsets(%dma_start3A_197 : memref<128xi32, #tpu.memory_space<vmem>>) semaphore(%arg11 : memref<!tpu.dma_semaphore, #tpu.memory_space<semaphore_mem>>) {add = true}
      %ge3A_201 = arith.constant 2 : i32
      %ge3A_202 = arith.cmpi sge, %add3A_178, %ge3A_201 : i32
      %convert_element_type3A_203 = arith.extui %ge3A_202 : i1 to i32
      %cond3A_204 = arith.constant 0 : i32
      %cond3A_205 = arith.cmpi ne, %convert_element_type3A_203, %cond3A_204 : i32
      scf.if %cond3A_205 {
        %mul3A_327 = arith.constant 128 : i32
        %mul3A_328 = arith.muli %add3A_178, %mul3A_327 : i32
        %dma_wait3A_329 = arith.constant 2 : i32
        %dma_wait3A_330 = arith.constant 0 : i32
        %dma_wait3A_331 = arith.constant 0 : i32
        %dma_wait3A_332 = tpu.memref_slice %arg8[%dma_wait3A_329, %dma_wait3A_330, %dma_wait3A_331] : memref<6x128x64xf32, #tpu.memory_space<vmem>> -> memref<1x128x64xf32, #tpu.memory_space<vmem>>
        %dma_wait3A_333 = tpu.memref_squeeze %dma_wait3A_332 : memref<1x128x64xf32, #tpu.memory_space<vmem>> -> memref<128x64xf32, #tpu.memory_space<vmem>>
        %dma_wait3A_334 = tpu.memref_slice %arg7[%mul3A_328] : memref<10000xi32, #tpu.memory_space<vmem>> -> memref<128xi32, #tpu.memory_space<vmem>>
        %dma_wait3A_335 = arith.constant 0 : i32
        %dma_wait3A_336 = arith.constant 0 : i32
        %dma_wait3A_337 = tpu.memref_slice %arg9[%dma_wait3A_335, %dma_wait3A_336] : memref<10240x64xf32, #tpu.memory_space<vmem_shared>> -> memref<10240x64xf32, #tpu.memory_space<vmem_shared>>
        tpu.wait_indirect_dma semaphore(%arg11 : memref<!tpu.dma_semaphore, #tpu.memory_space<semaphore_mem>>) src(%dma_wait3A_333 : memref<128x64xf32, #tpu.memory_space<vmem>>) dst(%dma_wait3A_337 : memref<10240x64xf32, #tpu.memory_space<vmem_shared>>)
      } else {
      }
      %add3A_206 = arith.constant 4 : i32
      %add3A_207 = arith.addi %add3A_178, %add3A_206 : i32
      %lt3A_208 = arith.constant 78 : i32
      %lt3A_209 = arith.cmpi slt, %add3A_207, %lt3A_208 : i32
      %convert_element_type3A_210 = arith.extui %lt3A_209 : i1 to i32
      %cond3A_211 = arith.constant 0 : i32
      %cond3A_212 = arith.cmpi ne, %convert_element_type3A_210, %cond3A_211 : i32
      scf.if %cond3A_212 {
        %add3A_327 = arith.constant 4 : i32
        %add3A_328 = arith.addi %add3A_178, %add3A_327 : i32
        %mul3A_329 = arith.constant 128 : i32
        %mul3A_330 = arith.muli %add3A_328, %mul3A_329 : i32
        %dma_start3A_331 = arith.constant 0 : i32
        %dma_start3A_332 = arith.constant 0 : i32
        %dma_start3A_333 = arith.constant 0 : i32
        %dma_start3A_334 = tpu.memref_slice %arg8[%dma_start3A_331, %dma_start3A_332, %dma_start3A_333] : memref<6x128x64xf32, #tpu.memory_space<vmem>> -> memref<1x128x64xf32, #tpu.memory_space<vmem>>
        %dma_start3A_335 = tpu.memref_squeeze %dma_start3A_334 : memref<1x128x64xf32, #tpu.memory_space<vmem>> -> memref<128x64xf32, #tpu.memory_space<vmem>>
        %dma_start3A_336 = tpu.memref_slice %arg6[%mul3A_330] : memref<10000xi32, #tpu.memory_space<vmem>> -> memref<128xi32, #tpu.memory_space<vmem>>
        %dma_start3A_337 = arith.constant 0 : i32
        %dma_start3A_338 = arith.constant 0 : i32
        %dma_start3A_339 = tpu.memref_slice %arg2[%dma_start3A_337, %dma_start3A_338] : memref<10000x64xf32, #tpu.memory_space<hbm>> -> memref<10000x64xf32, #tpu.memory_space<hbm>>
        tpu.enqueue_indirect_dma source(%dma_start3A_339 : memref<10000x64xf32, #tpu.memory_space<hbm>>) target(%dma_start3A_335 : memref<128x64xf32, #tpu.memory_space<vmem>>) offsets(%dma_start3A_336 : memref<128xi32, #tpu.memory_space<vmem>>) semaphore(%arg10 : memref<!tpu.dma_semaphore, #tpu.memory_space<semaphore_mem>>)
      } else {
      }
      %mul3A_213 = arith.constant 6 : i32
      %mul3A_214 = arith.muli %mul3A_213, %scan3A_102 : i32
      %add3A_215 = arith.constant 3 : i32
      %add3A_216 = arith.addi %mul3A_214, %add3A_215 : i32
      %mul3A_217 = arith.constant 128 : i32
      %mul3A_218 = arith.muli %add3A_216, %mul3A_217 : i32
      %dma_wait3A_219 = arith.constant 3 : i32
      %dma_wait3A_220 = arith.constant 0 : i32
      %dma_wait3A_221 = arith.constant 0 : i32
      %dma_wait3A_222 = tpu.memref_slice %arg8[%dma_wait3A_219, %dma_wait3A_220, %dma_wait3A_221] : memref<6x128x64xf32, #tpu.memory_space<vmem>> -> memref<1x128x64xf32, #tpu.memory_space<vmem>>
      %dma_wait3A_223 = tpu.memref_squeeze %dma_wait3A_222 : memref<1x128x64xf32, #tpu.memory_space<vmem>> -> memref<128x64xf32, #tpu.memory_space<vmem>>
      %dma_wait3A_224 = tpu.memref_slice %arg6[%mul3A_218] : memref<10000xi32, #tpu.memory_space<vmem>> -> memref<128xi32, #tpu.memory_space<vmem>>
      %dma_wait3A_225 = arith.constant 0 : i32
      %dma_wait3A_226 = arith.constant 0 : i32
      %dma_wait3A_227 = tpu.memref_slice %arg2[%dma_wait3A_225, %dma_wait3A_226] : memref<10000x64xf32, #tpu.memory_space<hbm>> -> memref<10000x64xf32, #tpu.memory_space<hbm>>
      tpu.wait_indirect_dma semaphore(%arg10 : memref<!tpu.dma_semaphore, #tpu.memory_space<semaphore_mem>>) src(%dma_wait3A_227 : memref<10000x64xf32, #tpu.memory_space<hbm>>) dst(%dma_wait3A_223 : memref<128x64xf32, #tpu.memory_space<vmem>>)
      %mul3A_228 = arith.constant 128 : i32
      %mul3A_229 = arith.muli %add3A_216, %mul3A_228 : i32
      %dma_start3A_230 = arith.constant 3 : i32
      %dma_start3A_231 = arith.constant 0 : i32
      %dma_start3A_232 = arith.constant 0 : i32
      %dma_start3A_233 = tpu.memref_slice %arg8[%dma_start3A_230, %dma_start3A_231, %dma_start3A_232] : memref<6x128x64xf32, #tpu.memory_space<vmem>> -> memref<1x128x64xf32, #tpu.memory_space<vmem>>
      %dma_start3A_234 = tpu.memref_squeeze %dma_start3A_233 : memref<1x128x64xf32, #tpu.memory_space<vmem>> -> memref<128x64xf32, #tpu.memory_space<vmem>>
      %dma_start3A_235 = tpu.memref_slice %arg7[%mul3A_229] : memref<10000xi32, #tpu.memory_space<vmem>> -> memref<128xi32, #tpu.memory_space<vmem>>
      %dma_start3A_236 = arith.constant 0 : i32
      %dma_start3A_237 = arith.constant 0 : i32
      %dma_start3A_238 = tpu.memref_slice %arg9[%dma_start3A_236, %dma_start3A_237] : memref<10240x64xf32, #tpu.memory_space<vmem_shared>> -> memref<10240x64xf32, #tpu.memory_space<vmem_shared>>
      tpu.enqueue_indirect_dma source(%dma_start3A_234 : memref<128x64xf32, #tpu.memory_space<vmem>>) target(%dma_start3A_238 : memref<10240x64xf32, #tpu.memory_space<vmem_shared>>) offsets(%dma_start3A_235 : memref<128xi32, #tpu.memory_space<vmem>>) semaphore(%arg11 : memref<!tpu.dma_semaphore, #tpu.memory_space<semaphore_mem>>) {add = true}
      %ge3A_239 = arith.constant 2 : i32
      %ge3A_240 = arith.cmpi sge, %add3A_216, %ge3A_239 : i32
      %convert_element_type3A_241 = arith.extui %ge3A_240 : i1 to i32
      %cond3A_242 = arith.constant 0 : i32
      %cond3A_243 = arith.cmpi ne, %convert_element_type3A_241, %cond3A_242 : i32
      scf.if %cond3A_243 {
        %mul3A_327 = arith.constant 128 : i32
        %mul3A_328 = arith.muli %add3A_216, %mul3A_327 : i32
        %dma_wait3A_329 = arith.constant 3 : i32
        %dma_wait3A_330 = arith.constant 0 : i32
        %dma_wait3A_331 = arith.constant 0 : i32
        %dma_wait3A_332 = tpu.memref_slice %arg8[%dma_wait3A_329, %dma_wait3A_330, %dma_wait3A_331] : memref<6x128x64xf32, #tpu.memory_space<vmem>> -> memref<1x128x64xf32, #tpu.memory_space<vmem>>
        %dma_wait3A_333 = tpu.memref_squeeze %dma_wait3A_332 : memref<1x128x64xf32, #tpu.memory_space<vmem>> -> memref<128x64xf32, #tpu.memory_space<vmem>>
        %dma_wait3A_334 = tpu.memref_slice %arg7[%mul3A_328] : memref<10000xi32, #tpu.memory_space<vmem>> -> memref<128xi32, #tpu.memory_space<vmem>>
        %dma_wait3A_335 = arith.constant 0 : i32
        %dma_wait3A_336 = arith.constant 0 : i32
        %dma_wait3A_337 = tpu.memref_slice %arg9[%dma_wait3A_335, %dma_wait3A_336] : memref<10240x64xf32, #tpu.memory_space<vmem_shared>> -> memref<10240x64xf32, #tpu.memory_space<vmem_shared>>
        tpu.wait_indirect_dma semaphore(%arg11 : memref<!tpu.dma_semaphore, #tpu.memory_space<semaphore_mem>>) src(%dma_wait3A_333 : memref<128x64xf32, #tpu.memory_space<vmem>>) dst(%dma_wait3A_337 : memref<10240x64xf32, #tpu.memory_space<vmem_shared>>)
      } else {
      }
      %add3A_244 = arith.constant 4 : i32
      %add3A_245 = arith.addi %add3A_216, %add3A_244 : i32
      %lt3A_246 = arith.constant 78 : i32
      %lt3A_247 = arith.cmpi slt, %add3A_245, %lt3A_246 : i32
      %convert_element_type3A_248 = arith.extui %lt3A_247 : i1 to i32
      %cond3A_249 = arith.constant 0 : i32
      %cond3A_250 = arith.cmpi ne, %convert_element_type3A_248, %cond3A_249 : i32
      scf.if %cond3A_250 {
        %add3A_327 = arith.constant 4 : i32
        %add3A_328 = arith.addi %add3A_216, %add3A_327 : i32
        %mul3A_329 = arith.constant 128 : i32
        %mul3A_330 = arith.muli %add3A_328, %mul3A_329 : i32
        %dma_start3A_331 = arith.constant 1 : i32
        %dma_start3A_332 = arith.constant 0 : i32
        %dma_start3A_333 = arith.constant 0 : i32
        %dma_start3A_334 = tpu.memref_slice %arg8[%dma_start3A_331, %dma_start3A_332, %dma_start3A_333] : memref<6x128x64xf32, #tpu.memory_space<vmem>> -> memref<1x128x64xf32, #tpu.memory_space<vmem>>
        %dma_start3A_335 = tpu.memref_squeeze %dma_start3A_334 : memref<1x128x64xf32, #tpu.memory_space<vmem>> -> memref<128x64xf32, #tpu.memory_space<vmem>>
        %dma_start3A_336 = tpu.memref_slice %arg6[%mul3A_330] : memref<10000xi32, #tpu.memory_space<vmem>> -> memref<128xi32, #tpu.memory_space<vmem>>
        %dma_start3A_337 = arith.constant 0 : i32
        %dma_start3A_338 = arith.constant 0 : i32
        %dma_start3A_339 = tpu.memref_slice %arg2[%dma_start3A_337, %dma_start3A_338] : memref<10000x64xf32, #tpu.memory_space<hbm>> -> memref<10000x64xf32, #tpu.memory_space<hbm>>
        tpu.enqueue_indirect_dma source(%dma_start3A_339 : memref<10000x64xf32, #tpu.memory_space<hbm>>) target(%dma_start3A_335 : memref<128x64xf32, #tpu.memory_space<vmem>>) offsets(%dma_start3A_336 : memref<128xi32, #tpu.memory_space<vmem>>) semaphore(%arg10 : memref<!tpu.dma_semaphore, #tpu.memory_space<semaphore_mem>>)
      } else {
      }
      %mul3A_251 = arith.constant 6 : i32
      %mul3A_252 = arith.muli %mul3A_251, %scan3A_102 : i32
      %add3A_253 = arith.constant 4 : i32
      %add3A_254 = arith.addi %mul3A_252, %add3A_253 : i32
      %mul3A_255 = arith.constant 128 : i32
      %mul3A_256 = arith.muli %add3A_254, %mul3A_255 : i32
      %dma_wait3A_257 = arith.constant 4 : i32
      %dma_wait3A_258 = arith.constant 0 : i32
      %dma_wait3A_259 = arith.constant 0 : i32
      %dma_wait3A_260 = tpu.memref_slice %arg8[%dma_wait3A_257, %dma_wait3A_258, %dma_wait3A_259] : memref<6x128x64xf32, #tpu.memory_space<vmem>> -> memref<1x128x64xf32, #tpu.memory_space<vmem>>
      %dma_wait3A_261 = tpu.memref_squeeze %dma_wait3A_260 : memref<1x128x64xf32, #tpu.memory_space<vmem>> -> memref<128x64xf32, #tpu.memory_space<vmem>>
      %dma_wait3A_262 = tpu.memref_slice %arg6[%mul3A_256] : memref<10000xi32, #tpu.memory_space<vmem>> -> memref<128xi32, #tpu.memory_space<vmem>>
      %dma_wait3A_263 = arith.constant 0 : i32
      %dma_wait3A_264 = arith.constant 0 : i32
      %dma_wait3A_265 = tpu.memref_slice %arg2[%dma_wait3A_263, %dma_wait3A_264] : memref<10000x64xf32, #tpu.memory_space<hbm>> -> memref<10000x64xf32, #tpu.memory_space<hbm>>
      tpu.wait_indirect_dma semaphore(%arg10 : memref<!tpu.dma_semaphore, #tpu.memory_space<semaphore_mem>>) src(%dma_wait3A_265 : memref<10000x64xf32, #tpu.memory_space<hbm>>) dst(%dma_wait3A_261 : memref<128x64xf32, #tpu.memory_space<vmem>>)
      %mul3A_266 = arith.constant 128 : i32
      %mul3A_267 = arith.muli %add3A_254, %mul3A_266 : i32
      %dma_start3A_268 = arith.constant 4 : i32
      %dma_start3A_269 = arith.constant 0 : i32
      %dma_start3A_270 = arith.constant 0 : i32
      %dma_start3A_271 = tpu.memref_slice %arg8[%dma_start3A_268, %dma_start3A_269, %dma_start3A_270] : memref<6x128x64xf32, #tpu.memory_space<vmem>> -> memref<1x128x64xf32, #tpu.memory_space<vmem>>
      %dma_start3A_272 = tpu.memref_squeeze %dma_start3A_271 : memref<1x128x64xf32, #tpu.memory_space<vmem>> -> memref<128x64xf32, #tpu.memory_space<vmem>>
      %dma_start3A_273 = tpu.memref_slice %arg7[%mul3A_267] : memref<10000xi32, #tpu.memory_space<vmem>> -> memref<128xi32, #tpu.memory_space<vmem>>
      %dma_start3A_274 = arith.constant 0 : i32
      %dma_start3A_275 = arith.constant 0 : i32
      %dma_start3A_276 = tpu.memref_slice %arg9[%dma_start3A_274, %dma_start3A_275] : memref<10240x64xf32, #tpu.memory_space<vmem_shared>> -> memref<10240x64xf32, #tpu.memory_space<vmem_shared>>
      tpu.enqueue_indirect_dma source(%dma_start3A_272 : memref<128x64xf32, #tpu.memory_space<vmem>>) target(%dma_start3A_276 : memref<10240x64xf32, #tpu.memory_space<vmem_shared>>) offsets(%dma_start3A_273 : memref<128xi32, #tpu.memory_space<vmem>>) semaphore(%arg11 : memref<!tpu.dma_semaphore, #tpu.memory_space<semaphore_mem>>) {add = true}
      %ge3A_277 = arith.constant 2 : i32
      %ge3A_278 = arith.cmpi sge, %add3A_254, %ge3A_277 : i32
      %convert_element_type3A_279 = arith.extui %ge3A_278 : i1 to i32
      %cond3A_280 = arith.constant 0 : i32
      %cond3A_281 = arith.cmpi ne, %convert_element_type3A_279, %cond3A_280 : i32
      scf.if %cond3A_281 {
        %mul3A_327 = arith.constant 128 : i32
        %mul3A_328 = arith.muli %add3A_254, %mul3A_327 : i32
        %dma_wait3A_329 = arith.constant 4 : i32
        %dma_wait3A_330 = arith.constant 0 : i32
        %dma_wait3A_331 = arith.constant 0 : i32
        %dma_wait3A_332 = tpu.memref_slice %arg8[%dma_wait3A_329, %dma_wait3A_330, %dma_wait3A_331] : memref<6x128x64xf32, #tpu.memory_space<vmem>> -> memref<1x128x64xf32, #tpu.memory_space<vmem>>
        %dma_wait3A_333 = tpu.memref_squeeze %dma_wait3A_332 : memref<1x128x64xf32, #tpu.memory_space<vmem>> -> memref<128x64xf32, #tpu.memory_space<vmem>>
        %dma_wait3A_334 = tpu.memref_slice %arg7[%mul3A_328] : memref<10000xi32, #tpu.memory_space<vmem>> -> memref<128xi32, #tpu.memory_space<vmem>>
        %dma_wait3A_335 = arith.constant 0 : i32
        %dma_wait3A_336 = arith.constant 0 : i32
        %dma_wait3A_337 = tpu.memref_slice %arg9[%dma_wait3A_335, %dma_wait3A_336] : memref<10240x64xf32, #tpu.memory_space<vmem_shared>> -> memref<10240x64xf32, #tpu.memory_space<vmem_shared>>
        tpu.wait_indirect_dma semaphore(%arg11 : memref<!tpu.dma_semaphore, #tpu.memory_space<semaphore_mem>>) src(%dma_wait3A_333 : memref<128x64xf32, #tpu.memory_space<vmem>>) dst(%dma_wait3A_337 : memref<10240x64xf32, #tpu.memory_space<vmem_shared>>)
      } else {
      }
      %add3A_282 = arith.constant 4 : i32
      %add3A_283 = arith.addi %add3A_254, %add3A_282 : i32
      %lt3A_284 = arith.constant 78 : i32
      %lt3A_285 = arith.cmpi slt, %add3A_283, %lt3A_284 : i32
      %convert_element_type3A_286 = arith.extui %lt3A_285 : i1 to i32
      %cond3A_287 = arith.constant 0 : i32
      %cond3A_288 = arith.cmpi ne, %convert_element_type3A_286, %cond3A_287 : i32
      scf.if %cond3A_288 {
        %add3A_327 = arith.constant 4 : i32
        %add3A_328 = arith.addi %add3A_254, %add3A_327 : i32
        %mul3A_329 = arith.constant 128 : i32
        %mul3A_330 = arith.muli %add3A_328, %mul3A_329 : i32
        %dma_start3A_331 = arith.constant 2 : i32
        %dma_start3A_332 = arith.constant 0 : i32
        %dma_start3A_333 = arith.constant 0 : i32
        %dma_start3A_334 = tpu.memref_slice %arg8[%dma_start3A_331, %dma_start3A_332, %dma_start3A_333] : memref<6x128x64xf32, #tpu.memory_space<vmem>> -> memref<1x128x64xf32, #tpu.memory_space<vmem>>
        %dma_start3A_335 = tpu.memref_squeeze %dma_start3A_334 : memref<1x128x64xf32, #tpu.memory_space<vmem>> -> memref<128x64xf32, #tpu.memory_space<vmem>>
        %dma_start3A_336 = tpu.memref_slice %arg6[%mul3A_330] : memref<10000xi32, #tpu.memory_space<vmem>> -> memref<128xi32, #tpu.memory_space<vmem>>
        %dma_start3A_337 = arith.constant 0 : i32
        %dma_start3A_338 = arith.constant 0 : i32
        %dma_start3A_339 = tpu.memref_slice %arg2[%dma_start3A_337, %dma_start3A_338] : memref<10000x64xf32, #tpu.memory_space<hbm>> -> memref<10000x64xf32, #tpu.memory_space<hbm>>
        tpu.enqueue_indirect_dma source(%dma_start3A_339 : memref<10000x64xf32, #tpu.memory_space<hbm>>) target(%dma_start3A_335 : memref<128x64xf32, #tpu.memory_space<vmem>>) offsets(%dma_start3A_336 : memref<128xi32, #tpu.memory_space<vmem>>) semaphore(%arg10 : memref<!tpu.dma_semaphore, #tpu.memory_space<semaphore_mem>>)
      } else {
      }
      %mul3A_289 = arith.constant 6 : i32
      %mul3A_290 = arith.muli %mul3A_289, %scan3A_102 : i32
      %add3A_291 = arith.constant 5 : i32
      %add3A_292 = arith.addi %mul3A_290, %add3A_291 : i32
      %mul3A_293 = arith.constant 128 : i32
      %mul3A_294 = arith.muli %add3A_292, %mul3A_293 : i32
      %dma_wait3A_295 = arith.constant 5 : i32
      %dma_wait3A_296 = arith.constant 0 : i32
      %dma_wait3A_297 = arith.constant 0 : i32
      %dma_wait3A_298 = tpu.memref_slice %arg8[%dma_wait3A_295, %dma_wait3A_296, %dma_wait3A_297] : memref<6x128x64xf32, #tpu.memory_space<vmem>> -> memref<1x128x64xf32, #tpu.memory_space<vmem>>
      %dma_wait3A_299 = tpu.memref_squeeze %dma_wait3A_298 : memref<1x128x64xf32, #tpu.memory_space<vmem>> -> memref<128x64xf32, #tpu.memory_space<vmem>>
      %dma_wait3A_300 = tpu.memref_slice %arg6[%mul3A_294] : memref<10000xi32, #tpu.memory_space<vmem>> -> memref<128xi32, #tpu.memory_space<vmem>>
      %dma_wait3A_301 = arith.constant 0 : i32
      %dma_wait3A_302 = arith.constant 0 : i32
      %dma_wait3A_303 = tpu.memref_slice %arg2[%dma_wait3A_301, %dma_wait3A_302] : memref<10000x64xf32, #tpu.memory_space<hbm>> -> memref<10000x64xf32, #tpu.memory_space<hbm>>
      tpu.wait_indirect_dma semaphore(%arg10 : memref<!tpu.dma_semaphore, #tpu.memory_space<semaphore_mem>>) src(%dma_wait3A_303 : memref<10000x64xf32, #tpu.memory_space<hbm>>) dst(%dma_wait3A_299 : memref<128x64xf32, #tpu.memory_space<vmem>>)
      %mul3A_304 = arith.constant 128 : i32
      %mul3A_305 = arith.muli %add3A_292, %mul3A_304 : i32
      %dma_start3A_306 = arith.constant 5 : i32
      %dma_start3A_307 = arith.constant 0 : i32
      %dma_start3A_308 = arith.constant 0 : i32
      %dma_start3A_309 = tpu.memref_slice %arg8[%dma_start3A_306, %dma_start3A_307, %dma_start3A_308] : memref<6x128x64xf32, #tpu.memory_space<vmem>> -> memref<1x128x64xf32, #tpu.memory_space<vmem>>
      %dma_start3A_310 = tpu.memref_squeeze %dma_start3A_309 : memref<1x128x64xf32, #tpu.memory_space<vmem>> -> memref<128x64xf32, #tpu.memory_space<vmem>>
      %dma_start3A_311 = tpu.memref_slice %arg7[%mul3A_305] : memref<10000xi32, #tpu.memory_space<vmem>> -> memref<128xi32, #tpu.memory_space<vmem>>
      %dma_start3A_312 = arith.constant 0 : i32
      %dma_start3A_313 = arith.constant 0 : i32
      %dma_start3A_314 = tpu.memref_slice %arg9[%dma_start3A_312, %dma_start3A_313] : memref<10240x64xf32, #tpu.memory_space<vmem_shared>> -> memref<10240x64xf32, #tpu.memory_space<vmem_shared>>
      tpu.enqueue_indirect_dma source(%dma_start3A_310 : memref<128x64xf32, #tpu.memory_space<vmem>>) target(%dma_start3A_314 : memref<10240x64xf32, #tpu.memory_space<vmem_shared>>) offsets(%dma_start3A_311 : memref<128xi32, #tpu.memory_space<vmem>>) semaphore(%arg11 : memref<!tpu.dma_semaphore, #tpu.memory_space<semaphore_mem>>) {add = true}
      %ge3A_315 = arith.constant 2 : i32
      %ge3A_316 = arith.cmpi sge, %add3A_292, %ge3A_315 : i32
      %convert_element_type3A_317 = arith.extui %ge3A_316 : i1 to i32
      %cond3A_318 = arith.constant 0 : i32
      %cond3A_319 = arith.cmpi ne, %convert_element_type3A_317, %cond3A_318 : i32
      scf.if %cond3A_319 {
        %mul3A_327 = arith.constant 128 : i32
        %mul3A_328 = arith.muli %add3A_292, %mul3A_327 : i32
        %dma_wait3A_329 = arith.constant 5 : i32
        %dma_wait3A_330 = arith.constant 0 : i32
        %dma_wait3A_331 = arith.constant 0 : i32
        %dma_wait3A_332 = tpu.memref_slice %arg8[%dma_wait3A_329, %dma_wait3A_330, %dma_wait3A_331] : memref<6x128x64xf32, #tpu.memory_space<vmem>> -> memref<1x128x64xf32, #tpu.memory_space<vmem>>
        %dma_wait3A_333 = tpu.memref_squeeze %dma_wait3A_332 : memref<1x128x64xf32, #tpu.memory_space<vmem>> -> memref<128x64xf32, #tpu.memory_space<vmem>>
        %dma_wait3A_334 = tpu.memref_slice %arg7[%mul3A_328] : memref<10000xi32, #tpu.memory_space<vmem>> -> memref<128xi32, #tpu.memory_space<vmem>>
        %dma_wait3A_335 = arith.constant 0 : i32
        %dma_wait3A_336 = arith.constant 0 : i32
        %dma_wait3A_337 = tpu.memref_slice %arg9[%dma_wait3A_335, %dma_wait3A_336] : memref<10240x64xf32, #tpu.memory_space<vmem_shared>> -> memref<10240x64xf32, #tpu.memory_space<vmem_shared>>
        tpu.wait_indirect_dma semaphore(%arg11 : memref<!tpu.dma_semaphore, #tpu.memory_space<semaphore_mem>>) src(%dma_wait3A_333 : memref<128x64xf32, #tpu.memory_space<vmem>>) dst(%dma_wait3A_337 : memref<10240x64xf32, #tpu.memory_space<vmem_shared>>)
      } else {
      }
      %add3A_320 = arith.constant 4 : i32
      %add3A_321 = arith.addi %add3A_292, %add3A_320 : i32
      %lt3A_322 = arith.constant 78 : i32
      %lt3A_323 = arith.cmpi slt, %add3A_321, %lt3A_322 : i32
      %convert_element_type3A_324 = arith.extui %lt3A_323 : i1 to i32
      %cond3A_325 = arith.constant 0 : i32
      %cond3A_326 = arith.cmpi ne, %convert_element_type3A_324, %cond3A_325 : i32
      scf.if %cond3A_326 {
        %add3A_327 = arith.constant 4 : i32
        %add3A_328 = arith.addi %add3A_292, %add3A_327 : i32
        %mul3A_329 = arith.constant 128 : i32
        %mul3A_330 = arith.muli %add3A_328, %mul3A_329 : i32
        %dma_start3A_331 = arith.constant 3 : i32
        %dma_start3A_332 = arith.constant 0 : i32
        %dma_start3A_333 = arith.constant 0 : i32
        %dma_start3A_334 = tpu.memref_slice %arg8[%dma_start3A_331, %dma_start3A_332, %dma_start3A_333] : memref<6x128x64xf32, #tpu.memory_space<vmem>> -> memref<1x128x64xf32, #tpu.memory_space<vmem>>
        %dma_start3A_335 = tpu.memref_squeeze %dma_start3A_334 : memref<1x128x64xf32, #tpu.memory_space<vmem>> -> memref<128x64xf32, #tpu.memory_space<vmem>>
        %dma_start3A_336 = tpu.memref_slice %arg6[%mul3A_330] : memref<10000xi32, #tpu.memory_space<vmem>> -> memref<128xi32, #tpu.memory_space<vmem>>
        %dma_start3A_337 = arith.constant 0 : i32
        %dma_start3A_338 = arith.constant 0 : i32
        %dma_start3A_339 = tpu.memref_slice %arg2[%dma_start3A_337, %dma_start3A_338] : memref<10000x64xf32, #tpu.memory_space<hbm>> -> memref<10000x64xf32, #tpu.memory_space<hbm>>
        tpu.enqueue_indirect_dma source(%dma_start3A_339 : memref<10000x64xf32, #tpu.memory_space<hbm>>) target(%dma_start3A_335 : memref<128x64xf32, #tpu.memory_space<vmem>>) offsets(%dma_start3A_336 : memref<128xi32, #tpu.memory_space<vmem>>) semaphore(%arg10 : memref<!tpu.dma_semaphore, #tpu.memory_space<semaphore_mem>>)
      } else {
      }
    }
    %scan3A_54 = arith.constant 13 : i32
    %dma_wait3A = arith.constant 0 : i32
    %dma_wait3A_55 = arith.constant 0 : i32
    %dma_wait3A_56 = arith.constant 0 : i32
    %dma_wait3A_57 = tpu.memref_slice %arg8[%dma_wait3A, %dma_wait3A_55, %dma_wait3A_56] : memref<6x128x64xf32, #tpu.memory_space<vmem>> -> memref<1x128x64xf32, #tpu.memory_space<vmem>>
    %dma_wait3A_58 = tpu.memref_squeeze %dma_wait3A_57 : memref<1x128x64xf32, #tpu.memory_space<vmem>> -> memref<128x64xf32, #tpu.memory_space<vmem>>
    %dma_wait3A_59 = arith.constant 0 : i32
    %dma_wait3A_60 = tpu.memref_slice %arg7[%dma_wait3A_59] : memref<10000xi32, #tpu.memory_space<vmem>> -> memref<128xi32, #tpu.memory_space<vmem>>
    %dma_wait3A_61 = arith.constant 0 : i32
    %dma_wait3A_62 = arith.constant 0 : i32
    %dma_wait3A_63 = tpu.memref_slice %arg9[%dma_wait3A_61, %dma_wait3A_62] : memref<10240x64xf32, #tpu.memory_space<vmem_shared>> -> memref<10240x64xf32, #tpu.memory_space<vmem_shared>>
    tpu.wait_indirect_dma semaphore(%arg11 : memref<!tpu.dma_semaphore, #tpu.memory_space<semaphore_mem>>) src(%dma_wait3A_58 : memref<128x64xf32, #tpu.memory_space<vmem>>) dst(%dma_wait3A_63 : memref<10240x64xf32, #tpu.memory_space<vmem_shared>>)
    %dma_wait3A_64 = arith.constant 0 : i32
    %dma_wait3A_65 = arith.constant 0 : i32
    %dma_wait3A_66 = arith.constant 0 : i32
    %dma_wait3A_67 = tpu.memref_slice %arg8[%dma_wait3A_64, %dma_wait3A_65, %dma_wait3A_66] : memref<6x128x64xf32, #tpu.memory_space<vmem>> -> memref<1x128x64xf32, #tpu.memory_space<vmem>>
    %dma_wait3A_68 = tpu.memref_squeeze %dma_wait3A_67 : memref<1x128x64xf32, #tpu.memory_space<vmem>> -> memref<128x64xf32, #tpu.memory_space<vmem>>
    %dma_wait3A_69 = arith.constant 0 : i32
    %dma_wait3A_70 = tpu.memref_slice %arg7[%dma_wait3A_69] : memref<10000xi32, #tpu.memory_space<vmem>> -> memref<128xi32, #tpu.memory_space<vmem>>
    %dma_wait3A_71 = arith.constant 0 : i32
    %dma_wait3A_72 = arith.constant 0 : i32
    %dma_wait3A_73 = tpu.memref_slice %arg9[%dma_wait3A_71, %dma_wait3A_72] : memref<10240x64xf32, #tpu.memory_space<vmem_shared>> -> memref<10240x64xf32, #tpu.memory_space<vmem_shared>>
    tpu.wait_indirect_dma semaphore(%arg11 : memref<!tpu.dma_semaphore, #tpu.memory_space<semaphore_mem>>) src(%dma_wait3A_68 : memref<128x64xf32, #tpu.memory_space<vmem>>) dst(%dma_wait3A_73 : memref<10240x64xf32, #tpu.memory_space<vmem_shared>>)
    %dma_start3A_74 = arith.constant 0 : i32
    %dma_start3A_75 = arith.constant 0 : i32
    %dma_start3A_76 = arith.constant 0 : i32
    %dma_start3A_77 = tpu.memref_slice %arg8[%dma_start3A_74, %dma_start3A_75, %dma_start3A_76] : memref<6x128x64xf32, #tpu.memory_space<vmem>> -> memref<1x16x64xf32, #tpu.memory_space<vmem>>
    %dma_start3A_78 = tpu.memref_squeeze %dma_start3A_77 : memref<1x16x64xf32, #tpu.memory_space<vmem>> -> memref<16x64xf32, #tpu.memory_space<vmem>>
    %dma_start3A_79 = arith.constant 9984 : i32
    %dma_start3A_80 = tpu.memref_slice %arg6[%dma_start3A_79] : memref<10000xi32, #tpu.memory_space<vmem>> -> memref<16xi32, #tpu.memory_space<vmem>>
    %dma_start3A_81 = arith.constant 0 : i32
    %dma_start3A_82 = arith.constant 0 : i32
    %dma_start3A_83 = tpu.memref_slice %arg2[%dma_start3A_81, %dma_start3A_82] : memref<10000x64xf32, #tpu.memory_space<hbm>> -> memref<10000x64xf32, #tpu.memory_space<hbm>>
    tpu.enqueue_indirect_dma source(%dma_start3A_83 : memref<10000x64xf32, #tpu.memory_space<hbm>>) target(%dma_start3A_78 : memref<16x64xf32, #tpu.memory_space<vmem>>) offsets(%dma_start3A_80 : memref<16xi32, #tpu.memory_space<vmem>>) semaphore(%arg10 : memref<!tpu.dma_semaphore, #tpu.memory_space<semaphore_mem>>)
    %dma_wait3A_84 = arith.constant 0 : i32
    %dma_wait3A_85 = arith.constant 0 : i32
    %dma_wait3A_86 = arith.constant 0 : i32
    %dma_wait3A_87 = tpu.memref_slice %arg8[%dma_wait3A_84, %dma_wait3A_85, %dma_wait3A_86] : memref<6x128x64xf32, #tpu.memory_space<vmem>> -> memref<1x16x64xf32, #tpu.memory_space<vmem>>
    %dma_wait3A_88 = tpu.memref_squeeze %dma_wait3A_87 : memref<1x16x64xf32, #tpu.memory_space<vmem>> -> memref<16x64xf32, #tpu.memory_space<vmem>>
    %dma_wait3A_89 = arith.constant 9984 : i32
    %dma_wait3A_90 = tpu.memref_slice %arg6[%dma_wait3A_89] : memref<10000xi32, #tpu.memory_space<vmem>> -> memref<16xi32, #tpu.memory_space<vmem>>
    %dma_wait3A_91 = arith.constant 0 : i32
    %dma_wait3A_92 = arith.constant 0 : i32
    %dma_wait3A_93 = tpu.memref_slice %arg2[%dma_wait3A_91, %dma_wait3A_92] : memref<10000x64xf32, #tpu.memory_space<hbm>> -> memref<10000x64xf32, #tpu.memory_space<hbm>>
    tpu.wait_indirect_dma semaphore(%arg10 : memref<!tpu.dma_semaphore, #tpu.memory_space<semaphore_mem>>) src(%dma_wait3A_93 : memref<10000x64xf32, #tpu.memory_space<hbm>>) dst(%dma_wait3A_88 : memref<16x64xf32, #tpu.memory_space<vmem>>)
    %run_scoped3A = arith.constant 0 : i32
    "tpu.region"() ({
      %run_scoped3A_102 = tpu.sem_alloc : memref<!tpu.dma_semaphore, #tpu.memory_space<semaphore_mem>>
      %dma_start3A_103 = arith.constant 0 : i32
      %dma_start3A_104 = arith.constant 0 : i32
      %dma_start3A_105 = tpu.memref_slice %arg8[%run_scoped3A, %dma_start3A_103, %dma_start3A_104] : memref<6x128x64xf32, #tpu.memory_space<vmem>> -> memref<1x16x64xf32, #tpu.memory_space<vmem>>
      %dma_start3A_106 = tpu.memref_squeeze %dma_start3A_105 : memref<1x16x64xf32, #tpu.memory_space<vmem>> -> memref<16x64xf32, #tpu.memory_space<vmem>>
      %dma_start3A_107 = arith.constant 9984 : i32
      %dma_start3A_108 = tpu.memref_slice %arg7[%dma_start3A_107] : memref<10000xi32, #tpu.memory_space<vmem>> -> memref<16xi32, #tpu.memory_space<vmem>>
      %dma_start3A_109 = arith.constant 0 : i32
      %dma_start3A_110 = arith.constant 0 : i32
      %dma_start3A_111 = tpu.memref_slice %arg9[%dma_start3A_109, %dma_start3A_110] : memref<10240x64xf32, #tpu.memory_space<vmem_shared>> -> memref<10240x64xf32, #tpu.memory_space<vmem_shared>>
      tpu.enqueue_indirect_dma source(%dma_start3A_106 : memref<16x64xf32, #tpu.memory_space<vmem>>) target(%dma_start3A_111 : memref<10240x64xf32, #tpu.memory_space<vmem_shared>>) offsets(%dma_start3A_108 : memref<16xi32, #tpu.memory_space<vmem>>) semaphore(%run_scoped3A_102 : memref<!tpu.dma_semaphore, #tpu.memory_space<semaphore_mem>>) {add = true}
      %dma_wait3A_112 = arith.constant 0 : i32
      %dma_wait3A_113 = arith.constant 0 : i32
      %dma_wait3A_114 = tpu.memref_slice %arg8[%run_scoped3A, %dma_wait3A_112, %dma_wait3A_113] : memref<6x128x64xf32, #tpu.memory_space<vmem>> -> memref<1x16x64xf32, #tpu.memory_space<vmem>>
      %dma_wait3A_115 = tpu.memref_squeeze %dma_wait3A_114 : memref<1x16x64xf32, #tpu.memory_space<vmem>> -> memref<16x64xf32, #tpu.memory_space<vmem>>
      %dma_wait3A_116 = arith.constant 9984 : i32
      %dma_wait3A_117 = tpu.memref_slice %arg7[%dma_wait3A_116] : memref<10000xi32, #tpu.memory_space<vmem>> -> memref<16xi32, #tpu.memory_space<vmem>>
      %dma_wait3A_118 = arith.constant 0 : i32
      %dma_wait3A_119 = arith.constant 0 : i32
      %dma_wait3A_120 = tpu.memref_slice %arg9[%dma_wait3A_118, %dma_wait3A_119] : memref<10240x64xf32, #tpu.memory_space<vmem_shared>> -> memref<10240x64xf32, #tpu.memory_space<vmem_shared>>
      tpu.wait_indirect_dma semaphore(%run_scoped3A_102 : memref<!tpu.dma_semaphore, #tpu.memory_space<semaphore_mem>>) src(%dma_wait3A_115 : memref<16x64xf32, #tpu.memory_space<vmem>>) dst(%dma_wait3A_120 : memref<10240x64xf32, #tpu.memory_space<vmem_shared>>)
      tpu.yield
    }) : () -> ()
    %barrier3A_94 = arith.constant 0 : index
    tpu.barrier barrier_id(%barrier3A_94)
    %mul3A_95 = arith.constant 640 : i32
    %mul3A_96 = arith.muli %arg1, %mul3A_95 : i32
    %mul3A_97 = arith.constant 10240 : i32
    %mul3A_98 = arith.muli %arg0, %mul3A_97 : i32
    %mul3A_99 = arith.constant 640 : i32
    %mul3A_100 = arith.muli %arg1, %mul3A_99 : i32
    %add3A_101 = arith.addi %mul3A_98, %mul3A_100 : i32
    "tpu.region"() ({
      %run_scoped3A_102 = tpu.sem_alloc : memref<!tpu.dma_semaphore, #tpu.memory_space<semaphore_mem>>
      %dma_start3A_103 = arith.constant 0 : i32
      %dma_start3A_104 = tpu.memref_slice %arg5[%add3A_101, %dma_start3A_103] : memref<20480x64xf32, #tpu.memory_space<hbm>> -> memref<640x64xf32, #tpu.memory_space<hbm>>
      %dma_start3A_105 = arith.constant 0 : i32
      %dma_start3A_106 = tpu.memref_slice %arg9[%mul3A_96, %dma_start3A_105] : memref<10240x64xf32, #tpu.memory_space<vmem_shared>> -> memref<640x64xf32, #tpu.memory_space<vmem_shared>>
      tpu.enqueue_dma source(%dma_start3A_106 : memref<640x64xf32, #tpu.memory_space<vmem_shared>>) target(%dma_start3A_104 : memref<640x64xf32, #tpu.memory_space<hbm>>) target_semaphore(%run_scoped3A_102 : memref<!tpu.dma_semaphore, #tpu.memory_space<semaphore_mem>>)
      %dma_wait3A_107 = arith.constant 0 : i32
      %dma_wait3A_108 = tpu.memref_slice %arg5[%add3A_101, %dma_wait3A_107] : memref<20480x64xf32, #tpu.memory_space<hbm>> -> memref<640x64xf32, #tpu.memory_space<hbm>>
      %dma_wait3A_109 = arith.constant 0 : i32
      %dma_wait3A_110 = tpu.memref_slice %arg9[%mul3A_96, %dma_wait3A_109] : memref<10240x64xf32, #tpu.memory_space<vmem_shared>> -> memref<640x64xf32, #tpu.memory_space<vmem_shared>>
      tpu.wait_dma2 semaphore(%run_scoped3A_102 : memref<!tpu.dma_semaphore, #tpu.memory_space<semaphore_mem>>) src(%dma_wait3A_110 : memref<640x64xf32, #tpu.memory_space<vmem_shared>>) dst(%dma_wait3A_108 : memref<640x64xf32, #tpu.memory_space<hbm>>)
      tpu.yield
    }) : () -> ()
    return
  }
}

#map = affine_map<(d0, d1) -> (0)>
module attributes {stable_mosaic.version = 14 : i64} {
  func.func @_sc_hist(%arg0: i32, %arg1: i32, %arg2: memref<640000xi32, #tpu.memory_space<hbm>>, %arg3: memref<128xf32, #tpu.memory_space<hbm>>, %arg4: memref<10240xf32, #tpu.memory_space<hbm>>, %arg5: memref<20480xf32, #tpu.memory_space<hbm>>, %arg6: memref<10000xi32, #tpu.memory_space<vmem>>, %arg7: memref<128xf32, #tpu.memory_space<vmem>>, %arg8: memref<10240xf32, #tpu.memory_space<vmem_shared>>, %arg9: memref<!tpu.dma_semaphore, #tpu.memory_space<semaphore_mem>>) attributes {dimension_semantics = [#tpu.dimension_semantics<core_parallel>, #tpu.dimension_semantics<subcore_parallel>], iteration_bounds = array<i64: 2, 16>, scalar_prefetch = 0 : i64, scratch_operands = 4 : i64, tpu.core_type = #tpu.core_type<sc_vector_subcore>, window_params = [{transform_indices = #map}, {transform_indices = #map}, {transform_indices = #map}, {transform_indices = #map}]} {
    %mul3A = arith.constant 16 : i32
    %mul3A_0 = arith.muli %arg0, %mul3A : i32
    %add3A = arith.addi %mul3A_0, %arg1 : i32
    %mul3A_1 = arith.constant 640 : i32
    %mul3A_2 = arith.muli %arg1, %mul3A_1 : i32
    %mul3A_3 = arith.constant 640 : i32
    %mul3A_4 = arith.muli %arg1, %mul3A_3 : i32
    "tpu.region"() ({
      %run_scoped3A = tpu.sem_alloc : memref<!tpu.dma_semaphore, #tpu.memory_space<semaphore_mem>>
      %dma_start3A_84 = tpu.memref_slice %arg8[%mul3A_4] : memref<10240xf32, #tpu.memory_space<vmem_shared>> -> memref<640xf32, #tpu.memory_space<vmem_shared>>
      %dma_start3A_85 = tpu.memref_slice %arg4[%mul3A_2] : memref<10240xf32, #tpu.memory_space<hbm>> -> memref<640xf32, #tpu.memory_space<hbm>>
      tpu.enqueue_dma source(%dma_start3A_85 : memref<640xf32, #tpu.memory_space<hbm>>) target(%dma_start3A_84 : memref<640xf32, #tpu.memory_space<vmem_shared>>) target_semaphore(%run_scoped3A : memref<!tpu.dma_semaphore, #tpu.memory_space<semaphore_mem>>)
      %dma_wait3A_86 = tpu.memref_slice %arg8[%mul3A_4] : memref<10240xf32, #tpu.memory_space<vmem_shared>> -> memref<640xf32, #tpu.memory_space<vmem_shared>>
      %dma_wait3A_87 = tpu.memref_slice %arg4[%mul3A_2] : memref<10240xf32, #tpu.memory_space<hbm>> -> memref<640xf32, #tpu.memory_space<hbm>>
      tpu.wait_dma2 semaphore(%run_scoped3A : memref<!tpu.dma_semaphore, #tpu.memory_space<semaphore_mem>>) src(%dma_wait3A_87 : memref<640xf32, #tpu.memory_space<hbm>>) dst(%dma_wait3A_86 : memref<640xf32, #tpu.memory_space<vmem_shared>>)
      tpu.yield
    }) : () -> ()
    "tpu.region"() ({
      %run_scoped3A = tpu.sem_alloc : memref<!tpu.dma_semaphore, #tpu.memory_space<semaphore_mem>>
      tpu.enqueue_dma source(%arg3 : memref<128xf32, #tpu.memory_space<hbm>>) target(%arg7 : memref<128xf32, #tpu.memory_space<vmem>>) target_semaphore(%run_scoped3A : memref<!tpu.dma_semaphore, #tpu.memory_space<semaphore_mem>>)
      tpu.wait_dma2 semaphore(%run_scoped3A : memref<!tpu.dma_semaphore, #tpu.memory_space<semaphore_mem>>) src(%arg3 : memref<128xf32, #tpu.memory_space<hbm>>) dst(%arg7 : memref<128xf32, #tpu.memory_space<vmem>>)
      tpu.yield
    }) : () -> ()
    %mul3A_5 = arith.constant 10000 : i32
    %mul3A_6 = arith.muli %add3A, %mul3A_5 : i32
    %add3A_7 = arith.constant 320000 : i32
    %add3A_8 = arith.addi %add3A_7, %mul3A_6 : i32
    "tpu.region"() ({
      %run_scoped3A = tpu.sem_alloc : memref<!tpu.dma_semaphore, #tpu.memory_space<semaphore_mem>>
      %dma_start3A_84 = tpu.memref_slice %arg2[%add3A_8] : memref<640000xi32, #tpu.memory_space<hbm>> -> memref<10000xi32, #tpu.memory_space<hbm>>
      %dma_start3A_85 = tpu.memref_slice %arg2[%add3A_8] : memref<640000xi32, #tpu.memory_space<hbm>> -> memref<10000xi32, #tpu.memory_space<hbm>>
      tpu.enqueue_dma source(%dma_start3A_85 : memref<10000xi32, #tpu.memory_space<hbm>>) target(%arg6 : memref<10000xi32, #tpu.memory_space<vmem>>) target_semaphore(%run_scoped3A : memref<!tpu.dma_semaphore, #tpu.memory_space<semaphore_mem>>)
      %dma_wait3A_86 = tpu.memref_slice %arg2[%add3A_8] : memref<640000xi32, #tpu.memory_space<hbm>> -> memref<10000xi32, #tpu.memory_space<hbm>>
      %dma_wait3A_87 = tpu.memref_slice %arg2[%add3A_8] : memref<640000xi32, #tpu.memory_space<hbm>> -> memref<10000xi32, #tpu.memory_space<hbm>>
      tpu.wait_dma2 semaphore(%run_scoped3A : memref<!tpu.dma_semaphore, #tpu.memory_space<semaphore_mem>>) src(%dma_wait3A_87 : memref<10000xi32, #tpu.memory_space<hbm>>) dst(%arg6 : memref<10000xi32, #tpu.memory_space<vmem>>)
      tpu.yield
    }) : () -> ()
    %barrier3A = arith.constant 0 : index
    tpu.barrier barrier_id(%barrier3A)
    %dma_start3A = arith.constant 0 : i32
    %dma_start3A_9 = tpu.memref_slice %arg6[%dma_start3A] : memref<10000xi32, #tpu.memory_space<vmem>> -> memref<128xi32, #tpu.memory_space<vmem>>
    %dma_start3A_10 = arith.constant 0 : i32
    %dma_start3A_11 = tpu.memref_slice %arg8[%dma_start3A_10] : memref<10240xf32, #tpu.memory_space<vmem_shared>> -> memref<10240xf32, #tpu.memory_space<vmem_shared>>
    tpu.enqueue_indirect_dma source(%arg7 : memref<128xf32, #tpu.memory_space<vmem>>) target(%dma_start3A_11 : memref<10240xf32, #tpu.memory_space<vmem_shared>>) offsets(%dma_start3A_9 : memref<128xi32, #tpu.memory_space<vmem>>) semaphore(%arg9 : memref<!tpu.dma_semaphore, #tpu.memory_space<semaphore_mem>>) {add = true}
    %dma_start3A_12 = arith.constant 128 : i32
    %dma_start3A_13 = tpu.memref_slice %arg6[%dma_start3A_12] : memref<10000xi32, #tpu.memory_space<vmem>> -> memref<128xi32, #tpu.memory_space<vmem>>
    %dma_start3A_14 = arith.constant 0 : i32
    %dma_start3A_15 = tpu.memref_slice %arg8[%dma_start3A_14] : memref<10240xf32, #tpu.memory_space<vmem_shared>> -> memref<10240xf32, #tpu.memory_space<vmem_shared>>
    tpu.enqueue_indirect_dma source(%arg7 : memref<128xf32, #tpu.memory_space<vmem>>) target(%dma_start3A_15 : memref<10240xf32, #tpu.memory_space<vmem_shared>>) offsets(%dma_start3A_13 : memref<128xi32, #tpu.memory_space<vmem>>) semaphore(%arg9 : memref<!tpu.dma_semaphore, #tpu.memory_space<semaphore_mem>>) {add = true}
    %dma_start3A_16 = arith.constant 256 : i32
    %dma_start3A_17 = tpu.memref_slice %arg6[%dma_start3A_16] : memref<10000xi32, #tpu.memory_space<vmem>> -> memref<128xi32, #tpu.memory_space<vmem>>
    %dma_start3A_18 = arith.constant 0 : i32
    %dma_start3A_19 = tpu.memref_slice %arg8[%dma_start3A_18] : memref<10240xf32, #tpu.memory_space<vmem_shared>> -> memref<10240xf32, #tpu.memory_space<vmem_shared>>
    tpu.enqueue_indirect_dma source(%arg7 : memref<128xf32, #tpu.memory_space<vmem>>) target(%dma_start3A_19 : memref<10240xf32, #tpu.memory_space<vmem_shared>>) offsets(%dma_start3A_17 : memref<128xi32, #tpu.memory_space<vmem>>) semaphore(%arg9 : memref<!tpu.dma_semaphore, #tpu.memory_space<semaphore_mem>>) {add = true}
    %dma_start3A_20 = arith.constant 384 : i32
    %dma_start3A_21 = tpu.memref_slice %arg6[%dma_start3A_20] : memref<10000xi32, #tpu.memory_space<vmem>> -> memref<128xi32, #tpu.memory_space<vmem>>
    %dma_start3A_22 = arith.constant 0 : i32
    %dma_start3A_23 = tpu.memref_slice %arg8[%dma_start3A_22] : memref<10240xf32, #tpu.memory_space<vmem_shared>> -> memref<10240xf32, #tpu.memory_space<vmem_shared>>
    tpu.enqueue_indirect_dma source(%arg7 : memref<128xf32, #tpu.memory_space<vmem>>) target(%dma_start3A_23 : memref<10240xf32, #tpu.memory_space<vmem_shared>>) offsets(%dma_start3A_21 : memref<128xi32, #tpu.memory_space<vmem>>) semaphore(%arg9 : memref<!tpu.dma_semaphore, #tpu.memory_space<semaphore_mem>>) {add = true}
    %dma_start3A_24 = arith.constant 512 : i32
    %dma_start3A_25 = tpu.memref_slice %arg6[%dma_start3A_24] : memref<10000xi32, #tpu.memory_space<vmem>> -> memref<128xi32, #tpu.memory_space<vmem>>
    %dma_start3A_26 = arith.constant 0 : i32
    %dma_start3A_27 = tpu.memref_slice %arg8[%dma_start3A_26] : memref<10240xf32, #tpu.memory_space<vmem_shared>> -> memref<10240xf32, #tpu.memory_space<vmem_shared>>
    tpu.enqueue_indirect_dma source(%arg7 : memref<128xf32, #tpu.memory_space<vmem>>) target(%dma_start3A_27 : memref<10240xf32, #tpu.memory_space<vmem_shared>>) offsets(%dma_start3A_25 : memref<128xi32, #tpu.memory_space<vmem>>) semaphore(%arg9 : memref<!tpu.dma_semaphore, #tpu.memory_space<semaphore_mem>>) {add = true}
    %dma_start3A_28 = arith.constant 640 : i32
    %dma_start3A_29 = tpu.memref_slice %arg6[%dma_start3A_28] : memref<10000xi32, #tpu.memory_space<vmem>> -> memref<128xi32, #tpu.memory_space<vmem>>
    %dma_start3A_30 = arith.constant 0 : i32
    %dma_start3A_31 = tpu.memref_slice %arg8[%dma_start3A_30] : memref<10240xf32, #tpu.memory_space<vmem_shared>> -> memref<10240xf32, #tpu.memory_space<vmem_shared>>
    tpu.enqueue_indirect_dma source(%arg7 : memref<128xf32, #tpu.memory_space<vmem>>) target(%dma_start3A_31 : memref<10240xf32, #tpu.memory_space<vmem_shared>>) offsets(%dma_start3A_29 : memref<128xi32, #tpu.memory_space<vmem>>) semaphore(%arg9 : memref<!tpu.dma_semaphore, #tpu.memory_space<semaphore_mem>>) {add = true}
    %dma_start3A_32 = arith.constant 768 : i32
    %dma_start3A_33 = tpu.memref_slice %arg6[%dma_start3A_32] : memref<10000xi32, #tpu.memory_space<vmem>> -> memref<128xi32, #tpu.memory_space<vmem>>
    %dma_start3A_34 = arith.constant 0 : i32
    %dma_start3A_35 = tpu.memref_slice %arg8[%dma_start3A_34] : memref<10240xf32, #tpu.memory_space<vmem_shared>> -> memref<10240xf32, #tpu.memory_space<vmem_shared>>
    tpu.enqueue_indirect_dma source(%arg7 : memref<128xf32, #tpu.memory_space<vmem>>) target(%dma_start3A_35 : memref<10240xf32, #tpu.memory_space<vmem_shared>>) offsets(%dma_start3A_33 : memref<128xi32, #tpu.memory_space<vmem>>) semaphore(%arg9 : memref<!tpu.dma_semaphore, #tpu.memory_space<semaphore_mem>>) {add = true}
    %dma_start3A_36 = arith.constant 896 : i32
    %dma_start3A_37 = tpu.memref_slice %arg6[%dma_start3A_36] : memref<10000xi32, #tpu.memory_space<vmem>> -> memref<128xi32, #tpu.memory_space<vmem>>
    %dma_start3A_38 = arith.constant 0 : i32
    %dma_start3A_39 = tpu.memref_slice %arg8[%dma_start3A_38] : memref<10240xf32, #tpu.memory_space<vmem_shared>> -> memref<10240xf32, #tpu.memory_space<vmem_shared>>
    tpu.enqueue_indirect_dma source(%arg7 : memref<128xf32, #tpu.memory_space<vmem>>) target(%dma_start3A_39 : memref<10240xf32, #tpu.memory_space<vmem_shared>>) offsets(%dma_start3A_37 : memref<128xi32, #tpu.memory_space<vmem>>) semaphore(%arg9 : memref<!tpu.dma_semaphore, #tpu.memory_space<semaphore_mem>>) {add = true}
    %scan3A = arith.constant 0 : i32
    %scan3A_40 = arith.constant 0 : i32
    %scan3A_41 = arith.constant 70 : i32
    %scan3A_42 = arith.addi %scan3A_40, %scan3A_41 : i32
    %scan3A_43 = arith.constant 1 : i32
    scf.for %scan3A_84 = %scan3A_40 to %scan3A_42 step %scan3A_43  : i32 {
      %dma_wait3A_85 = arith.constant 0 : i32
      %dma_wait3A_86 = tpu.memref_slice %arg6[%dma_wait3A_85] : memref<10000xi32, #tpu.memory_space<vmem>> -> memref<128xi32, #tpu.memory_space<vmem>>
      %dma_wait3A_87 = arith.constant 0 : i32
      %dma_wait3A_88 = tpu.memref_slice %arg8[%dma_wait3A_87] : memref<10240xf32, #tpu.memory_space<vmem_shared>> -> memref<10240xf32, #tpu.memory_space<vmem_shared>>
      tpu.wait_indirect_dma semaphore(%arg9 : memref<!tpu.dma_semaphore, #tpu.memory_space<semaphore_mem>>) src(%arg7 : memref<128xf32, #tpu.memory_space<vmem>>) dst(%dma_wait3A_88 : memref<10240xf32, #tpu.memory_space<vmem_shared>>)
      %add3A_89 = arith.constant 8 : i32
      %add3A_90 = arith.addi %scan3A_84, %add3A_89 : i32
      %mul3A_91 = arith.constant 128 : i32
      %mul3A_92 = arith.muli %add3A_90, %mul3A_91 : i32
      %dma_start3A_93 = tpu.memref_slice %arg6[%mul3A_92] : memref<10000xi32, #tpu.memory_space<vmem>> -> memref<128xi32, #tpu.memory_space<vmem>>
      %dma_start3A_94 = arith.constant 0 : i32
      %dma_start3A_95 = tpu.memref_slice %arg8[%dma_start3A_94] : memref<10240xf32, #tpu.memory_space<vmem_shared>> -> memref<10240xf32, #tpu.memory_space<vmem_shared>>
      tpu.enqueue_indirect_dma source(%arg7 : memref<128xf32, #tpu.memory_space<vmem>>) target(%dma_start3A_95 : memref<10240xf32, #tpu.memory_space<vmem_shared>>) offsets(%dma_start3A_93 : memref<128xi32, #tpu.memory_space<vmem>>) semaphore(%arg9 : memref<!tpu.dma_semaphore, #tpu.memory_space<semaphore_mem>>) {add = true}
    }
    %scan3A_44 = arith.constant 70 : i32
    %dma_wait3A = arith.constant 0 : i32
    %dma_wait3A_45 = tpu.memref_slice %arg6[%dma_wait3A] : memref<10000xi32, #tpu.memory_space<vmem>> -> memref<128xi32, #tpu.memory_space<vmem>>
    %dma_wait3A_46 = arith.constant 0 : i32
    %dma_wait3A_47 = tpu.memref_slice %arg8[%dma_wait3A_46] : memref<10240xf32, #tpu.memory_space<vmem_shared>> -> memref<10240xf32, #tpu.memory_space<vmem_shared>>
    tpu.wait_indirect_dma semaphore(%arg9 : memref<!tpu.dma_semaphore, #tpu.memory_space<semaphore_mem>>) src(%arg7 : memref<128xf32, #tpu.memory_space<vmem>>) dst(%dma_wait3A_47 : memref<10240xf32, #tpu.memory_space<vmem_shared>>)
    %dma_wait3A_48 = arith.constant 0 : i32
    %dma_wait3A_49 = tpu.memref_slice %arg6[%dma_wait3A_48] : memref<10000xi32, #tpu.memory_space<vmem>> -> memref<128xi32, #tpu.memory_space<vmem>>
    %dma_wait3A_50 = arith.constant 0 : i32
    %dma_wait3A_51 = tpu.memref_slice %arg8[%dma_wait3A_50] : memref<10240xf32, #tpu.memory_space<vmem_shared>> -> memref<10240xf32, #tpu.memory_space<vmem_shared>>
    tpu.wait_indirect_dma semaphore(%arg9 : memref<!tpu.dma_semaphore, #tpu.memory_space<semaphore_mem>>) src(%arg7 : memref<128xf32, #tpu.memory_space<vmem>>) dst(%dma_wait3A_51 : memref<10240xf32, #tpu.memory_space<vmem_shared>>)
    %dma_wait3A_52 = arith.constant 0 : i32
    %dma_wait3A_53 = tpu.memref_slice %arg6[%dma_wait3A_52] : memref<10000xi32, #tpu.memory_space<vmem>> -> memref<128xi32, #tpu.memory_space<vmem>>
    %dma_wait3A_54 = arith.constant 0 : i32
    %dma_wait3A_55 = tpu.memref_slice %arg8[%dma_wait3A_54] : memref<10240xf32, #tpu.memory_space<vmem_shared>> -> memref<10240xf32, #tpu.memory_space<vmem_shared>>
    tpu.wait_indirect_dma semaphore(%arg9 : memref<!tpu.dma_semaphore, #tpu.memory_space<semaphore_mem>>) src(%arg7 : memref<128xf32, #tpu.memory_space<vmem>>) dst(%dma_wait3A_55 : memref<10240xf32, #tpu.memory_space<vmem_shared>>)
    %dma_wait3A_56 = arith.constant 0 : i32
    %dma_wait3A_57 = tpu.memref_slice %arg6[%dma_wait3A_56] : memref<10000xi32, #tpu.memory_space<vmem>> -> memref<128xi32, #tpu.memory_space<vmem>>
    %dma_wait3A_58 = arith.constant 0 : i32
    %dma_wait3A_59 = tpu.memref_slice %arg8[%dma_wait3A_58] : memref<10240xf32, #tpu.memory_space<vmem_shared>> -> memref<10240xf32, #tpu.memory_space<vmem_shared>>
    tpu.wait_indirect_dma semaphore(%arg9 : memref<!tpu.dma_semaphore, #tpu.memory_space<semaphore_mem>>) src(%arg7 : memref<128xf32, #tpu.memory_space<vmem>>) dst(%dma_wait3A_59 : memref<10240xf32, #tpu.memory_space<vmem_shared>>)
    %dma_wait3A_60 = arith.constant 0 : i32
    %dma_wait3A_61 = tpu.memref_slice %arg6[%dma_wait3A_60] : memref<10000xi32, #tpu.memory_space<vmem>> -> memref<128xi32, #tpu.memory_space<vmem>>
    %dma_wait3A_62 = arith.constant 0 : i32
    %dma_wait3A_63 = tpu.memref_slice %arg8[%dma_wait3A_62] : memref<10240xf32, #tpu.memory_space<vmem_shared>> -> memref<10240xf32, #tpu.memory_space<vmem_shared>>
    tpu.wait_indirect_dma semaphore(%arg9 : memref<!tpu.dma_semaphore, #tpu.memory_space<semaphore_mem>>) src(%arg7 : memref<128xf32, #tpu.memory_space<vmem>>) dst(%dma_wait3A_63 : memref<10240xf32, #tpu.memory_space<vmem_shared>>)
    %dma_wait3A_64 = arith.constant 0 : i32
    %dma_wait3A_65 = tpu.memref_slice %arg6[%dma_wait3A_64] : memref<10000xi32, #tpu.memory_space<vmem>> -> memref<128xi32, #tpu.memory_space<vmem>>
    %dma_wait3A_66 = arith.constant 0 : i32
    %dma_wait3A_67 = tpu.memref_slice %arg8[%dma_wait3A_66] : memref<10240xf32, #tpu.memory_space<vmem_shared>> -> memref<10240xf32, #tpu.memory_space<vmem_shared>>
    tpu.wait_indirect_dma semaphore(%arg9 : memref<!tpu.dma_semaphore, #tpu.memory_space<semaphore_mem>>) src(%arg7 : memref<128xf32, #tpu.memory_space<vmem>>) dst(%dma_wait3A_67 : memref<10240xf32, #tpu.memory_space<vmem_shared>>)
    %dma_wait3A_68 = arith.constant 0 : i32
    %dma_wait3A_69 = tpu.memref_slice %arg6[%dma_wait3A_68] : memref<10000xi32, #tpu.memory_space<vmem>> -> memref<128xi32, #tpu.memory_space<vmem>>
    %dma_wait3A_70 = arith.constant 0 : i32
    %dma_wait3A_71 = tpu.memref_slice %arg8[%dma_wait3A_70] : memref<10240xf32, #tpu.memory_space<vmem_shared>> -> memref<10240xf32, #tpu.memory_space<vmem_shared>>
    tpu.wait_indirect_dma semaphore(%arg9 : memref<!tpu.dma_semaphore, #tpu.memory_space<semaphore_mem>>) src(%arg7 : memref<128xf32, #tpu.memory_space<vmem>>) dst(%dma_wait3A_71 : memref<10240xf32, #tpu.memory_space<vmem_shared>>)
    %dma_wait3A_72 = arith.constant 0 : i32
    %dma_wait3A_73 = tpu.memref_slice %arg6[%dma_wait3A_72] : memref<10000xi32, #tpu.memory_space<vmem>> -> memref<128xi32, #tpu.memory_space<vmem>>
    %dma_wait3A_74 = arith.constant 0 : i32
    %dma_wait3A_75 = tpu.memref_slice %arg8[%dma_wait3A_74] : memref<10240xf32, #tpu.memory_space<vmem_shared>> -> memref<10240xf32, #tpu.memory_space<vmem_shared>>
    tpu.wait_indirect_dma semaphore(%arg9 : memref<!tpu.dma_semaphore, #tpu.memory_space<semaphore_mem>>) src(%arg7 : memref<128xf32, #tpu.memory_space<vmem>>) dst(%dma_wait3A_75 : memref<10240xf32, #tpu.memory_space<vmem_shared>>)
    "tpu.region"() ({
      %run_scoped3A = tpu.sem_alloc : memref<!tpu.dma_semaphore, #tpu.memory_space<semaphore_mem>>
      %dma_start3A_84 = arith.constant 0 : i32
      %dma_start3A_85 = tpu.memref_slice %arg7[%dma_start3A_84] : memref<128xf32, #tpu.memory_space<vmem>> -> memref<16xf32, #tpu.memory_space<vmem>>
      %dma_start3A_86 = arith.constant 9984 : i32
      %dma_start3A_87 = tpu.memref_slice %arg6[%dma_start3A_86] : memref<10000xi32, #tpu.memory_space<vmem>> -> memref<16xi32, #tpu.memory_space<vmem>>
      %dma_start3A_88 = arith.constant 0 : i32
      %dma_start3A_89 = tpu.memref_slice %arg8[%dma_start3A_88] : memref<10240xf32, #tpu.memory_space<vmem_shared>> -> memref<10240xf32, #tpu.memory_space<vmem_shared>>
      tpu.enqueue_indirect_dma source(%dma_start3A_85 : memref<16xf32, #tpu.memory_space<vmem>>) target(%dma_start3A_89 : memref<10240xf32, #tpu.memory_space<vmem_shared>>) offsets(%dma_start3A_87 : memref<16xi32, #tpu.memory_space<vmem>>) semaphore(%run_scoped3A : memref<!tpu.dma_semaphore, #tpu.memory_space<semaphore_mem>>) {add = true}
      %dma_wait3A_90 = arith.constant 0 : i32
      %dma_wait3A_91 = tpu.memref_slice %arg7[%dma_wait3A_90] : memref<128xf32, #tpu.memory_space<vmem>> -> memref<16xf32, #tpu.memory_space<vmem>>
      %dma_wait3A_92 = arith.constant 9984 : i32
      %dma_wait3A_93 = tpu.memref_slice %arg6[%dma_wait3A_92] : memref<10000xi32, #tpu.memory_space<vmem>> -> memref<16xi32, #tpu.memory_space<vmem>>
      %dma_wait3A_94 = arith.constant 0 : i32
      %dma_wait3A_95 = tpu.memref_slice %arg8[%dma_wait3A_94] : memref<10240xf32, #tpu.memory_space<vmem_shared>> -> memref<10240xf32, #tpu.memory_space<vmem_shared>>
      tpu.wait_indirect_dma semaphore(%run_scoped3A : memref<!tpu.dma_semaphore, #tpu.memory_space<semaphore_mem>>) src(%dma_wait3A_91 : memref<16xf32, #tpu.memory_space<vmem>>) dst(%dma_wait3A_95 : memref<10240xf32, #tpu.memory_space<vmem_shared>>)
      tpu.yield
    }) : () -> ()
    %barrier3A_76 = arith.constant 0 : index
    tpu.barrier barrier_id(%barrier3A_76)
    %mul3A_77 = arith.constant 640 : i32
    %mul3A_78 = arith.muli %arg1, %mul3A_77 : i32
    %mul3A_79 = arith.constant 10240 : i32
    %mul3A_80 = arith.muli %arg0, %mul3A_79 : i32
    %mul3A_81 = arith.constant 640 : i32
    %mul3A_82 = arith.muli %arg1, %mul3A_81 : i32
    %add3A_83 = arith.addi %mul3A_80, %mul3A_82 : i32
    "tpu.region"() ({
      %run_scoped3A = tpu.sem_alloc : memref<!tpu.dma_semaphore, #tpu.memory_space<semaphore_mem>>
      %dma_start3A_84 = tpu.memref_slice %arg5[%add3A_83] : memref<20480xf32, #tpu.memory_space<hbm>> -> memref<640xf32, #tpu.memory_space<hbm>>
      %dma_start3A_85 = tpu.memref_slice %arg8[%mul3A_78] : memref<10240xf32, #tpu.memory_space<vmem_shared>> -> memref<640xf32, #tpu.memory_space<vmem_shared>>
      tpu.enqueue_dma source(%dma_start3A_85 : memref<640xf32, #tpu.memory_space<vmem_shared>>) target(%dma_start3A_84 : memref<640xf32, #tpu.memory_space<hbm>>) target_semaphore(%run_scoped3A : memref<!tpu.dma_semaphore, #tpu.memory_space<semaphore_mem>>)
      %dma_wait3A_86 = tpu.memref_slice %arg5[%add3A_83] : memref<20480xf32, #tpu.memory_space<hbm>> -> memref<640xf32, #tpu.memory_space<hbm>>
      %dma_wait3A_87 = tpu.memref_slice %arg8[%mul3A_78] : memref<10240xf32, #tpu.memory_space<vmem_shared>> -> memref<640xf32, #tpu.memory_space<vmem_shared>>
      tpu.wait_dma2 semaphore(%run_scoped3A : memref<!tpu.dma_semaphore, #tpu.memory_space<semaphore_mem>>) src(%dma_wait3A_87 : memref<640xf32, #tpu.memory_space<vmem_shared>>) dst(%dma_wait3A_86 : memref<640xf32, #tpu.memory_space<hbm>>)
      tpu.yield
    }) : () -> ()
    return
  }
}

module attributes {stable_mosaic.version = 14 : i64} {
  func.func @_tc_scale_matmul_body(%arg0: i32, %arg1: memref<2x2048xf32, #tpu.memory_space<vmem>>, %arg2: memref<2048x128xf32, #tpu.memory_space<vmem>>, %arg3: memref<128x64xf32, #tpu.memory_space<vmem>>, %arg4: memref<2048x64xf32, #tpu.memory_space<vmem>>) attributes {dimension_semantics = [#tpu.dimension_semantics<arbitrary>], iteration_bounds = array<i64: 5>, scalar_prefetch = 0 : i64, scratch_operands = 0 : i64, tpu.core_type = #tpu.core_type<tc>, window_params = [{transform_indices = @transform_0, window_bounds = array<i64: 2, 2048>}, {transform_indices = @transform_1, window_bounds = array<i64: 2048, 128>}, {pipeline_mode = #tpu.pipeline_mode<synchronous>, transform_indices = @transform_2, window_bounds = array<i64: 128, 64>}, {transform_indices = @transform_3, window_bounds = array<i64: 2048, 64>}]} {
    %get3A = arith.constant 0 : index
    %get3A_0 = arith.constant 0 : index
    %get3A_1 = vector.load %arg2[%get3A, %get3A_0] : memref<2048x128xf32, #tpu.memory_space<vmem>>, vector<2048x128xf32>
    %get3A_2 = arith.constant 0 : index
    %get3A_3 = arith.constant 0 : index
    %get3A_4 = vector.load %arg3[%get3A_2, %get3A_3] : memref<128x64xf32, #tpu.memory_space<vmem>>, vector<128x64xf32>
    %dot_general3A = arith.constant dense<0.000000e+00> : vector<2048x64xf32>
    %dot_general3A_5 = tpu.matmul %get3A_1, %get3A_4, %dot_general3A {dimension_numbers = #tpu.dot_dimension_numbers<[1], [0], [0], [1], [0, 0, 1, 1], [], []>, transpose_lhs_hint = false} : vector<2048x128xf32>, vector<128x64xf32>, vector<2048x64xf32> -> vector<2048x64xf32>
    %get3A_6 = arith.constant 0 : index
    %get3A_7 = arith.constant 0 : index
    %get3A_8 = vector.load %arg1[%get3A_6, %get3A_7] : memref<2x2048xf32, #tpu.memory_space<vmem>>, vector<1x2048xf32>
    %get3A_9 = arith.constant 1 : index
    %get3A_10 = arith.constant 0 : index
    %get3A_11 = vector.load %arg1[%get3A_9, %get3A_10] : memref<2x2048xf32, #tpu.memory_space<vmem>>, vector<1x2048xf32>
    %add3A = arith.addf %get3A_8, %get3A_11 : vector<1x2048xf32>
    %add3A_12 = arith.constant 1.000000e+00 : f32
    %add3A_13 = vector.broadcast %add3A_12 : f32 to vector<1x2048xf32>
    %add3A_14 = arith.addf %add3A, %add3A_13 : vector<1x2048xf32>
    %rsqrt3A = math.rsqrt %add3A_14 : vector<1x2048xf32>
    %reshape3A = vector.shape_cast %rsqrt3A : vector<1x2048xf32> to vector<2048x1xf32>
    %mul3A = vector.broadcast %reshape3A : vector<2048x1xf32> to vector<2048x64xf32>
    %mul3A_15 = arith.mulf %dot_general3A_5, %mul3A : vector<2048x64xf32>
    %swap3A = arith.constant 0 : index
    %swap3A_16 = arith.constant 0 : index
    %swap3A_17 = vector.load %arg4[%swap3A, %swap3A_16] : memref<2048x64xf32, #tpu.memory_space<vmem>>, vector<2048x64xf32>
    tpu.vector_store %arg4[%swap3A, %swap3A_16], %mul3A_15 {strides = array<i32>} : memref<2048x64xf32, #tpu.memory_space<vmem>>, vector<2048x64xf32>,
    return
  }
  func.func @transform_0(%arg0: i32) -> (i32, i32) {
    %c0_i32 = arith.constant 0 : i32
    %c0_i32_0 = arith.constant 0 : i32
    return %c0_i32, %arg0 : i32, i32
  }
  func.func @transform_1(%arg0: i32) -> (i32, i32) {
    %c0_i32 = arith.constant 0 : i32
    %c0_i32_0 = arith.constant 0 : i32
    return %arg0, %c0_i32 : i32, i32
  }
  func.func @transform_2(%arg0: i32) -> (i32, i32) {
    %c0_i32 = arith.constant 0 : i32
    %c0_i32_0 = arith.constant 0 : i32
    %c0_i32_1 = arith.constant 0 : i32
    return %c0_i32, %c0_i32_0 : i32, i32
  }
  func.func @transform_3(%arg0: i32) -> (i32, i32) {
    %c0_i32 = arith.constant 0 : i32
    %c0_i32_0 = arith.constant 0 : i32
    return %arg0, %c0_i32 : i32, i32
  }
}

module attributes {stable_mosaic.version = 14 : i64} {
  func.func @_tc_mid_body(%arg0: i32, %arg1: memref<2x2048xf32, #tpu.memory_space<vmem>>, %arg2: memref<2048x64xf32, #tpu.memory_space<vmem>>, %arg3: memref<2048x64xf32, #tpu.memory_space<vmem>>, %arg4: memref<2048x64xf32, #tpu.memory_space<vmem>>, %arg5: memref<64x64xf32, #tpu.memory_space<vmem>>, %arg6: memref<1x64xf32, #tpu.memory_space<vmem>>, %arg7: memref<2048x64xf32, #tpu.memory_space<vmem>>) attributes {dimension_semantics = [#tpu.dimension_semantics<arbitrary>], iteration_bounds = array<i64: 5>, scalar_prefetch = 0 : i64, scratch_operands = 0 : i64, tpu.core_type = #tpu.core_type<tc>, window_params = [{transform_indices = @transform_0, window_bounds = array<i64: 2, 2048>}, {transform_indices = @transform_1, window_bounds = array<i64: 2048, 64>}, {transform_indices = @transform_2, window_bounds = array<i64: 2048, 64>}, {transform_indices = @transform_3, window_bounds = array<i64: 2048, 64>}, {pipeline_mode = #tpu.pipeline_mode<synchronous>, transform_indices = @transform_4, window_bounds = array<i64: 64, 64>}, {pipeline_mode = #tpu.pipeline_mode<synchronous>, transform_indices = @transform_5, window_bounds = array<i64: 1, 64>}, {transform_indices = @transform_6, window_bounds = array<i64: 2048, 64>}]} {
    %get3A = arith.constant 0 : index
    %get3A_0 = arith.constant 0 : index
    %get3A_1 = vector.load %arg1[%get3A, %get3A_0] : memref<2x2048xf32, #tpu.memory_space<vmem>>, vector<1x2048xf32>
    %get3A_2 = arith.constant 1 : index
    %get3A_3 = arith.constant 0 : index
    %get3A_4 = vector.load %arg1[%get3A_2, %get3A_3] : memref<2x2048xf32, #tpu.memory_space<vmem>>, vector<1x2048xf32>
    %add3A = arith.addf %get3A_1, %get3A_4 : vector<1x2048xf32>
    %add3A_5 = arith.constant 1.000000e+00 : f32
    %add3A_6 = vector.broadcast %add3A_5 : f32 to vector<1x2048xf32>
    %add3A_7 = arith.addf %add3A, %add3A_6 : vector<1x2048xf32>
    %rsqrt3A = math.rsqrt %add3A_7 : vector<1x2048xf32>
    %reshape3A = vector.shape_cast %rsqrt3A : vector<1x2048xf32> to vector<2048x1xf32>
    %get3A_8 = arith.constant 0 : index
    %get3A_9 = arith.constant 0 : index
    %get3A_10 = vector.load %arg2[%get3A_8, %get3A_9] : memref<2048x64xf32, #tpu.memory_space<vmem>>, vector<2048x64xf32>
    %get3A_11 = arith.constant 0 : index
    %get3A_12 = arith.constant 0 : index
    %get3A_13 = vector.load %arg3[%get3A_11, %get3A_12] : memref<2048x64xf32, #tpu.memory_space<vmem>>, vector<2048x64xf32>
    %add3A_14 = arith.addf %get3A_10, %get3A_13 : vector<2048x64xf32>
    %get3A_15 = arith.constant 0 : index
    %get3A_16 = arith.constant 0 : index
    %get3A_17 = vector.load %arg4[%get3A_15, %get3A_16] : memref<2048x64xf32, #tpu.memory_space<vmem>>, vector<2048x64xf32>
    %add3A_18 = arith.addf %add3A_14, %get3A_17 : vector<2048x64xf32>
    %mul3A = vector.broadcast %reshape3A : vector<2048x1xf32> to vector<2048x64xf32>
    %mul3A_19 = arith.mulf %mul3A, %add3A_18 : vector<2048x64xf32>
    %get3A_20 = arith.constant 0 : index
    %get3A_21 = arith.constant 0 : index
    %get3A_22 = vector.load %arg6[%get3A_20, %get3A_21] : memref<1x64xf32, #tpu.memory_space<vmem>>, vector<1x64xf32>
    %add3A_23 = vector.broadcast %get3A_22 : vector<1x64xf32> to vector<2048x64xf32>
    %add3A_24 = arith.addf %mul3A_19, %add3A_23 : vector<2048x64xf32>
    %max3A = arith.constant 0.000000e+00 : f32
    %max3A_25 = vector.broadcast %max3A : f32 to vector<2048x64xf32>
    %max3A_26 = arith.maximumf %add3A_24, %max3A_25 : vector<2048x64xf32>
    %get3A_27 = arith.constant 0 : index
    %get3A_28 = arith.constant 0 : index
    %get3A_29 = vector.load %arg5[%get3A_27, %get3A_28] : memref<64x64xf32, #tpu.memory_space<vmem>>, vector<64x64xf32>
    %dot_general3A = arith.constant dense<0.000000e+00> : vector<2048x64xf32>
    %dot_general3A_30 = tpu.matmul %max3A_26, %get3A_29, %dot_general3A {dimension_numbers = #tpu.dot_dimension_numbers<[1], [0], [0], [1], [0, 0, 1, 1], [], []>, transpose_lhs_hint = false} : vector<2048x64xf32>, vector<64x64xf32>, vector<2048x64xf32> -> vector<2048x64xf32>
    %mul3A_31 = vector.broadcast %reshape3A : vector<2048x1xf32> to vector<2048x64xf32>
    %mul3A_32 = arith.mulf %dot_general3A_30, %mul3A_31 : vector<2048x64xf32>
    %swap3A = arith.constant 0 : index
    %swap3A_33 = arith.constant 0 : index
    %swap3A_34 = vector.load %arg7[%swap3A, %swap3A_33] : memref<2048x64xf32, #tpu.memory_space<vmem>>, vector<2048x64xf32>
    tpu.vector_store %arg7[%swap3A, %swap3A_33], %mul3A_32 {strides = array<i32>} : memref<2048x64xf32, #tpu.memory_space<vmem>>, vector<2048x64xf32>,
    return
  }
  func.func @transform_0(%arg0: i32) -> (i32, i32) {
    %c0_i32 = arith.constant 0 : i32
    %c0_i32_0 = arith.constant 0 : i32
    return %c0_i32, %arg0 : i32, i32
  }
  func.func @transform_1(%arg0: i32) -> (i32, i32) {
    %c0_i32 = arith.constant 0 : i32
    %c0_i32_0 = arith.constant 0 : i32
    return %arg0, %c0_i32 : i32, i32
  }
  func.func @transform_2(%arg0: i32) -> (i32, i32) {
    %add3A = arith.constant 5 : i32
    %add3A_0 = arith.addi %arg0, %add3A : i32
    %c0_i32 = arith.constant 0 : i32
    %c0_i32_1 = arith.constant 0 : i32
    return %add3A_0, %c0_i32 : i32, i32
  }
  func.func @transform_3(%arg0: i32) -> (i32, i32) {
    %c0_i32 = arith.constant 0 : i32
    %c0_i32_0 = arith.constant 0 : i32
    return %arg0, %c0_i32 : i32, i32
  }
  func.func @transform_4(%arg0: i32) -> (i32, i32) {
    %c0_i32 = arith.constant 0 : i32
    %c0_i32_0 = arith.constant 0 : i32
    %c0_i32_1 = arith.constant 0 : i32
    return %c0_i32, %c0_i32_0 : i32, i32
  }
  func.func @transform_5(%arg0: i32) -> (i32, i32) {
    %c0_i32 = arith.constant 0 : i32
    %c0_i32_0 = arith.constant 0 : i32
    %c0_i32_1 = arith.constant 0 : i32
    return %c0_i32, %c0_i32_0 : i32, i32
  }
  func.func @transform_6(%arg0: i32) -> (i32, i32) {
    %c0_i32 = arith.constant 0 : i32
    %c0_i32_0 = arith.constant 0 : i32
    return %arg0, %c0_i32 : i32, i32
  }
}

module attributes {stable_mosaic.version = 14 : i64} {
  func.func @_tc_final_body(%arg0: i32, %arg1: memref<2x2048xf32, #tpu.memory_space<vmem>>, %arg2: memref<2048x64xf32, #tpu.memory_space<vmem>>, %arg3: memref<2048x64xf32, #tpu.memory_space<vmem>>, %arg4: memref<2048x64xf32, #tpu.memory_space<vmem>>, %arg5: memref<1x64xf32, #tpu.memory_space<vmem>>, %arg6: memref<2048x64xf32, #tpu.memory_space<vmem>>) attributes {dimension_semantics = [#tpu.dimension_semantics<arbitrary>], iteration_bounds = array<i64: 5>, scalar_prefetch = 0 : i64, scratch_operands = 0 : i64, tpu.core_type = #tpu.core_type<tc>, window_params = [{transform_indices = @transform_0, window_bounds = array<i64: 2, 2048>}, {transform_indices = @transform_1, window_bounds = array<i64: 2048, 64>}, {transform_indices = @transform_2, window_bounds = array<i64: 2048, 64>}, {transform_indices = @transform_3, window_bounds = array<i64: 2048, 64>}, {pipeline_mode = #tpu.pipeline_mode<synchronous>, transform_indices = @transform_4, window_bounds = array<i64: 1, 64>}, {transform_indices = @transform_5, window_bounds = array<i64: 2048, 64>}]} {
    %get3A = arith.constant 0 : index
    %get3A_0 = arith.constant 0 : index
    %get3A_1 = vector.load %arg2[%get3A, %get3A_0] : memref<2048x64xf32, #tpu.memory_space<vmem>>, vector<2048x64xf32>
    %get3A_2 = arith.constant 0 : index
    %get3A_3 = arith.constant 0 : index
    %get3A_4 = vector.load %arg3[%get3A_2, %get3A_3] : memref<2048x64xf32, #tpu.memory_space<vmem>>, vector<2048x64xf32>
    %add3A = arith.addf %get3A_1, %get3A_4 : vector<2048x64xf32>
    %get3A_5 = arith.constant 0 : index
    %get3A_6 = arith.constant 0 : index
    %get3A_7 = vector.load %arg4[%get3A_5, %get3A_6] : memref<2048x64xf32, #tpu.memory_space<vmem>>, vector<2048x64xf32>
    %add3A_8 = arith.addf %add3A, %get3A_7 : vector<2048x64xf32>
    %get3A_9 = arith.constant 0 : index
    %get3A_10 = arith.constant 0 : index
    %get3A_11 = vector.load %arg1[%get3A_9, %get3A_10] : memref<2x2048xf32, #tpu.memory_space<vmem>>, vector<1x2048xf32>
    %get3A_12 = arith.constant 1 : index
    %get3A_13 = arith.constant 0 : index
    %get3A_14 = vector.load %arg1[%get3A_12, %get3A_13] : memref<2x2048xf32, #tpu.memory_space<vmem>>, vector<1x2048xf32>
    %add3A_15 = arith.addf %get3A_11, %get3A_14 : vector<1x2048xf32>
    %add3A_16 = arith.constant 1.000000e+00 : f32
    %add3A_17 = vector.broadcast %add3A_16 : f32 to vector<1x2048xf32>
    %add3A_18 = arith.addf %add3A_15, %add3A_17 : vector<1x2048xf32>
    %rsqrt3A = math.rsqrt %add3A_18 : vector<1x2048xf32>
    %reshape3A = vector.shape_cast %rsqrt3A : vector<1x2048xf32> to vector<2048x1xf32>
    %mul3A = vector.broadcast %reshape3A : vector<2048x1xf32> to vector<2048x64xf32>
    %mul3A_19 = arith.mulf %mul3A, %add3A_8 : vector<2048x64xf32>
    %get3A_20 = arith.constant 0 : index
    %get3A_21 = arith.constant 0 : index
    %get3A_22 = vector.load %arg5[%get3A_20, %get3A_21] : memref<1x64xf32, #tpu.memory_space<vmem>>, vector<1x64xf32>
    %add3A_23 = vector.broadcast %get3A_22 : vector<1x64xf32> to vector<2048x64xf32>
    %add3A_24 = arith.addf %mul3A_19, %add3A_23 : vector<2048x64xf32>
    %max3A = arith.constant 0.000000e+00 : f32
    %max3A_25 = vector.broadcast %max3A : f32 to vector<2048x64xf32>
    %max3A_26 = arith.maximumf %add3A_24, %max3A_25 : vector<2048x64xf32>
    %swap3A = arith.constant 0 : index
    %swap3A_27 = arith.constant 0 : index
    %swap3A_28 = vector.load %arg6[%swap3A, %swap3A_27] : memref<2048x64xf32, #tpu.memory_space<vmem>>, vector<2048x64xf32>
    tpu.vector_store %arg6[%swap3A, %swap3A_27], %max3A_26 {strides = array<i32>} : memref<2048x64xf32, #tpu.memory_space<vmem>>, vector<2048x64xf32>,
    return
  }
  func.func @transform_0(%arg0: i32) -> (i32, i32) {
    %c0_i32 = arith.constant 0 : i32
    %c0_i32_0 = arith.constant 0 : i32
    return %c0_i32, %arg0 : i32, i32
  }
  func.func @transform_1(%arg0: i32) -> (i32, i32) {
    %c0_i32 = arith.constant 0 : i32
    %c0_i32_0 = arith.constant 0 : i32
    return %arg0, %c0_i32 : i32, i32
  }
  func.func @transform_2(%arg0: i32) -> (i32, i32) {
    %add3A = arith.constant 5 : i32
    %add3A_0 = arith.addi %arg0, %add3A : i32
    %c0_i32 = arith.constant 0 : i32
    %c0_i32_1 = arith.constant 0 : i32
    return %add3A_0, %c0_i32 : i32, i32
  }
  func.func @transform_3(%arg0: i32) -> (i32, i32) {
    %c0_i32 = arith.constant 0 : i32
    %c0_i32_0 = arith.constant 0 : i32
    return %arg0, %c0_i32 : i32, i32
  }
  func.func @transform_4(%arg0: i32) -> (i32, i32) {
    %c0_i32 = arith.constant 0 : i32
    %c0_i32_0 = arith.constant 0 : i32
    %c0_i32_1 = arith.constant 0 : i32
    return %c0_i32, %c0_i32_0 : i32, i32
  }
  func.func @transform_5(%arg0: i32) -> (i32, i32) {
    %c0_i32 = arith.constant 0 : i32
    %c0_i32_0 = arith.constant 0 : i32
    return %arg0, %c0_i32 : i32, i32
  }
}

</mosaic_0001>

<sc_bundles>
// kernel: kernel.11.cloned.1.call-start
scs
__scs_entry_jumppad:
0x0: {  	(pc) =	sbr.rel $0x88, $3  }
0x1: {  	(tag) =	ssettag $0x0;
	lr =	simm.s32 $0x1  }
0x2: {  	[smem:$0x3F9B] =	sst lr;
	_ =	strace $0xD0000000  }
0x3: {  	_ = 	snop  }
0x4: {  	_ = 	snop  }
0x5: {  	_ = 	snop  }
0x6: {  	_ = 	snop  }
0x7: {  	_ = 	snop  }
__scs_overlays_trampoline_lowered:
0x8: {  	[smem:$0x3FAA] =	sst s0  }
0x9: {  	[smem:$0x3FAB] =	sst s1  }
0xa: {  	[smem:$0x3FAC] =	sst s2  }
0xb: {  	[smem:$0x3FAD] =	sst s3  }
0xc: {  	[smem:$0x3FAE] =	sst s4  }
0xd: {  	[smem:$0x3FAF] =	sst s5  }
0xe: {  	[smem:$0x3FB0] =	sst s6  }
0xf: {  	[smem:$0x3FB1] =	sst s7  }
0x10: {  	[smem:$0x3FB2] =	sst s8  }
0x11: {  	[smem:$0x3FB3] =	sst s9;
	s0 =	simm.s32 @!p0 $0x0  }
0x12: {  	s1 =	sld [smem:$0x3F99];
	s0 =	simm.s32 @p0 $0x1  }
0x13: {  	[smem:$0x3FB4] =	sst s0;
	s0 =	simm.s32 @!p1 $0x0  }
0x14: {  	s2 =	sld [smem:$0x3F98];
	s0 =	simm.s32 @p1 $0x1  }
0x15: {  	[smem:$0x3FB5] =	sst s0;
	s0 =	simm.s32 @!p2 $0x0  }
0x16: {  	s3 =	sld [smem:$0x3FDB];
	s0 =	simm.s32 @p2 $0x1  }
0x17: {  	s4 =	simm.s32 $0x1BF5;
	[smem:$0x3FB7] =	sst s0  }
0x18: {  	s0 =	sld [smem:$0x3F9A];
	_ =	swait.ge [sflag:s4], $0x0  }
0x19: {  	s7 =	sld [smem:$0x3F9B]  }
0x1a: {  	s8 =	sadd.s32 $0xFFFFE003, lr  }
0x1b: {  	s9 =	sadd.s32 $0xFFFFFEF7, lr;
	s5 =	simm.s32 $0xFFFFFFFF;
	p2 =	slt.u32 s8, $0xFFFFF086  }
0x1c: {  	p1 =	slt.u32 s9, $0xF7A;
	s5 =	simm.s32 @!p2 $0x0  }
0x1d: {  	s5 =	simm.s32 @p1 $0x1;
	p0 =	seq.s32 s7, s2  }
0x1e: {  	s7 =	smul.u32 @!p0 $0xF7A, s2;
	p2 =	seq.s32 @!p0 s5, $0x0  }
0x1f: {  	s9 =	smul.u32 $0xF7A, s1;
	s8 =	simm.s32 @!p0 $0x1BF5;
	p2 =	por !p2, p0  }
0x20: {  	[sflag:s8] =	ssyncset.s32 @!p0 $0xFFFFF086;
	s6 =	sadd.s32 @!p0 s3, s7;
	s7 =	simm.s32 @!p0 $0x108  }
0x21: {  	s3 =	sadd.s32 s3, s9;
	s6 =	sadd.s32 @!p0 $0x88, s6;
	s7 =	simm.s32 @p2 $0x1082  }
0x22: {  	[simem:s7], [sflag:s8] =	dma.local @!p0 [hbm:s6], $0xF7A  }
0x23: {  	s9 =	sor.u32 $0xD0000000, s2;
	s6 =	simm.s32 $0x108;
	_ =	swait.ge @!p0 [sflag:s8], $0x0  }
0x24: {  	s3 =	sadd.s32 $0x88, s3;
	s6 =	simm.s32 @!p1 $0x1082;
	[sflag:s4] =	ssyncset.s32 $0xFFFFF086  }
0x25: {  	[simem:s6], [sflag:s4] =	dma.local [hbm:s3], $0xF7A  }
0x26: {  	[smem:$0x3F9B] =	sst s1;
	(tag) =	ssettag s2;
	_ =	strace s9  }
0x27: {  	s1 =	sld [smem:$0x3FAB]  }
0x28: {  	s2 =	sld [smem:$0x3FAC]  }
0x29: {  	s4 =	sld [smem:$0x3FAE]  }
0x2a: {  	p0 =	seq.s32 s5, $0x0;
	s5 =	sld [smem:$0x3FAF]  }
0x2b: {  	s6 =	sld [smem:$0x3FB0]  }
0x2c: {  	s7 =	sld [smem:$0x3FB1]  }
0x2d: {  	s3 =	simm.s32 $0x108;
	s8 =	sld [smem:$0x3FB2]  }
0x2e: {  	s3 =	simm.s32 @!p0 $0x1082;
	s9 =	sld [smem:$0x3FB3]  }
0x2f: {  	lr =	sadd.s32 s0, s3;
	s0 =	sld [smem:$0x3FAA]  }
0x30: {  	s3 =	sld [smem:$0x3FAD]  }
0x31: {  	[smem:$0x3FB6] =	sst s10  }
0x32: {  	s10 =	sld [smem:$0x3FB4];
	_ =	sdelay $0x3  }
0x33: {  	p0 =	seq.s32 s10, $0x1;
	s10 =	sld [smem:$0x3FB6];
	_ =	sdelay $0x3  }
0x34: {  	[smem:$0x3FB6] =	sst s10  }
0x35: {  	s10 =	sld [smem:$0x3FB5];
	_ =	sdelay $0x3  }
0x36: {  	p1 =	seq.s32 s10, $0x1;
	s10 =	sld [smem:$0x3FB6];
	_ =	sdelay $0x3  }
0x37: {  	[smem:$0x3FB6] =	sst s10  }
0x38: {  	s10 =	sld [smem:$0x3FB7]  }
0x39: {  	_ = 	snop;
	(pc) =	sbr.ind lr, $3  }
0x3a: {  	_ = 	snop  }
0x3b: {  	_ = 	snop  }
0x3c: {  	p2 =	seq.s32 s10, $0x1;
	s10 =	sld [smem:$0x3FB6]  }
0x3d: {  	_ =	shalt  }
0x3e: {  	_ =	shalt  }
0x3f: {  	_ =	shalt  }
0x40: {  	_ =	shalt  }
0x41: {  	_ =	shalt  }
0x42: {  	_ =	shalt  }
0x43: {  	_ =	shalt  }
0x44: {  	_ =	shalt  }
0x45: {  	_ =	shalt  }
0x46: {  	_ =	shalt  }
0x47: {  	_ =	shalt  }
0x48: {  	_ =	shalt  }
0x49: {  	_ =	shalt  }
0x4a: {  	_ =	shalt  }
0x4b: {  	_ =	shalt  }
0x4c: {  	_ =	shalt  }
0x4d: {  	_ =	shalt  }
0x4e: {  	_ =	shalt  }
0x4f: {  	_ =	shalt  }
0x50: {  	_ =	shalt  }
0x51: {  	_ =	shalt  }
0x52: {  	_ =	shalt  }
0x53: {  	_ =	shalt  }
0x54: {  	_ =	shalt  }
0x55: {  	_ =	shalt  }
0x56: {  	_ =	shalt  }
0x57: {  	_ =	shalt  }
0x58: {  	_ =	shalt  }
0x59: {  	_ =	shalt  }
0x5a: {  	_ =	shalt  }
0x5b: {  	_ =	shalt  }
0x5c: {  	_ =	shalt  }
0x5d: {  	_ =	shalt  }
0x5e: {  	_ =	shalt  }
0x5f: {  	_ =	shalt  }
0x60: {  	_ =	shalt  }
0x61: {  	_ =	shalt  }
0x62: {  	_ =	shalt  }
0x63: {  	_ =	shalt  }
0x64: {  	_ =	shalt  }
0x65: {  	_ =	shalt  }
0x66: {  	_ =	shalt  }
0x67: {  	_ =	shalt  }
0x68: {  	_ =	shalt  }
0x69: {  	_ =	shalt  }
0x6a: {  	_ =	shalt  }
0x6b: {  	_ =	shalt  }
0x6c: {  	_ =	shalt  }
0x6d: {  	_ =	shalt  }
0x6e: {  	_ =	shalt  }
0x6f: {  	_ =	shalt  }
0x70: {  	_ =	shalt  }
0x71: {  	_ =	shalt  }
0x72: {  	_ =	shalt  }
0x73: {  	_ =	shalt  }
0x74: {  	_ =	shalt  }
0x75: {  	_ =	shalt  }
0x76: {  	_ =	shalt  }
0x77: {  	_ =	shalt  }
0x78: {  	_ =	shalt  }
0x79: {  	_ =	shalt  }
0x7a: {  	_ =	shalt  }
0x7b: {  	_ =	shalt  }
0x7c: {  	_ =	shalt  }
0x7d: {  	_ =	shalt  }
0x7e: {  	_ =	shalt  }
0x7f: {  	_ =	shalt  }
0x80: {  	_ =	shalt  }
0x81: {  	_ =	shalt  }
0x82: {  	_ =	shalt  }
0x83: {  	_ =	shalt  }
0x84: {  	_ =	shalt  }
0x85: {  	_ =	shalt  }
0x86: {  	_ =	shalt  }
0x87: {  	_ =	shalt  }
.Lfunc_end0:
.L_simem_size_0:
called_computation.1_lowered:
.L_overlay_start_0:
0x88: {  	s2 =	sld [smem:$0x3FD9]  }
0x89: {  	s3 =	sld [smem:$0x3FFE];
	_ =	sdelay $0x1  }
0x8a: {  	s1 =	srdreg.scid  }
0x8b: {  	s0 =	sand.u32 $0x1, s1  }
0x8c: {  	s17 =	sshll.u32 s0, $0xA;
	s2 =	sadd.s32 s3, s2  }
0x8d: {  	s2 =	sadd.s32 s2, s17  }
0x8e: {  	[smem:$0x3FC2] =	sst s2  }
0x8f: {  	_ = 	snop  }
0x90: {  	s2 =	sld [smem:$0x3FD0];
	(tm) =	ssettm $0x1  }
0x91: {  	s18 =	sld [smem:$0x3FFB];
	_ =	sdelay $0x3  }
0x92: {  	_ =	strace s18  }
0x93: {  	s3 =	sld [smem:$0x3FFC];
	_ =	sdelay $0x3  }
0x94: {  	_ =	strace s3  }
0x95: {  	s3 =	sld [smem:$0x3FFD];
	_ =	sdelay $0x3  }
0x96: {  	_ =	strace s3  }
0x97: {  	_ =	strace $0x8FFFFFFF  }
0x98: {  	s19 =	sld [smem:$0x3FDB];
	_ =	sdelay $0x1  }
0x99: {  	s4 =	simm.s32 $_scs_section_size  }
0x9a: {  	s5 =	simm.s32 $_size__tile_overlayer_lowered;
	s6 =	simm.s32 $_tile_overlayer_lowered  }
0x9b: {  	s22 =	simm.s32 $0x1BFF;
	s21 =	sshll.u32 s6, $0x1;
	s3 =	sadd.s32 s4, s19  }
0x9c: {  	s7 =	simm.s32 $0x0;
	s20 =	sshll.u32 s5, $0x1;
	s5 =	sadd.s32 s21, s3  }
0x9d: {  	[timem:s7], [sflag:s22] =	dma.local [hbm:s5], s20  }
0x9e: {  	_ =	swait.ge [sflag:s22], s20  }
0x9f: {  	s4 =	ssub.s32 $0x0, s20;
	[sflag:s22] =	ssyncset.done $0x0  }
0xa0: {  	[sflag:s22] =	ssyncadd.s32 s4;
	_ =	sdelay $0x1  }
0xa1: {  	s23 =	simm.s32 $0x1B8B  }
0xa2: {  	_ =	swait.ge [sflag:s23], $0x1  }
0xa3: {  	[sflag:s23] =	ssyncset.done $0x0  }
0xa4: {  	s25 =	simm.s32 $0x1B8E;
	s24 =	sld [smem:$0x3FFE];
	[sflag:s23] =	ssyncadd.s32 $0xFFFFFFFF  }
0xa5: {  	s26 =	simm.s32 $execute0_lowered;
	[smem:$0x3FD2] =	sst s25  }
0xa6: {  	s5 =	sshll.u32 s26, $0x1;
	_ =	strace $0x80000049;
	[dreg:$0x1] =	wrdreg $0xFFFFFFFF  }
0xa7: {  	s28 =	simm.s32 $_size_execute0_lowered;
	s3 =	sadd.s32 s3, s5;
	[dreg:$0x0] =	wrdreg $0x0  }
0xa8: {  	s5 =	sshll.u32 s28, $0x1;
	[dreg:$0x2] =	wrdreg s3  }
0xa9: {  	[dreg:$0x3] =	wrdreg s5  }
0xaa: {  	[dreg:$0x4] =	wrdreg $0xC0  }
0xab: {  	_ =	task [dreg:s7], $0x5FFFF  }
0xac: {  	[dreg:$0x1] =	wrdreg $0xFFFFFFFF  }
0xad: {  	[dreg:$0x0] =	wrdreg $0x60  }
0xae: {  	[dreg:$0x2] =	wrdreg s24  }
0xaf: {  	[dreg:$0x3] =	wrdreg s2  }
0xb0: {  	[dreg:$0x4] =	wrdreg $0x10E200  }
0xb1: {  	[dreg:$0x5] =	wrdreg $0x9  }
0xb2: {  	_ =	task.clear_ibuf [dreg:s7], $0x6FFFF;
	_ =	strace $0x90000049  }
0xb3: {  	s29 =	simm.s32 $0x9;
	_ =	strace $0x8000004B  }
0xb4: {  	_ =	swait.ge [sflag:s29], $0x1  }
0xb5: {  	[sflag:s29] =	ssyncadd.s32 $0xFFFFFFFF  }
0xb6: {  	_ =	strace $0x9000004B  }
0xb7: {  	_ =	sfence  }
0xb8: {  	s30 =	sld [smem:$0x0];
	_ =	sdelay $0x2  }
0xb9: {  	s31 =	sshll.u32 s1, $0xD;
	s1 =	sshrl.u32 s1, $0x2  }
0xba: {  	s3 =	sand.u32 $0x4000, s31;
	s1 =	sadd.s32 s1, s30  }
0xbb: {  	s0 =	sor.u32 s3, s0;
	s1 =	sshll.u32 s1, $0x11  }
0xbc: {  	s0 =	sor.u32 s1, s0  }
0xbd: {  	s0 =	sadd.s32 $0x8F2B, s0  }
0xbe: {  	[sflag:s0] =	ssyncadd.remote.s32 $0x1  }
0xbf: {  	_ =	sfence.sel $0xFFFF  }
0xc0: {  	[dreg:$0x0] =	wrdreg $0xFFFFFFFF;
	(pc) =	sbr.abs _section_cstart, $3  }
0xc1: {  	[dreg:$0x1] =	wrdreg $0xFFFFFFFF  }
0xc2: {  	_ =	task.clear_ibuf [dreg:s7], $0x2FFFF;
	_ =	strace $0x9FFFFFFF  }
0xc3: {  	(tm) =	ssettm $0x7FFFFFFF  }
tec
execute0_lowered:
.L_overlay_start_1:
0x0: {  	(tag) =	ssettag $0x1  }
0x1: {  	s0 =	rddreg [dreg:$0x0]  }
0x2: {  	s1 =	rddreg [dreg:$0x1]  }
0x3: {  	s2 =	rddreg [dreg:$0x2];
	s12 =	stileid.u32  }
0x4: {  	s3 =	simm.s32 $0x0;
	s4 =	srdreg.scid;
	s13 =	simm.s32 $0x2710  }
0x5: {  	s14 =	simm.s32 $0x80;
	s15 =	simm.s32 $0x4E20;
	s16 =	simm.s32 $0x6E20  }
0x6: {  	s18 =	simm.s32 $0x8E20;
	s20 =	simm.s32 $0xAE20;
	s21 =	simm.s32 $0x1  }
0x7: {  	s29 =	simm.s32 $0x2;
	s28 =	simm.s32 $0x4E10;
	s30 =	simm.s32 $0x0  }
0x8: {  	s5 =	smul.u32 $0xA000, s12;
	[smem:$0x7FF] =	sst s3;
	s6 =	sand.u32 $0x1, s4  }
0x9: {  	s7 =	smul.u32 $0x1400, s12;
	s4 =	sadd.s32 $0x1C00, s0;
	s31 =	sshll.u32 s12, $0x6  }
0xa: {  	_ =	strace $0x8000004A;
	s8 =	smul.u32 $0x14000, s6;
	s9 =	sshll.u32 s6, $0x4  }
0xb: {  	s6 =	ssub.s32 $0x2, s6;
	s10 =	sshrl.u32 s5, $0x3;
	s9 =	sor.u32 s12, s9  }
0xc: {  	s24 =	sshrl.u32 s6, $0x1;
	s11 =	sadd.s32 s5, s2;
	s12 =	simm.s32 $0x3  }
0xd: {  	s7 =	sadd.s32 s7, s8;
	s22 =	smul.u32 $0x2710, s9;
	s23 =	sadd.s32 s10, s0  }
.Ltmp0:
0xe: {  	s25 =	ssub.s32 s6, s24;
	s11 =	sshrl.u32 s11, $0x3;
	(pc) =	sbr.rel .LBB2_1-.Ltmp0, $4  }
0xf: {  	s24 =	simm.s32 $0x10;
	s0 =	sadd.s32 s7, s0;
	s5 =	sadd.s32 $0x15600, s23  }
0x10: {  	s7 =	sor.u32 $0x1C03, s31;
	s10 =	smax.u32 s25, $0x1;
	s26 =	sshrl.u32 s22, $0x3  }
0x11: {  	s23 =	simm.s32 $0xCE20;
	s25 =	simm.s32 $0x2700;
	s6 =	sadd.s32 s1, s26  }
0x12: {  	s9 =	sadd.s32 $0x29600, s0;
	s26 =	simm.s32 $0xEE20;
	s8 =	sadd.s32 $0x9C40, s6  }
.LBB2_4:
0x13: {  	_ =	swait.ge [sflag:s21], $0x2000  }
0x14: {  	[sflag:s21] =	ssyncset.done $0x0  }
0x15: {  	[sflag:s21] =	ssyncadd.s32 $0xFFFFE000  }
0x16: {  	[spmem:s2] =	stream.indirect.scatter.add.f32 [tilespmem:s26], [sflag:$0x2], $0x40, s1, s14, $0xb8;
	[tilespmem:$0x1AE20] =	vst v63  }
0x17: {  	_ =	swait.ge [sflag:s29], $0x2000  }
0x18: {  	[sflag:s29] =	ssyncset.done $0x0  }
0x19: {  	[sflag:s29] =	ssyncadd.s32 $0xFFFFE000  }
0x1a: {  	_ =	swait.ge [sflag:s29], $0x2000  }
0x1b: {  	[sflag:s29] =	ssyncset.done $0x0  }
0x1c: {  	[sflag:s29] =	ssyncadd.s32 $0xFFFFE000  }
0x1d: {  	_ =	swait.ge [sflag:s29], $0x2000  }
0x1e: {  	[sflag:s29] =	ssyncset.done $0x0  }
0x1f: {  	[sflag:s29] =	ssyncadd.s32 $0xFFFFE000  }
0x20: {  	[tilespmem:s15], [sflag:$0x1] =	stream.indirect.gather [hbm4b:s4+s24], $0x40, s25, s24, $0xb8;
	[tilespmem:$0x1AE20] =	vst v63  }
0x21: {  	_ =	swait.ge [sflag:s21], $0x400  }
0x22: {  	[sflag:s21] =	ssyncset.done $0x0  }
0x23: {  	[sflag:s21] =	ssyncadd.s32 $0xFFFFFC00  }
0x24: {  	[spmem:s2] =	stream.indirect.scatter.add.f32 [tilespmem:s15], [sflag:$0x3], $0x40, s28, s24, $0xb8;
	[tilespmem:$0x1AE20] =	vst v63  }
0x25: {  	_ =	swait.ge [sflag:s12], $0x400  }
0x26: {  	s30 =	sadd.s32 $0x1, s30;
	[sflag:s12] =	ssyncset.done $0x0  }
0x27: {  	p0 =	sne.s32 s30, s10;
	[sflag:s12] =	ssyncadd.s32 $0xFFFFFC00  }
.Ltmp1:
0x28: {  	[bflag:$0x0] =	sbarrier.arrive $0xFFFF;
	(pc) =	sbr.rel @!p0 .LBB2_5-.Ltmp1, $4  }
0x29: {  	[hbm:s9], [sflag:s7] =	dma.local [spmem:s11], $0x1400  }
0x2a: {  	_ =	swait.ge [sflag:s12], $0x1400  }
0x2b: {  	[sflag:s12] =	ssyncset.done $0x0  }
0x2c: {  	[sflag:s12] =	ssyncadd.s32 $0xFFFFEC00  }
.LBB2_1:
0x2d: {  	[spmem:s11], [sflag:s7] =	dma.local [hbm:s5], $0x1400  }
0x2e: {  	_ =	swait.ge [sflag:s12], $0x1400  }
0x2f: {  	[sflag:s12] =	ssyncset.done $0x0  }
0x30: {  	[sflag:s12] =	ssyncadd.s32 $0xFFFFEC00  }
0x31: {  	[tilespmem:s3], [sflag:$0x3] =	stream.linear.gather [hbm4b:s6+s3], $0x2710, $0x38;
	[tilespmem:$0x1AE20] =	vst v63  }
0x32: {  	_ =	swait.ge [sflag:s12], $0x2710  }
0x33: {  	[sflag:s12] =	ssyncset.done $0x0  }
0x34: {  	[sflag:s12] =	ssyncadd.s32 $0xFFFFD8F0  }
0x35: {  	[tilespmem:s13], [sflag:$0x3] =	stream.linear.gather [hbm4b:s8+s3], $0x2710, $0x38;
	[tilespmem:$0x1AE20] =	vst v63  }
0x36: {  	_ =	swait.ge [sflag:s12], $0x2710  }
0x37: {  	[sflag:s12] =	ssyncset.done $0x0  }
0x38: {  	[sflag:s12] =	ssyncadd.s32 $0xFFFFD8F0  }
0x39: {  	[bflag:$0x0] =	sbarrier.arrive $0xFFFF  }
0x3a: {  	[tilespmem:s15], [sflag:$0x1] =	stream.indirect.gather [hbm4b:s4+s14], $0x40, s3, s14, $0xb8;
	[tilespmem:$0x1AE20] =	vst v63  }
0x3b: {  	_ = 	snop  }
0x3c: {  	[tilespmem:s16], [sflag:$0x1] =	stream.indirect.gather [hbm4b:s4+s14], $0x40, s14, s14, $0xb8;
	[tilespmem:$0x1AE20] =	vst v63  }
0x3d: {  	s0 =	simm.s32 $0x100  }
0x3e: {  	[tilespmem:s18], [sflag:$0x1] =	stream.indirect.gather [hbm4b:s4+s14], $0x40, s0, s14, $0xb8;
	[tilespmem:$0x1AE20] =	vst v63  }
0x3f: {  	s1 =	simm.s32 $0x180  }
0x40: {  	[tilespmem:s20], [sflag:$0x1] =	stream.indirect.gather [hbm4b:s4+s14], $0x40, s1, s14, $0xb8;
	[tilespmem:$0x1AE20] =	vst v63  }
0x41: {  	_ =	swait.ge [sflag:s21], $0x2000  }
0x42: {  	[sflag:s21] =	ssyncset.done $0x0  }
0x43: {  	[sflag:s21] =	ssyncadd.s32 $0xFFFFE000  }
0x44: {  	[spmem:s2] =	stream.indirect.scatter.add.f32 [tilespmem:s15], [sflag:$0x2], $0x40, s13, s14, $0xb8;
	[tilespmem:$0x1AE20] =	vst v63  }
0x45: {  	s17 =	simm.s32 $0x200  }
0x46: {  	[tilespmem:s23], [sflag:$0x1] =	stream.indirect.gather [hbm4b:s4+s14], $0x40, s17, s14, $0xb8;
	[tilespmem:$0x1AE20] =	vst v63  }
0x47: {  	_ =	swait.ge [sflag:s21], $0x2000  }
0x48: {  	[sflag:s21] =	ssyncset.done $0x0  }
0x49: {  	s19 =	simm.s32 $0x2790;
	[sflag:s21] =	ssyncadd.s32 $0xFFFFE000  }
0x4a: {  	[spmem:s2] =	stream.indirect.scatter.add.f32 [tilespmem:s16], [sflag:$0x2], $0x40, s19, s14, $0xb8;
	[tilespmem:$0x1AE20] =	vst v63  }
0x4b: {  	s22 =	simm.s32 $0x280  }
0x4c: {  	[tilespmem:s26], [sflag:$0x1] =	stream.indirect.gather [hbm4b:s4+s14], $0x40, s22, s14, $0xb8;
	[tilespmem:$0x1AE20] =	vst v63  }
0x4d: {  	_ =	swait.ge [sflag:s21], $0x2000  }
0x4e: {  	[sflag:s21] =	ssyncset.done $0x0  }
0x4f: {  	s1 =	simm.s32 $0x2810;
	[sflag:s21] =	ssyncadd.s32 $0xFFFFE000  }
0x50: {  	[spmem:s2] =	stream.indirect.scatter.add.f32 [tilespmem:s18], [sflag:$0x2], $0x40, s1, s14, $0xb8;
	[tilespmem:$0x1AE20] =	vst v63  }
0x51: {  	_ =	swait.ge [sflag:s29], $0x2000  }
0x52: {  	[sflag:s29] =	ssyncset.done $0x0  }
0x53: {  	s17 =	simm.s32 $0x300;
	[sflag:s29] =	ssyncadd.s32 $0xFFFFE000  }
0x54: {  	[tilespmem:s15], [sflag:$0x1] =	stream.indirect.gather [hbm4b:s4+s14], $0x40, s17, s14, $0xb8;
	[tilespmem:$0x1AE20] =	vst v63  }
0x55: {  	_ =	swait.ge [sflag:s21], $0x2000  }
0x56: {  	[sflag:s21] =	ssyncset.done $0x0  }
0x57: {  	s19 =	simm.s32 $0x2890;
	[sflag:s21] =	ssyncadd.s32 $0xFFFFE000  }
0x58: {  	[spmem:s2] =	stream.indirect.scatter.add.f32 [tilespmem:s20], [sflag:$0x2], $0x40, s19, s14, $0xb8;
	[tilespmem:$0x1AE20] =	vst v63  }
0x59: {  	_ =	swait.ge [sflag:s29], $0x2000  }
0x5a: {  	[sflag:s29] =	ssyncset.done $0x0  }
0x5b: {  	s22 =	simm.s32 $0x380;
	[sflag:s29] =	ssyncadd.s32 $0xFFFFE000  }
0x5c: {  	[tilespmem:s16], [sflag:$0x1] =	stream.indirect.gather [hbm4b:s4+s14], $0x40, s22, s14, $0xb8;
	[tilespmem:$0x1AE20] =	vst v63  }
0x5d: {  	_ =	swait.ge [sflag:s21], $0x2000  }
0x5e: {  	[sflag:s21] =	ssyncset.done $0x0  }
0x5f: {  	s1 =	simm.s32 $0x2910;
	[sflag:s21] =	ssyncadd.s32 $0xFFFFE000  }
0x60: {  	[spmem:s2] =	stream.indirect.scatter.add.f32 [tilespmem:s23], [sflag:$0x2], $0x40, s1, s14, $0xb8;
	[tilespmem:$0x1AE20] =	vst v63  }
0x61: {  	_ =	swait.ge [sflag:s29], $0x2000  }
0x62: {  	[sflag:s29] =	ssyncset.done $0x0  }
0x63: {  	s17 =	simm.s32 $0x400;
	[sflag:s29] =	ssyncadd.s32 $0xFFFFE000  }
0x64: {  	[tilespmem:s18], [sflag:$0x1] =	stream.indirect.gather [hbm4b:s4+s14], $0x40, s17, s14, $0xb8;
	[tilespmem:$0x1AE20] =	vst v63  }
0x65: {  	_ =	swait.ge [sflag:s21], $0x2000  }
0x66: {  	[sflag:s21] =	ssyncset.done $0x0  }
0x67: {  	s19 =	simm.s32 $0x2990;
	[sflag:s21] =	ssyncadd.s32 $0xFFFFE000  }
0x68: {  	[spmem:s2] =	stream.indirect.scatter.add.f32 [tilespmem:s26], [sflag:$0x2], $0x40, s19, s14, $0xb8;
	[tilespmem:$0x1AE20] =	vst v63  }
0x69: {  	_ =	swait.ge [sflag:s29], $0x2000  }
0x6a: {  	[sflag:s29] =	ssyncset.done $0x0  }
0x6b: {  	s31 =	simm.s32 $0x0;
	s22 =	simm.s32 $0x480;
	[sflag:s29] =	ssyncadd.s32 $0xFFFFE000  }
0x6c: {  	[tilespmem:s20], [sflag:$0x1] =	stream.indirect.gather [hbm4b:s4+s14], $0x40, s22, s14, $0xb8;
	[tilespmem:$0x1AE20] =	vst v63  }
.LBB2_2:
0x6d: {  	_ =	swait.ge [sflag:s21], $0x2000  }
0x6e: {  	s0 =	sshra.s32 s31, $0x2;
	[sflag:s21] =	ssyncset.done $0x0  }
0x6f: {  	s1 =	sadd.s32 $0x2A10, s0;
	[sflag:s21] =	ssyncadd.s32 $0xFFFFE000  }
0x70: {  	[spmem:s2] =	stream.indirect.scatter.add.f32 [tilespmem:s15], [sflag:$0x2], $0x40, s1, s14, $0xb8;
	[tilespmem:$0x1AE20] =	vst v63  }
0x71: {  	_ =	swait.ge [sflag:s29], $0x2000  }
0x72: {  	[sflag:s29] =	ssyncset.done $0x0  }
0x73: {  	s19 =	sadd.s32 $0x500, s0;
	[sflag:s29] =	ssyncadd.s32 $0xFFFFE000  }
0x74: {  	[tilespmem:s23], [sflag:$0x1] =	stream.indirect.gather [hbm4b:s4+s14], $0x40, s19, s14, $0xb8;
	[tilespmem:$0x1AE20] =	vst v63  }
0x75: {  	_ =	swait.ge [sflag:s21], $0x2000  }
0x76: {  	[sflag:s21] =	ssyncset.done $0x0  }
0x77: {  	s22 =	sadd.s32 $0x2A90, s0;
	[sflag:s21] =	ssyncadd.s32 $0xFFFFE000  }
0x78: {  	[spmem:s2] =	stream.indirect.scatter.add.f32 [tilespmem:s16], [sflag:$0x2], $0x40, s22, s14, $0xb8;
	[tilespmem:$0x1AE20] =	vst v63  }
0x79: {  	_ =	swait.ge [sflag:s29], $0x2000  }
0x7a: {  	[sflag:s29] =	ssyncset.done $0x0  }
0x7b: {  	s17 =	sadd.s32 $0x580, s0;
	[sflag:s29] =	ssyncadd.s32 $0xFFFFE000  }
0x7c: {  	[tilespmem:s26], [sflag:$0x1] =	stream.indirect.gather [hbm4b:s4+s14], $0x40, s17, s14, $0xb8;
	[tilespmem:$0x1AE20] =	vst v63  }
0x7d: {  	_ =	swait.ge [sflag:s21], $0x2000  }
0x7e: {  	[sflag:s21] =	ssyncset.done $0x0  }
0x7f: {  	s19 =	sadd.s32 $0x2B10, s0;
	[sflag:s21] =	ssyncadd.s32 $0xFFFFE000  }
0x80: {  	[spmem:s2] =	stream.indirect.scatter.add.f32 [tilespmem:s18], [sflag:$0x2], $0x40, s19, s14, $0xb8;
	[tilespmem:$0x1AE20] =	vst v63  }
0x81: {  	_ =	swait.ge [sflag:s29], $0x2000  }
0x82: {  	p0 =	seq.s32 s31, $0x8400;
	[sflag:s29] =	ssyncset.done $0x0  }
0x83: {  	s1 =	simm.s32 @p0 $0x1;
	[sflag:s29] =	ssyncadd.s32 $0xFFFFE000  }
0x84: {  	_ =	swait.ge @p0 [sflag:s1], $0x2000  }
0x85: {  	[sflag:s1] =	ssyncset.done @p0 $0x0  }
0x86: {  	[sflag:s1] =	ssyncadd.s32 @p0 $0xFFFFE000;
	s1 =	sshra.s32 @p0 s31, $0x2  }
0x87: {  	s17 =	simm.s32 @p0 $0x80;
	s19 =	simm.s32 @p0 $0xAE20;
	s1 =	sadd.s32 @p0 $0x2B90, s1  }
0x88: {  	[spmem:s2] =	stream.indirect.scatter.add.f32 @p0 [tilespmem:s19], [sflag:$0x2], $0x40, s1, s17, $0xb8;
	[tilespmem:$0x1AE20] =	vst v63  }
0x89: {  	s1 =	simm.s32 @p0 $0x2  }
0x8a: {  	_ =	swait.ge @p0 [sflag:s1], $0x2000  }
0x8b: {  	[sflag:s1] =	ssyncset.done @p0 $0x0  }
0x8c: {  	[sflag:s1] =	ssyncadd.s32 @p0 $0xFFFFE000;
	s1 =	sshra.s32 @!p0 s31, $0x2  }
0x8d: {  	s22 =	simm.s32 @!p0 $0x4E20;
	s19 =	simm.s32 @!p0 $0x80;
	s17 =	sadd.s32 @!p0 $0x600, s1  }
0x8e: {  	[tilespmem:s22], [sflag:$0x1] =	stream.indirect.gather @!p0 [hbm4b:s4+s19], $0x40, s17, s19, $0xb8;
	[tilespmem:$0x1AE20] =	vst v63  }
0x8f: {  	s17 =	simm.s32 @!p0 $0x1  }
0x90: {  	_ =	swait.ge @!p0 [sflag:s17], $0x2000  }
0x91: {  	[sflag:s17] =	ssyncset.done @!p0 $0x0  }
0x92: {  	s22 =	simm.s32 @!p0 $0xAE20;
	[sflag:s17] =	ssyncadd.s32 @!p0 $0xFFFFE000;
	s17 =	sadd.s32 @!p0 $0x2B90, s1  }
0x93: {  	[spmem:s2] =	stream.indirect.scatter.add.f32 @!p0 [tilespmem:s22], [sflag:$0x2], $0x40, s17, s19, $0xb8;
	[tilespmem:$0x1AE20] =	vst v63  }
0x94: {  	s17 =	simm.s32 @!p0 $0x2  }
0x95: {  	_ =	swait.ge @!p0 [sflag:s17], $0x2000  }
0x96: {  	[sflag:s17] =	ssyncset.done @!p0 $0x0  }
0x97: {  	s1 =	sadd.s32 @!p0 $0x680, s1;
	[sflag:s17] =	ssyncadd.s32 @!p0 $0xFFFFE000;
	s17 =	simm.s32 @!p0 $0x6E20  }
0x98: {  	[tilespmem:s17], [sflag:$0x1] =	stream.indirect.gather @!p0 [hbm4b:s4+s19], $0x40, s1, s19, $0xb8;
	[tilespmem:$0x1AE20] =	vst v63  }
0x99: {  	_ =	swait.ge [sflag:s21], $0x2000  }
0x9a: {  	[sflag:s21] =	ssyncset.done $0x0  }
.Ltmp2:
0x9b: {  	s22 =	sadd.s32 $0x2C10, s0;
	[sflag:s21] =	ssyncadd.s32 $0xFFFFE000;
	(pc) =	sbr.rel @p0 .LBB2_4-.Ltmp2, $4  }
0x9c: {  	[spmem:s2] =	stream.indirect.scatter.add.f32 [tilespmem:s23], [sflag:$0x2], $0x40, s22, s14, $0xb8;
	[tilespmem:$0x1AE20] =	vst v63  }
0x9d: {  	_ =	swait.ge [sflag:s29], $0x2000  }
0x9e: {  	[sflag:s29] =	ssyncset.done $0x0  }
0x9f: {  	s1 =	sadd.s32 $0x2C90, s0;
	[sflag:s29] =	ssyncadd.s32 $0xFFFFE000  }
0xa0: {  	s17 =	sadd.s32 $0x700, s0  }
0xa1: {  	[tilespmem:s18], [sflag:$0x1] =	stream.indirect.gather [hbm4b:s4+s14], $0x40, s17, s14, $0xb8;
	[tilespmem:$0x1AE20] =	vst v63  }
0xa2: {  	_ =	swait.ge [sflag:s21], $0x2000  }
0xa3: {  	[sflag:s21] =	ssyncset.done $0x0  }
0xa4: {  	[sflag:s21] =	ssyncadd.s32 $0xFFFFE000  }
0xa5: {  	[spmem:s2] =	stream.indirect.scatter.add.f32 [tilespmem:s26], [sflag:$0x2], $0x40, s1, s14, $0xb8;
	[tilespmem:$0x1AE20] =	vst v63  }
.Ltmp3:
0xa6: {  	_ = 	snop;
	(pc) =	sbr.rel .LBB2_2-.Ltmp3, $4  }
0xa7: {  	_ =	swait.ge [sflag:s29], $0x2000  }
0xa8: {  	[sflag:s29] =	ssyncset.done $0x0  }
0xa9: {  	s22 =	sadd.s32 $0x780, s0;
	s31 =	sadd.s32 $0xC00, s31;
	[sflag:s29] =	ssyncadd.s32 $0xFFFFE000  }
0xaa: {  	[tilespmem:s20], [sflag:$0x1] =	stream.indirect.gather [hbm4b:s4+s14], $0x40, s22, s14, $0xb8;
	[tilespmem:$0x1AE20] =	vst v63  }
.LBB2_5:
0xab: {  	_ =	sfence.sel $0x180000  }
0xac: {  	[bflag:$0x0] =	sbarrier.arrive $0xFFFF  }
0xad: {  	_ =	strace $0x9000004A  }
0xae: {  	s0 =	stileid.u32;
	[bflag:$0x2] =	sbarrier.arrive $0xFFFF  }
0xaf: {  	p0 =	sne.s32 s0, $0x0;
	s0 =	rddreg [dreg:$0x3]  }
0xb0: {  	s0 =	sadd.s32 @!p0 $0x100000, s0  }
0xb1: {  	[sflag:s0] =	ssyncadd.tile.s32 @!p0 $0x1;
	_ =	shalt  }
.Lfunc_end2:
_tile_overlayer_lowered:
.L_overlay_start_2:
0xb2: {  	(tag) =	ssettag $0x2  }
0xb3: {  	s0 =	rddreg [dreg:$0x0];
	s2 =	stileid.u32  }
0xb4: {  	s1 =	rddreg [dreg:$0x1];
	p0 =	sne.s32 s2, $0x0  }
0xb5: {  	s3 =	rddreg [dreg:$0x2];
	[bflag:$0x3] =	sbarrier.arrive $0xFFFF;
	s2 =	simm.s32 @!p0 $0x1C03  }
0xb6: {  	[timem:s3], [sflag:s2] =	dma.local @!p0 [hbm:s0], s1  }
0xb7: {  	s0 =	simm.s32 @!p0 $0x3  }
0xb8: {  	_ =	swait.ge @!p0 [sflag:s0], s1  }
0xb9: {  	s1 =	ssub.s32 @!p0 $0x0, s1;
	[sflag:s0] =	ssyncset.done @!p0 $0x0  }
0xba: {  	[sflag:s0] =	ssyncadd.s32 @!p0 s1  }
0xbb: {  	[bflag:$0x3] =	sbarrier.arrive $0xFFFF  }
0xbc: {  	_ =	shalt  }

// kernel: kernel.14.cloned.1.call-start
scs
__scs_entry_jumppad:
0x0: {  	(pc) =	sbr.rel $0x88, $3  }
0x1: {  	(tag) =	ssettag $0x0;
	lr =	simm.s32 $0x1  }
0x2: {  	[smem:$0x3F9B] =	sst lr;
	_ =	strace $0xD0000000  }
0x3: {  	_ = 	snop  }
0x4: {  	_ = 	snop  }
0x5: {  	_ = 	snop  }
0x6: {  	_ = 	snop  }
0x7: {  	_ = 	snop  }
__scs_overlays_trampoline_lowered:
0x8: {  	[smem:$0x3FAA] =	sst s0  }
0x9: {  	[smem:$0x3FAB] =	sst s1  }
0xa: {  	[smem:$0x3FAC] =	sst s2  }
0xb: {  	[smem:$0x3FAD] =	sst s3  }
0xc: {  	[smem:$0x3FAE] =	sst s4  }
0xd: {  	[smem:$0x3FAF] =	sst s5  }
0xe: {  	[smem:$0x3FB0] =	sst s6  }
0xf: {  	[smem:$0x3FB1] =	sst s7  }
0x10: {  	[smem:$0x3FB2] =	sst s8  }
0x11: {  	[smem:$0x3FB3] =	sst s9;
	s0 =	simm.s32 @!p0 $0x0  }
0x12: {  	s1 =	sld [smem:$0x3F99];
	s0 =	simm.s32 @p0 $0x1  }
0x13: {  	[smem:$0x3FB4] =	sst s0;
	s0 =	simm.s32 @!p1 $0x0  }
0x14: {  	s2 =	sld [smem:$0x3F98];
	s0 =	simm.s32 @p1 $0x1  }
0x15: {  	[smem:$0x3FB5] =	sst s0;
	s0 =	simm.s32 @!p2 $0x0  }
0x16: {  	s3 =	sld [smem:$0x3FDB];
	s0 =	simm.s32 @p2 $0x1  }
0x17: {  	s4 =	simm.s32 $0x1BF5;
	[smem:$0x3FB7] =	sst s0  }
0x18: {  	s0 =	sld [smem:$0x3F9A];
	_ =	swait.ge [sflag:s4], $0x0  }
0x19: {  	s7 =	sld [smem:$0x3F9B]  }
0x1a: {  	s8 =	sadd.s32 $0xFFFFE003, lr  }
0x1b: {  	s9 =	sadd.s32 $0xFFFFFEF7, lr;
	s5 =	simm.s32 $0xFFFFFFFF;
	p2 =	slt.u32 s8, $0xFFFFF086  }
0x1c: {  	p1 =	slt.u32 s9, $0xF7A;
	s5 =	simm.s32 @!p2 $0x0  }
0x1d: {  	s5 =	simm.s32 @p1 $0x1;
	p0 =	seq.s32 s7, s2  }
0x1e: {  	s7 =	smul.u32 @!p0 $0xF7A, s2;
	p2 =	seq.s32 @!p0 s5, $0x0  }
0x1f: {  	s9 =	smul.u32 $0xF7A, s1;
	s8 =	simm.s32 @!p0 $0x1BF5;
	p2 =	por !p2, p0  }
0x20: {  	[sflag:s8] =	ssyncset.s32 @!p0 $0xFFFFF086;
	s6 =	sadd.s32 @!p0 s3, s7;
	s7 =	simm.s32 @!p0 $0x108  }
0x21: {  	s3 =	sadd.s32 s3, s9;
	s6 =	sadd.s32 @!p0 $0x88, s6;
	s7 =	simm.s32 @p2 $0x1082  }
0x22: {  	[simem:s7], [sflag:s8] =	dma.local @!p0 [hbm:s6], $0xF7A  }
0x23: {  	s9 =	sor.u32 $0xD0000000, s2;
	s6 =	simm.s32 $0x108;
	_ =	swait.ge @!p0 [sflag:s8], $0x0  }
0x24: {  	s3 =	sadd.s32 $0x88, s3;
	s6 =	simm.s32 @!p1 $0x1082;
	[sflag:s4] =	ssyncset.s32 $0xFFFFF086  }
0x25: {  	[simem:s6], [sflag:s4] =	dma.local [hbm:s3], $0xF7A  }
0x26: {  	[smem:$0x3F9B] =	sst s1;
	(tag) =	ssettag s2;
	_ =	strace s9  }
0x27: {  	s1 =	sld [smem:$0x3FAB]  }
0x28: {  	s2 =	sld [smem:$0x3FAC]  }
0x29: {  	s4 =	sld [smem:$0x3FAE]  }
0x2a: {  	p0 =	seq.s32 s5, $0x0;
	s5 =	sld [smem:$0x3FAF]  }
0x2b: {  	s6 =	sld [smem:$0x3FB0]  }
0x2c: {  	s7 =	sld [smem:$0x3FB1]  }
0x2d: {  	s3 =	simm.s32 $0x108;
	s8 =	sld [smem:$0x3FB2]  }
0x2e: {  	s3 =	simm.s32 @!p0 $0x1082;
	s9 =	sld [smem:$0x3FB3]  }
0x2f: {  	lr =	sadd.s32 s0, s3;
	s0 =	sld [smem:$0x3FAA]  }
0x30: {  	s3 =	sld [smem:$0x3FAD]  }
0x31: {  	[smem:$0x3FB6] =	sst s10  }
0x32: {  	s10 =	sld [smem:$0x3FB4];
	_ =	sdelay $0x3  }
0x33: {  	p0 =	seq.s32 s10, $0x1;
	s10 =	sld [smem:$0x3FB6];
	_ =	sdelay $0x3  }
0x34: {  	[smem:$0x3FB6] =	sst s10  }
0x35: {  	s10 =	sld [smem:$0x3FB5];
	_ =	sdelay $0x3  }
0x36: {  	p1 =	seq.s32 s10, $0x1;
	s10 =	sld [smem:$0x3FB6];
	_ =	sdelay $0x3  }
0x37: {  	[smem:$0x3FB6] =	sst s10  }
0x38: {  	s10 =	sld [smem:$0x3FB7]  }
0x39: {  	_ = 	snop;
	(pc) =	sbr.ind lr, $3  }
0x3a: {  	_ = 	snop  }
0x3b: {  	_ = 	snop  }
0x3c: {  	p2 =	seq.s32 s10, $0x1;
	s10 =	sld [smem:$0x3FB6]  }
0x3d: {  	_ =	shalt  }
0x3e: {  	_ =	shalt  }
0x3f: {  	_ =	shalt  }
0x40: {  	_ =	shalt  }
0x41: {  	_ =	shalt  }
0x42: {  	_ =	shalt  }
0x43: {  	_ =	shalt  }
0x44: {  	_ =	shalt  }
0x45: {  	_ =	shalt  }
0x46: {  	_ =	shalt  }
0x47: {  	_ =	shalt  }
0x48: {  	_ =	shalt  }
0x49: {  	_ =	shalt  }
0x4a: {  	_ =	shalt  }
0x4b: {  	_ =	shalt  }
0x4c: {  	_ =	shalt  }
0x4d: {  	_ =	shalt  }
0x4e: {  	_ =	shalt  }
0x4f: {  	_ =	shalt  }
0x50: {  	_ =	shalt  }
0x51: {  	_ =	shalt  }
0x52: {  	_ =	shalt  }
0x53: {  	_ =	shalt  }
0x54: {  	_ =	shalt  }
0x55: {  	_ =	shalt  }
0x56: {  	_ =	shalt  }
0x57: {  	_ =	shalt  }
0x58: {  	_ =	shalt  }
0x59: {  	_ =	shalt  }
0x5a: {  	_ =	shalt  }
0x5b: {  	_ =	shalt  }
0x5c: {  	_ =	shalt  }
0x5d: {  	_ =	shalt  }
0x5e: {  	_ =	shalt  }
0x5f: {  	_ =	shalt  }
0x60: {  	_ =	shalt  }
0x61: {  	_ =	shalt  }
0x62: {  	_ =	shalt  }
0x63: {  	_ =	shalt  }
0x64: {  	_ =	shalt  }
0x65: {  	_ =	shalt  }
0x66: {  	_ =	shalt  }
0x67: {  	_ =	shalt  }
0x68: {  	_ =	shalt  }
0x69: {  	_ =	shalt  }
0x6a: {  	_ =	shalt  }
0x6b: {  	_ =	shalt  }
0x6c: {  	_ =	shalt  }
0x6d: {  	_ =	shalt  }
0x6e: {  	_ =	shalt  }
0x6f: {  	_ =	shalt  }
0x70: {  	_ =	shalt  }
0x71: {  	_ =	shalt  }
0x72: {  	_ =	shalt  }
0x73: {  	_ =	shalt  }
0x74: {  	_ =	shalt  }
0x75: {  	_ =	shalt  }
0x76: {  	_ =	shalt  }
0x77: {  	_ =	shalt  }
0x78: {  	_ =	shalt  }
0x79: {  	_ =	shalt  }
0x7a: {  	_ =	shalt  }
0x7b: {  	_ =	shalt  }
0x7c: {  	_ =	shalt  }
0x7d: {  	_ =	shalt  }
0x7e: {  	_ =	shalt  }
0x7f: {  	_ =	shalt  }
0x80: {  	_ =	shalt  }
0x81: {  	_ =	shalt  }
0x82: {  	_ =	shalt  }
0x83: {  	_ =	shalt  }
0x84: {  	_ =	shalt  }
0x85: {  	_ =	shalt  }
0x86: {  	_ =	shalt  }
0x87: {  	_ =	shalt  }
.Lfunc_end0:
.L_simem_size_0:
called_computation.2_lowered:
.L_overlay_start_0:
0x88: {  	s2 =	sld [smem:$0x3FD9]  }
0x89: {  	s3 =	sld [smem:$0x3FFE];
	_ =	sdelay $0x1  }
0x8a: {  	s1 =	srdreg.scid  }
0x8b: {  	s0 =	sand.u32 $0x1, s1  }
0x8c: {  	s17 =	sshll.u32 s0, $0xA;
	s2 =	sadd.s32 s3, s2  }
0x8d: {  	s2 =	sadd.s32 s2, s17  }
0x8e: {  	[smem:$0x3FC2] =	sst s2  }
0x8f: {  	_ = 	snop  }
0x90: {  	s2 =	sld [smem:$0x3FD0];
	(tm) =	ssettm $0x1  }
0x91: {  	s18 =	sld [smem:$0x3FFB];
	_ =	sdelay $0x3  }
0x92: {  	_ =	strace s18  }
0x93: {  	s3 =	sld [smem:$0x3FFC];
	_ =	sdelay $0x3  }
0x94: {  	_ =	strace s3  }
0x95: {  	s3 =	sld [smem:$0x3FFD];
	_ =	sdelay $0x3  }
0x96: {  	_ =	strace s3  }
0x97: {  	_ =	strace $0x8FFFFFFF  }
0x98: {  	s19 =	sld [smem:$0x3FDB];
	_ =	sdelay $0x1  }
0x99: {  	s4 =	simm.s32 $_scs_section_size  }
0x9a: {  	s5 =	simm.s32 $_size__tile_overlayer_lowered;
	s6 =	simm.s32 $_tile_overlayer_lowered  }
0x9b: {  	s22 =	simm.s32 $0x1BFF;
	s21 =	sshll.u32 s6, $0x1;
	s3 =	sadd.s32 s4, s19  }
0x9c: {  	s7 =	simm.s32 $0x0;
	s20 =	sshll.u32 s5, $0x1;
	s5 =	sadd.s32 s21, s3  }
0x9d: {  	[timem:s7], [sflag:s22] =	dma.local [hbm:s5], s20  }
0x9e: {  	_ =	swait.ge [sflag:s22], s20  }
0x9f: {  	s4 =	ssub.s32 $0x0, s20;
	[sflag:s22] =	ssyncset.done $0x0  }
0xa0: {  	[sflag:s22] =	ssyncadd.s32 s4;
	_ =	sdelay $0x1  }
0xa1: {  	s23 =	simm.s32 $0x1B8B  }
0xa2: {  	_ =	swait.ge [sflag:s23], $0x1  }
0xa3: {  	[sflag:s23] =	ssyncset.done $0x0  }
0xa4: {  	s25 =	simm.s32 $0x1B8E;
	s24 =	sld [smem:$0x3FFE];
	[sflag:s23] =	ssyncadd.s32 $0xFFFFFFFF  }
0xa5: {  	s26 =	simm.s32 $execute0_lowered;
	[smem:$0x3FD2] =	sst s25  }
0xa6: {  	s5 =	sshll.u32 s26, $0x1;
	_ =	strace $0x8000004C;
	[dreg:$0x1] =	wrdreg $0xFFFFFFFF  }
0xa7: {  	s28 =	simm.s32 $_size_execute0_lowered;
	s3 =	sadd.s32 s3, s5;
	[dreg:$0x0] =	wrdreg $0x0  }
0xa8: {  	s5 =	sshll.u32 s28, $0x1;
	[dreg:$0x2] =	wrdreg s3  }
0xa9: {  	[dreg:$0x3] =	wrdreg s5  }
0xaa: {  	[dreg:$0x4] =	wrdreg $0xC0  }
0xab: {  	_ =	task [dreg:s7], $0x5FFFF  }
0xac: {  	[dreg:$0x1] =	wrdreg $0xFFFFFFFF  }
0xad: {  	[dreg:$0x0] =	wrdreg $0x60  }
0xae: {  	[dreg:$0x2] =	wrdreg s24  }
0xaf: {  	[dreg:$0x3] =	wrdreg s2  }
0xb0: {  	[dreg:$0x4] =	wrdreg $0x10E200  }
0xb1: {  	[dreg:$0x5] =	wrdreg $0x9  }
0xb2: {  	_ =	task.clear_ibuf [dreg:s7], $0x6FFFF;
	_ =	strace $0x9000004C  }
0xb3: {  	s29 =	simm.s32 $0x9;
	_ =	strace $0x8000004E  }
0xb4: {  	_ =	swait.ge [sflag:s29], $0x1  }
0xb5: {  	[sflag:s29] =	ssyncadd.s32 $0xFFFFFFFF  }
0xb6: {  	_ =	strace $0x9000004E  }
0xb7: {  	_ =	sfence  }
0xb8: {  	s30 =	sld [smem:$0x0];
	_ =	sdelay $0x2  }
0xb9: {  	s31 =	sshll.u32 s1, $0xD;
	s1 =	sshrl.u32 s1, $0x2  }
0xba: {  	s3 =	sand.u32 $0x4000, s31;
	s1 =	sadd.s32 s1, s30  }
0xbb: {  	s0 =	sor.u32 s3, s0;
	s1 =	sshll.u32 s1, $0x11  }
0xbc: {  	s0 =	sor.u32 s1, s0  }
0xbd: {  	s0 =	sadd.s32 $0x8F2B, s0  }
0xbe: {  	[sflag:s0] =	ssyncadd.remote.s32 $0x1  }
0xbf: {  	_ =	sfence.sel $0xFFFF  }
0xc0: {  	[dreg:$0x0] =	wrdreg $0xFFFFFFFF;
	(pc) =	sbr.abs _section_cstart, $3  }
0xc1: {  	[dreg:$0x1] =	wrdreg $0xFFFFFFFF  }
0xc2: {  	_ =	task.clear_ibuf [dreg:s7], $0x2FFFF;
	_ =	strace $0x9FFFFFFF  }
0xc3: {  	(tm) =	ssettm $0x7FFFFFFF  }
tec
execute0_lowered:
.L_overlay_start_1:
0x0: {  	(tag) =	ssettag $0x1  }
0x1: {  	s0 =	rddreg [dreg:$0x0]  }
0x2: {  	s1 =	rddreg [dreg:$0x1]  }
0x3: {  	s2 =	rddreg [dreg:$0x2];
	s12 =	stileid.u32  }
0x4: {  	s3 =	simm.s32 $0x0;
	s4 =	srdreg.scid;
	s13 =	simm.s32 $0x2710  }
0x5: {  	s14 =	simm.s32 $0x80;
	s15 =	simm.s32 $0x4E20;
	s16 =	simm.s32 $0x6E20  }
0x6: {  	s18 =	simm.s32 $0x8E20;
	s20 =	simm.s32 $0xAE20;
	s21 =	simm.s32 $0x1  }
0x7: {  	s29 =	simm.s32 $0x2;
	s28 =	simm.s32 $0x4E10;
	s30 =	simm.s32 $0x0  }
0x8: {  	s5 =	smul.u32 $0xA000, s12;
	[smem:$0x7FF] =	sst s3;
	s6 =	sand.u32 $0x1, s4  }
0x9: {  	s7 =	smul.u32 $0x1400, s12;
	s4 =	sadd.s32 $0x1C00, s0;
	s31 =	sshll.u32 s12, $0x6  }
0xa: {  	_ =	strace $0x8000004D;
	s8 =	smul.u32 $0x14000, s6;
	s9 =	sshll.u32 s6, $0x4  }
0xb: {  	s6 =	ssub.s32 $0x2, s6;
	s10 =	sshrl.u32 s5, $0x3;
	s9 =	sor.u32 s12, s9  }
0xc: {  	s24 =	sshrl.u32 s6, $0x1;
	s11 =	sadd.s32 s5, s2;
	s12 =	simm.s32 $0x3  }
0xd: {  	s7 =	sadd.s32 s7, s8;
	s22 =	smul.u32 $0x2710, s9;
	s23 =	sadd.s32 s10, s0  }
.Ltmp0:
0xe: {  	s25 =	ssub.s32 s6, s24;
	s11 =	sshrl.u32 s11, $0x3;
	(pc) =	sbr.rel .LBB2_1-.Ltmp0, $4  }
0xf: {  	s24 =	simm.s32 $0x10;
	s0 =	sadd.s32 s7, s0;
	s5 =	sadd.s32 $0x15600, s23  }
0x10: {  	s7 =	sor.u32 $0x1C03, s31;
	s10 =	smax.u32 s25, $0x1;
	s26 =	sshrl.u32 s22, $0x3  }
0x11: {  	s23 =	simm.s32 $0xCE20;
	s25 =	simm.s32 $0x2700;
	s6 =	sadd.s32 s1, s26  }
0x12: {  	s9 =	sadd.s32 $0x29600, s0;
	s26 =	simm.s32 $0xEE20;
	s8 =	sadd.s32 $0x9C40, s6  }
.LBB2_4:
0x13: {  	_ =	swait.ge [sflag:s21], $0x2000  }
0x14: {  	[sflag:s21] =	ssyncset.done $0x0  }
0x15: {  	[sflag:s21] =	ssyncadd.s32 $0xFFFFE000  }
0x16: {  	[spmem:s2] =	stream.indirect.scatter.add.f32 [tilespmem:s26], [sflag:$0x2], $0x40, s1, s14, $0xb8;
	[tilespmem:$0x1AE20] =	vst v63  }
0x17: {  	_ =	swait.ge [sflag:s29], $0x2000  }
0x18: {  	[sflag:s29] =	ssyncset.done $0x0  }
0x19: {  	[sflag:s29] =	ssyncadd.s32 $0xFFFFE000  }
0x1a: {  	_ =	swait.ge [sflag:s29], $0x2000  }
0x1b: {  	[sflag:s29] =	ssyncset.done $0x0  }
0x1c: {  	[sflag:s29] =	ssyncadd.s32 $0xFFFFE000  }
0x1d: {  	_ =	swait.ge [sflag:s29], $0x2000  }
0x1e: {  	[sflag:s29] =	ssyncset.done $0x0  }
0x1f: {  	[sflag:s29] =	ssyncadd.s32 $0xFFFFE000  }
0x20: {  	[tilespmem:s15], [sflag:$0x1] =	stream.indirect.gather [hbm4b:s4+s24], $0x40, s25, s24, $0xb8;
	[tilespmem:$0x1AE20] =	vst v63  }
0x21: {  	_ =	swait.ge [sflag:s21], $0x400  }
0x22: {  	[sflag:s21] =	ssyncset.done $0x0  }
0x23: {  	[sflag:s21] =	ssyncadd.s32 $0xFFFFFC00  }
0x24: {  	[spmem:s2] =	stream.indirect.scatter.add.f32 [tilespmem:s15], [sflag:$0x3], $0x40, s28, s24, $0xb8;
	[tilespmem:$0x1AE20] =	vst v63  }
0x25: {  	_ =	swait.ge [sflag:s12], $0x400  }
0x26: {  	s30 =	sadd.s32 $0x1, s30;
	[sflag:s12] =	ssyncset.done $0x0  }
0x27: {  	p0 =	sne.s32 s30, s10;
	[sflag:s12] =	ssyncadd.s32 $0xFFFFFC00  }
.Ltmp1:
0x28: {  	[bflag:$0x0] =	sbarrier.arrive $0xFFFF;
	(pc) =	sbr.rel @!p0 .LBB2_5-.Ltmp1, $4  }
0x29: {  	[hbm:s9], [sflag:s7] =	dma.local [spmem:s11], $0x1400  }
0x2a: {  	_ =	swait.ge [sflag:s12], $0x1400  }
0x2b: {  	[sflag:s12] =	ssyncset.done $0x0  }
0x2c: {  	[sflag:s12] =	ssyncadd.s32 $0xFFFFEC00  }
.LBB2_1:
0x2d: {  	[spmem:s11], [sflag:s7] =	dma.local [hbm:s5], $0x1400  }
0x2e: {  	_ =	swait.ge [sflag:s12], $0x1400  }
0x2f: {  	[sflag:s12] =	ssyncset.done $0x0  }
0x30: {  	[sflag:s12] =	ssyncadd.s32 $0xFFFFEC00  }
0x31: {  	[tilespmem:s3], [sflag:$0x3] =	stream.linear.gather [hbm4b:s6+s3], $0x2710, $0x38;
	[tilespmem:$0x1AE20] =	vst v63  }
0x32: {  	_ =	swait.ge [sflag:s12], $0x2710  }
0x33: {  	[sflag:s12] =	ssyncset.done $0x0  }
0x34: {  	[sflag:s12] =	ssyncadd.s32 $0xFFFFD8F0  }
0x35: {  	[tilespmem:s13], [sflag:$0x3] =	stream.linear.gather [hbm4b:s8+s3], $0x2710, $0x38;
	[tilespmem:$0x1AE20] =	vst v63  }
0x36: {  	_ =	swait.ge [sflag:s12], $0x2710  }
0x37: {  	[sflag:s12] =	ssyncset.done $0x0  }
0x38: {  	[sflag:s12] =	ssyncadd.s32 $0xFFFFD8F0  }
0x39: {  	[bflag:$0x0] =	sbarrier.arrive $0xFFFF  }
0x3a: {  	[tilespmem:s15], [sflag:$0x1] =	stream.indirect.gather [hbm4b:s4+s14], $0x40, s3, s14, $0xb8;
	[tilespmem:$0x1AE20] =	vst v63  }
0x3b: {  	_ = 	snop  }
0x3c: {  	[tilespmem:s16], [sflag:$0x1] =	stream.indirect.gather [hbm4b:s4+s14], $0x40, s14, s14, $0xb8;
	[tilespmem:$0x1AE20] =	vst v63  }
0x3d: {  	s0 =	simm.s32 $0x100  }
0x3e: {  	[tilespmem:s18], [sflag:$0x1] =	stream.indirect.gather [hbm4b:s4+s14], $0x40, s0, s14, $0xb8;
	[tilespmem:$0x1AE20] =	vst v63  }
0x3f: {  	s1 =	simm.s32 $0x180  }
0x40: {  	[tilespmem:s20], [sflag:$0x1] =	stream.indirect.gather [hbm4b:s4+s14], $0x40, s1, s14, $0xb8;
	[tilespmem:$0x1AE20] =	vst v63  }
0x41: {  	_ =	swait.ge [sflag:s21], $0x2000  }
0x42: {  	[sflag:s21] =	ssyncset.done $0x0  }
0x43: {  	[sflag:s21] =	ssyncadd.s32 $0xFFFFE000  }
0x44: {  	[spmem:s2] =	stream.indirect.scatter.add.f32 [tilespmem:s15], [sflag:$0x2], $0x40, s13, s14, $0xb8;
	[tilespmem:$0x1AE20] =	vst v63  }
0x45: {  	s17 =	simm.s32 $0x200  }
0x46: {  	[tilespmem:s23], [sflag:$0x1] =	stream.indirect.gather [hbm4b:s4+s14], $0x40, s17, s14, $0xb8;
	[tilespmem:$0x1AE20] =	vst v63  }
0x47: {  	_ =	swait.ge [sflag:s21], $0x2000  }
0x48: {  	[sflag:s21] =	ssyncset.done $0x0  }
0x49: {  	s19 =	simm.s32 $0x2790;
	[sflag:s21] =	ssyncadd.s32 $0xFFFFE000  }
0x4a: {  	[spmem:s2] =	stream.indirect.scatter.add.f32 [tilespmem:s16], [sflag:$0x2], $0x40, s19, s14, $0xb8;
	[tilespmem:$0x1AE20] =	vst v63  }
0x4b: {  	s22 =	simm.s32 $0x280  }
0x4c: {  	[tilespmem:s26], [sflag:$0x1] =	stream.indirect.gather [hbm4b:s4+s14], $0x40, s22, s14, $0xb8;
	[tilespmem:$0x1AE20] =	vst v63  }
0x4d: {  	_ =	swait.ge [sflag:s21], $0x2000  }
0x4e: {  	[sflag:s21] =	ssyncset.done $0x0  }
0x4f: {  	s1 =	simm.s32 $0x2810;
	[sflag:s21] =	ssyncadd.s32 $0xFFFFE000  }
0x50: {  	[spmem:s2] =	stream.indirect.scatter.add.f32 [tilespmem:s18], [sflag:$0x2], $0x40, s1, s14, $0xb8;
	[tilespmem:$0x1AE20] =	vst v63  }
0x51: {  	_ =	swait.ge [sflag:s29], $0x2000  }
0x52: {  	[sflag:s29] =	ssyncset.done $0x0  }
0x53: {  	s17 =	simm.s32 $0x300;
	[sflag:s29] =	ssyncadd.s32 $0xFFFFE000  }
0x54: {  	[tilespmem:s15], [sflag:$0x1] =	stream.indirect.gather [hbm4b:s4+s14], $0x40, s17, s14, $0xb8;
	[tilespmem:$0x1AE20] =	vst v63  }
0x55: {  	_ =	swait.ge [sflag:s21], $0x2000  }
0x56: {  	[sflag:s21] =	ssyncset.done $0x0  }
0x57: {  	s19 =	simm.s32 $0x2890;
	[sflag:s21] =	ssyncadd.s32 $0xFFFFE000  }
0x58: {  	[spmem:s2] =	stream.indirect.scatter.add.f32 [tilespmem:s20], [sflag:$0x2], $0x40, s19, s14, $0xb8;
	[tilespmem:$0x1AE20] =	vst v63  }
0x59: {  	_ =	swait.ge [sflag:s29], $0x2000  }
0x5a: {  	[sflag:s29] =	ssyncset.done $0x0  }
0x5b: {  	s22 =	simm.s32 $0x380;
	[sflag:s29] =	ssyncadd.s32 $0xFFFFE000  }
0x5c: {  	[tilespmem:s16], [sflag:$0x1] =	stream.indirect.gather [hbm4b:s4+s14], $0x40, s22, s14, $0xb8;
	[tilespmem:$0x1AE20] =	vst v63  }
0x5d: {  	_ =	swait.ge [sflag:s21], $0x2000  }
0x5e: {  	[sflag:s21] =	ssyncset.done $0x0  }
0x5f: {  	s1 =	simm.s32 $0x2910;
	[sflag:s21] =	ssyncadd.s32 $0xFFFFE000  }
0x60: {  	[spmem:s2] =	stream.indirect.scatter.add.f32 [tilespmem:s23], [sflag:$0x2], $0x40, s1, s14, $0xb8;
	[tilespmem:$0x1AE20] =	vst v63  }
0x61: {  	_ =	swait.ge [sflag:s29], $0x2000  }
0x62: {  	[sflag:s29] =	ssyncset.done $0x0  }
0x63: {  	s17 =	simm.s32 $0x400;
	[sflag:s29] =	ssyncadd.s32 $0xFFFFE000  }
0x64: {  	[tilespmem:s18], [sflag:$0x1] =	stream.indirect.gather [hbm4b:s4+s14], $0x40, s17, s14, $0xb8;
	[tilespmem:$0x1AE20] =	vst v63  }
0x65: {  	_ =	swait.ge [sflag:s21], $0x2000  }
0x66: {  	[sflag:s21] =	ssyncset.done $0x0  }
0x67: {  	s19 =	simm.s32 $0x2990;
	[sflag:s21] =	ssyncadd.s32 $0xFFFFE000  }
0x68: {  	[spmem:s2] =	stream.indirect.scatter.add.f32 [tilespmem:s26], [sflag:$0x2], $0x40, s19, s14, $0xb8;
	[tilespmem:$0x1AE20] =	vst v63  }
0x69: {  	_ =	swait.ge [sflag:s29], $0x2000  }
0x6a: {  	[sflag:s29] =	ssyncset.done $0x0  }
0x6b: {  	s31 =	simm.s32 $0x0;
	s22 =	simm.s32 $0x480;
	[sflag:s29] =	ssyncadd.s32 $0xFFFFE000  }
0x6c: {  	[tilespmem:s20], [sflag:$0x1] =	stream.indirect.gather [hbm4b:s4+s14], $0x40, s22, s14, $0xb8;
	[tilespmem:$0x1AE20] =	vst v63  }
.LBB2_2:
0x6d: {  	_ =	swait.ge [sflag:s21], $0x2000  }
0x6e: {  	s0 =	sshra.s32 s31, $0x2;
	[sflag:s21] =	ssyncset.done $0x0  }
0x6f: {  	s1 =	sadd.s32 $0x2A10, s0;
	[sflag:s21] =	ssyncadd.s32 $0xFFFFE000  }
0x70: {  	[spmem:s2] =	stream.indirect.scatter.add.f32 [tilespmem:s15], [sflag:$0x2], $0x40, s1, s14, $0xb8;
	[tilespmem:$0x1AE20] =	vst v63  }
0x71: {  	_ =	swait.ge [sflag:s29], $0x2000  }
0x72: {  	[sflag:s29] =	ssyncset.done $0x0  }
0x73: {  	s19 =	sadd.s32 $0x500, s0;
	[sflag:s29] =	ssyncadd.s32 $0xFFFFE000  }
0x74: {  	[tilespmem:s23], [sflag:$0x1] =	stream.indirect.gather [hbm4b:s4+s14], $0x40, s19, s14, $0xb8;
	[tilespmem:$0x1AE20] =	vst v63  }
0x75: {  	_ =	swait.ge [sflag:s21], $0x2000  }
0x76: {  	[sflag:s21] =	ssyncset.done $0x0  }
0x77: {  	s22 =	sadd.s32 $0x2A90, s0;
	[sflag:s21] =	ssyncadd.s32 $0xFFFFE000  }
0x78: {  	[spmem:s2] =	stream.indirect.scatter.add.f32 [tilespmem:s16], [sflag:$0x2], $0x40, s22, s14, $0xb8;
	[tilespmem:$0x1AE20] =	vst v63  }
0x79: {  	_ =	swait.ge [sflag:s29], $0x2000  }
0x7a: {  	[sflag:s29] =	ssyncset.done $0x0  }
0x7b: {  	s17 =	sadd.s32 $0x580, s0;
	[sflag:s29] =	ssyncadd.s32 $0xFFFFE000  }
0x7c: {  	[tilespmem:s26], [sflag:$0x1] =	stream.indirect.gather [hbm4b:s4+s14], $0x40, s17, s14, $0xb8;
	[tilespmem:$0x1AE20] =	vst v63  }
0x7d: {  	_ =	swait.ge [sflag:s21], $0x2000  }
0x7e: {  	[sflag:s21] =	ssyncset.done $0x0  }
0x7f: {  	s19 =	sadd.s32 $0x2B10, s0;
	[sflag:s21] =	ssyncadd.s32 $0xFFFFE000  }
0x80: {  	[spmem:s2] =	stream.indirect.scatter.add.f32 [tilespmem:s18], [sflag:$0x2], $0x40, s19, s14, $0xb8;
	[tilespmem:$0x1AE20] =	vst v63  }
0x81: {  	_ =	swait.ge [sflag:s29], $0x2000  }
0x82: {  	p0 =	seq.s32 s31, $0x8400;
	[sflag:s29] =	ssyncset.done $0x0  }
0x83: {  	s1 =	simm.s32 @p0 $0x1;
	[sflag:s29] =	ssyncadd.s32 $0xFFFFE000  }
0x84: {  	_ =	swait.ge @p0 [sflag:s1], $0x2000  }
0x85: {  	[sflag:s1] =	ssyncset.done @p0 $0x0  }
0x86: {  	[sflag:s1] =	ssyncadd.s32 @p0 $0xFFFFE000;
	s1 =	sshra.s32 @p0 s31, $0x2  }
0x87: {  	s17 =	simm.s32 @p0 $0x80;
	s19 =	simm.s32 @p0 $0xAE20;
	s1 =	sadd.s32 @p0 $0x2B90, s1  }
0x88: {  	[spmem:s2] =	stream.indirect.scatter.add.f32 @p0 [tilespmem:s19], [sflag:$0x2], $0x40, s1, s17, $0xb8;
	[tilespmem:$0x1AE20] =	vst v63  }
0x89: {  	s1 =	simm.s32 @p0 $0x2  }
0x8a: {  	_ =	swait.ge @p0 [sflag:s1], $0x2000  }
0x8b: {  	[sflag:s1] =	ssyncset.done @p0 $0x0  }
0x8c: {  	[sflag:s1] =	ssyncadd.s32 @p0 $0xFFFFE000;
	s1 =	sshra.s32 @!p0 s31, $0x2  }
0x8d: {  	s22 =	simm.s32 @!p0 $0x4E20;
	s19 =	simm.s32 @!p0 $0x80;
	s17 =	sadd.s32 @!p0 $0x600, s1  }
0x8e: {  	[tilespmem:s22], [sflag:$0x1] =	stream.indirect.gather @!p0 [hbm4b:s4+s19], $0x40, s17, s19, $0xb8;
	[tilespmem:$0x1AE20] =	vst v63  }
0x8f: {  	s17 =	simm.s32 @!p0 $0x1  }
0x90: {  	_ =	swait.ge @!p0 [sflag:s17], $0x2000  }
0x91: {  	[sflag:s17] =	ssyncset.done @!p0 $0x0  }
0x92: {  	s22 =	simm.s32 @!p0 $0xAE20;
	[sflag:s17] =	ssyncadd.s32 @!p0 $0xFFFFE000;
	s17 =	sadd.s32 @!p0 $0x2B90, s1  }
0x93: {  	[spmem:s2] =	stream.indirect.scatter.add.f32 @!p0 [tilespmem:s22], [sflag:$0x2], $0x40, s17, s19, $0xb8;
	[tilespmem:$0x1AE20] =	vst v63  }
0x94: {  	s17 =	simm.s32 @!p0 $0x2  }
0x95: {  	_ =	swait.ge @!p0 [sflag:s17], $0x2000  }
0x96: {  	[sflag:s17] =	ssyncset.done @!p0 $0x0  }
0x97: {  	s1 =	sadd.s32 @!p0 $0x680, s1;
	[sflag:s17] =	ssyncadd.s32 @!p0 $0xFFFFE000;
	s17 =	simm.s32 @!p0 $0x6E20  }
0x98: {  	[tilespmem:s17], [sflag:$0x1] =	stream.indirect.gather @!p0 [hbm4b:s4+s19], $0x40, s1, s19, $0xb8;
	[tilespmem:$0x1AE20] =	vst v63  }
0x99: {  	_ =	swait.ge [sflag:s21], $0x2000  }
0x9a: {  	[sflag:s21] =	ssyncset.done $0x0  }
.Ltmp2:
0x9b: {  	s22 =	sadd.s32 $0x2C10, s0;
	[sflag:s21] =	ssyncadd.s32 $0xFFFFE000;
	(pc) =	sbr.rel @p0 .LBB2_4-.Ltmp2, $4  }
0x9c: {  	[spmem:s2] =	stream.indirect.scatter.add.f32 [tilespmem:s23], [sflag:$0x2], $0x40, s22, s14, $0xb8;
	[tilespmem:$0x1AE20] =	vst v63  }
0x9d: {  	_ =	swait.ge [sflag:s29], $0x2000  }
0x9e: {  	[sflag:s29] =	ssyncset.done $0x0  }
0x9f: {  	s1 =	sadd.s32 $0x2C90, s0;
	[sflag:s29] =	ssyncadd.s32 $0xFFFFE000  }
0xa0: {  	s17 =	sadd.s32 $0x700, s0  }
0xa1: {  	[tilespmem:s18], [sflag:$0x1] =	stream.indirect.gather [hbm4b:s4+s14], $0x40, s17, s14, $0xb8;
	[tilespmem:$0x1AE20] =	vst v63  }
0xa2: {  	_ =	swait.ge [sflag:s21], $0x2000  }
0xa3: {  	[sflag:s21] =	ssyncset.done $0x0  }
0xa4: {  	[sflag:s21] =	ssyncadd.s32 $0xFFFFE000  }
0xa5: {  	[spmem:s2] =	stream.indirect.scatter.add.f32 [tilespmem:s26], [sflag:$0x2], $0x40, s1, s14, $0xb8;
	[tilespmem:$0x1AE20] =	vst v63  }
.Ltmp3:
0xa6: {  	_ = 	snop;
	(pc) =	sbr.rel .LBB2_2-.Ltmp3, $4  }
0xa7: {  	_ =	swait.ge [sflag:s29], $0x2000  }
0xa8: {  	[sflag:s29] =	ssyncset.done $0x0  }
0xa9: {  	s22 =	sadd.s32 $0x780, s0;
	s31 =	sadd.s32 $0xC00, s31;
	[sflag:s29] =	ssyncadd.s32 $0xFFFFE000  }
0xaa: {  	[tilespmem:s20], [sflag:$0x1] =	stream.indirect.gather [hbm4b:s4+s14], $0x40, s22, s14, $0xb8;
	[tilespmem:$0x1AE20] =	vst v63  }
.LBB2_5:
0xab: {  	_ =	sfence.sel $0x180000  }
0xac: {  	[bflag:$0x0] =	sbarrier.arrive $0xFFFF  }
0xad: {  	_ =	strace $0x9000004D  }
0xae: {  	s0 =	stileid.u32;
	[bflag:$0x2] =	sbarrier.arrive $0xFFFF  }
0xaf: {  	p0 =	sne.s32 s0, $0x0;
	s0 =	rddreg [dreg:$0x3]  }
0xb0: {  	s0 =	sadd.s32 @!p0 $0x100000, s0  }
0xb1: {  	[sflag:s0] =	ssyncadd.tile.s32 @!p0 $0x1;
	_ =	shalt  }
.Lfunc_end2:
_tile_overlayer_lowered:
.L_overlay_start_2:
0xb2: {  	(tag) =	ssettag $0x2  }
0xb3: {  	s0 =	rddreg [dreg:$0x0];
	s2 =	stileid.u32  }
0xb4: {  	s1 =	rddreg [dreg:$0x1];
	p0 =	sne.s32 s2, $0x0  }
0xb5: {  	s3 =	rddreg [dreg:$0x2];
	[bflag:$0x3] =	sbarrier.arrive $0xFFFF;
	s2 =	simm.s32 @!p0 $0x1C03  }
0xb6: {  	[timem:s3], [sflag:s2] =	dma.local @!p0 [hbm:s0], s1  }
0xb7: {  	s0 =	simm.s32 @!p0 $0x3  }
0xb8: {  	_ =	swait.ge @!p0 [sflag:s0], s1  }
0xb9: {  	s1 =	ssub.s32 @!p0 $0x0, s1;
	[sflag:s0] =	ssyncset.done @!p0 $0x0  }
0xba: {  	[sflag:s0] =	ssyncadd.s32 @!p0 s1  }
0xbb: {  	[bflag:$0x3] =	sbarrier.arrive $0xFFFF  }
0xbc: {  	_ =	shalt  }

// kernel: kernel.8.cloned.1.call-start
scs
__scs_entry_jumppad:
0x0: {  	(pc) =	sbr.rel $0x88, $3  }
0x1: {  	(tag) =	ssettag $0x0;
	lr =	simm.s32 $0x1  }
0x2: {  	[smem:$0x3F9B] =	sst lr;
	_ =	strace $0xD0000000  }
0x3: {  	_ = 	snop  }
0x4: {  	_ = 	snop  }
0x5: {  	_ = 	snop  }
0x6: {  	_ = 	snop  }
0x7: {  	_ = 	snop  }
__scs_overlays_trampoline_lowered:
0x8: {  	[smem:$0x3FAA] =	sst s0  }
0x9: {  	[smem:$0x3FAB] =	sst s1  }
0xa: {  	[smem:$0x3FAC] =	sst s2  }
0xb: {  	[smem:$0x3FAD] =	sst s3  }
0xc: {  	[smem:$0x3FAE] =	sst s4  }
0xd: {  	[smem:$0x3FAF] =	sst s5  }
0xe: {  	[smem:$0x3FB0] =	sst s6  }
0xf: {  	[smem:$0x3FB1] =	sst s7  }
0x10: {  	[smem:$0x3FB2] =	sst s8  }
0x11: {  	[smem:$0x3FB3] =	sst s9;
	s0 =	simm.s32 @!p0 $0x0  }
0x12: {  	s1 =	sld [smem:$0x3F99];
	s0 =	simm.s32 @p0 $0x1  }
0x13: {  	[smem:$0x3FB4] =	sst s0;
	s0 =	simm.s32 @!p1 $0x0  }
0x14: {  	s2 =	sld [smem:$0x3F98];
	s0 =	simm.s32 @p1 $0x1  }
0x15: {  	[smem:$0x3FB5] =	sst s0;
	s0 =	simm.s32 @!p2 $0x0  }
0x16: {  	s3 =	sld [smem:$0x3FDB];
	s0 =	simm.s32 @p2 $0x1  }
0x17: {  	s4 =	simm.s32 $0x1BF5;
	[smem:$0x3FB7] =	sst s0  }
0x18: {  	s0 =	sld [smem:$0x3F9A];
	_ =	swait.ge [sflag:s4], $0x0  }
0x19: {  	s7 =	sld [smem:$0x3F9B]  }
0x1a: {  	s8 =	sadd.s32 $0xFFFFE003, lr  }
0x1b: {  	s9 =	sadd.s32 $0xFFFFFEF7, lr;
	s5 =	simm.s32 $0xFFFFFFFF;
	p2 =	slt.u32 s8, $0xFFFFF086  }
0x1c: {  	p1 =	slt.u32 s9, $0xF7A;
	s5 =	simm.s32 @!p2 $0x0  }
0x1d: {  	s5 =	simm.s32 @p1 $0x1;
	p0 =	seq.s32 s7, s2  }
0x1e: {  	s7 =	smul.u32 @!p0 $0xF7A, s2;
	p2 =	seq.s32 @!p0 s5, $0x0  }
0x1f: {  	s9 =	smul.u32 $0xF7A, s1;
	s8 =	simm.s32 @!p0 $0x1BF5;
	p2 =	por !p2, p0  }
0x20: {  	[sflag:s8] =	ssyncset.s32 @!p0 $0xFFFFF086;
	s6 =	sadd.s32 @!p0 s3, s7;
	s7 =	simm.s32 @!p0 $0x108  }
0x21: {  	s3 =	sadd.s32 s3, s9;
	s6 =	sadd.s32 @!p0 $0x88, s6;
	s7 =	simm.s32 @p2 $0x1082  }
0x22: {  	[simem:s7], [sflag:s8] =	dma.local @!p0 [hbm:s6], $0xF7A  }
0x23: {  	s9 =	sor.u32 $0xD0000000, s2;
	s6 =	simm.s32 $0x108;
	_ =	swait.ge @!p0 [sflag:s8], $0x0  }
0x24: {  	s3 =	sadd.s32 $0x88, s3;
	s6 =	simm.s32 @!p1 $0x1082;
	[sflag:s4] =	ssyncset.s32 $0xFFFFF086  }
0x25: {  	[simem:s6], [sflag:s4] =	dma.local [hbm:s3], $0xF7A  }
0x26: {  	[smem:$0x3F9B] =	sst s1;
	(tag) =	ssettag s2;
	_ =	strace s9  }
0x27: {  	s1 =	sld [smem:$0x3FAB]  }
0x28: {  	s2 =	sld [smem:$0x3FAC]  }
0x29: {  	s4 =	sld [smem:$0x3FAE]  }
0x2a: {  	p0 =	seq.s32 s5, $0x0;
	s5 =	sld [smem:$0x3FAF]  }
0x2b: {  	s6 =	sld [smem:$0x3FB0]  }
0x2c: {  	s7 =	sld [smem:$0x3FB1]  }
0x2d: {  	s3 =	simm.s32 $0x108;
	s8 =	sld [smem:$0x3FB2]  }
0x2e: {  	s3 =	simm.s32 @!p0 $0x1082;
	s9 =	sld [smem:$0x3FB3]  }
0x2f: {  	lr =	sadd.s32 s0, s3;
	s0 =	sld [smem:$0x3FAA]  }
0x30: {  	s3 =	sld [smem:$0x3FAD]  }
0x31: {  	[smem:$0x3FB6] =	sst s10  }
0x32: {  	s10 =	sld [smem:$0x3FB4];
	_ =	sdelay $0x3  }
0x33: {  	p0 =	seq.s32 s10, $0x1;
	s10 =	sld [smem:$0x3FB6];
	_ =	sdelay $0x3  }
0x34: {  	[smem:$0x3FB6] =	sst s10  }
0x35: {  	s10 =	sld [smem:$0x3FB5];
	_ =	sdelay $0x3  }
0x36: {  	p1 =	seq.s32 s10, $0x1;
	s10 =	sld [smem:$0x3FB6];
	_ =	sdelay $0x3  }
0x37: {  	[smem:$0x3FB6] =	sst s10  }
0x38: {  	s10 =	sld [smem:$0x3FB7]  }
0x39: {  	_ = 	snop;
	(pc) =	sbr.ind lr, $3  }
0x3a: {  	_ = 	snop  }
0x3b: {  	_ = 	snop  }
0x3c: {  	p2 =	seq.s32 s10, $0x1;
	s10 =	sld [smem:$0x3FB6]  }
0x3d: {  	_ =	shalt  }
0x3e: {  	_ =	shalt  }
0x3f: {  	_ =	shalt  }
0x40: {  	_ =	shalt  }
0x41: {  	_ =	shalt  }
0x42: {  	_ =	shalt  }
0x43: {  	_ =	shalt  }
0x44: {  	_ =	shalt  }
0x45: {  	_ =	shalt  }
0x46: {  	_ =	shalt  }
0x47: {  	_ =	shalt  }
0x48: {  	_ =	shalt  }
0x49: {  	_ =	shalt  }
0x4a: {  	_ =	shalt  }
0x4b: {  	_ =	shalt  }
0x4c: {  	_ =	shalt  }
0x4d: {  	_ =	shalt  }
0x4e: {  	_ =	shalt  }
0x4f: {  	_ =	shalt  }
0x50: {  	_ =	shalt  }
0x51: {  	_ =	shalt  }
0x52: {  	_ =	shalt  }
0x53: {  	_ =	shalt  }
0x54: {  	_ =	shalt  }
0x55: {  	_ =	shalt  }
0x56: {  	_ =	shalt  }
0x57: {  	_ =	shalt  }
0x58: {  	_ =	shalt  }
0x59: {  	_ =	shalt  }
0x5a: {  	_ =	shalt  }
0x5b: {  	_ =	shalt  }
0x5c: {  	_ =	shalt  }
0x5d: {  	_ =	shalt  }
0x5e: {  	_ =	shalt  }
0x5f: {  	_ =	shalt  }
0x60: {  	_ =	shalt  }
0x61: {  	_ =	shalt  }
0x62: {  	_ =	shalt  }
0x63: {  	_ =	shalt  }
0x64: {  	_ =	shalt  }
0x65: {  	_ =	shalt  }
0x66: {  	_ =	shalt  }
0x67: {  	_ =	shalt  }
0x68: {  	_ =	shalt  }
0x69: {  	_ =	shalt  }
0x6a: {  	_ =	shalt  }
0x6b: {  	_ =	shalt  }
0x6c: {  	_ =	shalt  }
0x6d: {  	_ =	shalt  }
0x6e: {  	_ =	shalt  }
0x6f: {  	_ =	shalt  }
0x70: {  	_ =	shalt  }
0x71: {  	_ =	shalt  }
0x72: {  	_ =	shalt  }
0x73: {  	_ =	shalt  }
0x74: {  	_ =	shalt  }
0x75: {  	_ =	shalt  }
0x76: {  	_ =	shalt  }
0x77: {  	_ =	shalt  }
0x78: {  	_ =	shalt  }
0x79: {  	_ =	shalt  }
0x7a: {  	_ =	shalt  }
0x7b: {  	_ =	shalt  }
0x7c: {  	_ =	shalt  }
0x7d: {  	_ =	shalt  }
0x7e: {  	_ =	shalt  }
0x7f: {  	_ =	shalt  }
0x80: {  	_ =	shalt  }
0x81: {  	_ =	shalt  }
0x82: {  	_ =	shalt  }
0x83: {  	_ =	shalt  }
0x84: {  	_ =	shalt  }
0x85: {  	_ =	shalt  }
0x86: {  	_ =	shalt  }
0x87: {  	_ =	shalt  }
.Lfunc_end0:
.L_simem_size_0:
called_computation_lowered:
.L_overlay_start_0:
0x88: {  	s2 =	sld [smem:$0x3FD9]  }
0x89: {  	s3 =	sld [smem:$0x3FFE];
	_ =	sdelay $0x1  }
0x8a: {  	s1 =	srdreg.scid  }
0x8b: {  	s0 =	sand.u32 $0x1, s1  }
0x8c: {  	s17 =	sshll.u32 s0, $0xA;
	s2 =	sadd.s32 s3, s2  }
0x8d: {  	s2 =	sadd.s32 s2, s17  }
0x8e: {  	[smem:$0x3FC2] =	sst s2  }
0x8f: {  	_ = 	snop  }
0x90: {  	s2 =	sld [smem:$0x3FD0];
	(tm) =	ssettm $0x1  }
0x91: {  	s18 =	sld [smem:$0x3FFB];
	_ =	sdelay $0x3  }
0x92: {  	_ =	strace s18  }
0x93: {  	s3 =	sld [smem:$0x3FFC];
	_ =	sdelay $0x3  }
0x94: {  	_ =	strace s3  }
0x95: {  	s3 =	sld [smem:$0x3FFD];
	_ =	sdelay $0x3  }
0x96: {  	_ =	strace s3  }
0x97: {  	_ =	strace $0x8FFFFFFF  }
0x98: {  	s19 =	sld [smem:$0x3FDB];
	_ =	sdelay $0x1  }
0x99: {  	s4 =	simm.s32 $_scs_section_size  }
0x9a: {  	s5 =	simm.s32 $_size__tile_overlayer_lowered;
	s6 =	simm.s32 $_tile_overlayer_lowered  }
0x9b: {  	s22 =	simm.s32 $0x1BFF;
	s21 =	sshll.u32 s6, $0x1;
	s3 =	sadd.s32 s4, s19  }
0x9c: {  	s7 =	simm.s32 $0x0;
	s20 =	sshll.u32 s5, $0x1;
	s5 =	sadd.s32 s21, s3  }
0x9d: {  	[timem:s7], [sflag:s22] =	dma.local [hbm:s5], s20  }
0x9e: {  	_ =	swait.ge [sflag:s22], s20  }
0x9f: {  	s4 =	ssub.s32 $0x0, s20;
	[sflag:s22] =	ssyncset.done $0x0  }
0xa0: {  	[sflag:s22] =	ssyncadd.s32 s4;
	_ =	sdelay $0x1  }
0xa1: {  	s23 =	simm.s32 $0x1B8B  }
0xa2: {  	_ =	swait.ge [sflag:s23], $0x1  }
0xa3: {  	[sflag:s23] =	ssyncset.done $0x0  }
0xa4: {  	s25 =	simm.s32 $0x1B8E;
	s24 =	sld [smem:$0x3FFE];
	[sflag:s23] =	ssyncadd.s32 $0xFFFFFFFF  }
0xa5: {  	s26 =	simm.s32 $execute0_lowered;
	[smem:$0x3FD2] =	sst s25  }
0xa6: {  	s5 =	sshll.u32 s26, $0x1;
	_ =	strace $0x80000046;
	[dreg:$0x1] =	wrdreg $0xFFFFFFFF  }
0xa7: {  	s28 =	simm.s32 $_size_execute0_lowered;
	s3 =	sadd.s32 s3, s5;
	[dreg:$0x0] =	wrdreg $0x0  }
0xa8: {  	s5 =	sshll.u32 s28, $0x1;
	[dreg:$0x2] =	wrdreg s3  }
0xa9: {  	[dreg:$0x3] =	wrdreg s5  }
0xaa: {  	[dreg:$0x4] =	wrdreg $0xC0  }
0xab: {  	_ =	task [dreg:s7], $0x5FFFF  }
0xac: {  	[dreg:$0x1] =	wrdreg $0xFFFFFFFF  }
0xad: {  	[dreg:$0x0] =	wrdreg $0x60  }
0xae: {  	[dreg:$0x2] =	wrdreg s2  }
0xaf: {  	[dreg:$0x3] =	wrdreg s24  }
0xb0: {  	[dreg:$0x4] =	wrdreg $0x28000  }
0xb1: {  	[dreg:$0x5] =	wrdreg $0x9  }
0xb2: {  	_ =	task.clear_ibuf [dreg:s7], $0x6FFFF;
	_ =	strace $0x90000046  }
0xb3: {  	s29 =	simm.s32 $0x9;
	_ =	strace $0x80000048  }
0xb4: {  	_ =	swait.ge [sflag:s29], $0x1  }
0xb5: {  	[sflag:s29] =	ssyncadd.s32 $0xFFFFFFFF  }
0xb6: {  	_ =	strace $0x90000048  }
0xb7: {  	_ =	sfence  }
0xb8: {  	s30 =	sld [smem:$0x0];
	_ =	sdelay $0x2  }
0xb9: {  	s31 =	sshll.u32 s1, $0xD;
	s1 =	sshrl.u32 s1, $0x2  }
0xba: {  	s3 =	sand.u32 $0x4000, s31;
	s1 =	sadd.s32 s1, s30  }
0xbb: {  	s0 =	sor.u32 s3, s0;
	s1 =	sshll.u32 s1, $0x11  }
0xbc: {  	s0 =	sor.u32 s1, s0  }
0xbd: {  	s0 =	sadd.s32 $0x8F2B, s0  }
0xbe: {  	[sflag:s0] =	ssyncadd.remote.s32 $0x1  }
0xbf: {  	_ =	sfence.sel $0xFFFF  }
0xc0: {  	[dreg:$0x0] =	wrdreg $0xFFFFFFFF;
	(pc) =	sbr.abs _section_cstart, $3  }
0xc1: {  	[dreg:$0x1] =	wrdreg $0xFFFFFFFF  }
0xc2: {  	_ =	task.clear_ibuf [dreg:s7], $0x2FFFF;
	_ =	strace $0x9FFFFFFF  }
0xc3: {  	(tm) =	ssettm $0x7FFFFFFF  }
tec
execute0_lowered:
.L_overlay_start_1:
0x0: {  	(tag) =	ssettag $0x1  }
0x1: {  	s6 =	rddreg [dreg:$0x0]  }
0x2: {  	s5 =	rddreg [dreg:$0x1]  }
0x3: {  	s2 =	rddreg [dreg:$0x2]  }
0x4: {  	s0 =	rddreg [dreg:$0x3];
	s1 =	stileid.u32  }
0x5: {  	s4 =	srdreg.scid;
	s3 =	simm.s32 $0x0;
	s14 =	simm.s32 $0x100  }
0x6: {  	s15 =	simm.s32 $0x180;
	s16 =	simm.s32 $0x200;
	s17 =	simm.s32 $0x280  }
0x7: {  	s18 =	simm.s32 $0x300;
	s19 =	simm.s32 $0x380;
	s20 =	simm.s32 $0x1  }
0x8: {  	s21 =	simm.s32 $0x10;
	s22 =	simm.s32 $0x2700;
	s23 =	simm.s32 $0x0  }
0x9: {  	s7 =	smul.u32 $0x280, s1;
	s8 =	sand.u32 $0x1, s4;
	[smem:$0x7FF] =	sst s3  }
0xa: {  	s4 =	sadd.s32 $0x1C00, s5;
	s31 =	sshll.u32 s1, $0x6;
	s9 =	smul.u32 $0x2800, s8  }
0xb: {  	_ =	strace $0x80000047;
	s10 =	sshll.u32 s8, $0x4;
	s8 =	ssub.s32 $0x2, s8  }
0xc: {  	s11 =	sshrl.u32 s7, $0x3;
	s10 =	sor.u32 s1, s10;
	s29 =	sshrl.u32 s8, $0x1  }
0xd: {  	s13 =	sadd.s32 s7, s2;
	s9 =	sadd.s32 s7, s9;
	s10 =	smul.u32 $0x2710, s10  }
0xe: {  	s11 =	sadd.s32 s11, s5;
	s12 =	ssub.s32 s8, s29;
	s9 =	sshrl.u32 s9, $0x3  }
0xf: {  	s9 =	sadd.s32 s9, s5;
	s30 =	sshrl.u32 s10, $0x3;
	s5 =	sadd.s32 $0x1E00, s11  }
0x10: {  	s10 =	sshrl.u32 s13, $0x3;
	s11 =	simm.s32 $0x2;
	s13 =	simm.s32 $0x80  }
0x11: {  	s7 =	sadd.s32 s6, s30;
	s6 =	sor.u32 $0x1C02, s31;
	s8 =	sadd.s32 $0x2400, s9  }
0x12: {  	s9 =	smax.u32 s12, $0x1;
	s12 =	simm.s32 $0x2780;
	s7 =	sadd.s32 $0x9C40, s7  }
.LBB2_1:
0x13: {  	[spmem:s10], [sflag:s6] =	dma.local [hbm:s5], $0x50  }
0x14: {  	_ =	swait.ge [sflag:s11], $0x50  }
0x15: {  	[sflag:s11] =	ssyncset.done $0x0  }
0x16: {  	[sflag:s11] =	ssyncadd.s32 $0xFFFFFFB0  }
0x17: {  	[tilespmem:s12], [sflag:$0x2] =	stream.linear.gather [hbm4b:s4+s3], $0x80, $0x38;
	[tilespmem:$0x2A80] =	vst v63  }
0x18: {  	_ =	swait.ge [sflag:s11], $0x80  }
0x19: {  	[sflag:s11] =	ssyncset.done $0x0  }
0x1a: {  	[sflag:s11] =	ssyncadd.s32 $0xFFFFFF80  }
0x1b: {  	[tilespmem:s3], [sflag:$0x2] =	stream.linear.gather [hbm4b:s7+s3], $0x2710, $0x38;
	[tilespmem:$0x2A80] =	vst v63  }
0x1c: {  	_ =	swait.ge [sflag:s11], $0x2710  }
0x1d: {  	[sflag:s11] =	ssyncset.done $0x0  }
0x1e: {  	[sflag:s11] =	ssyncadd.s32 $0xFFFFD8F0  }
0x1f: {  	[bflag:$0x0] =	sbarrier.arrive $0xFFFF  }
0x20: {  	[spmem:s2] =	stream.indirect.scatter.add.f32 [tilespmem:s12], [sflag:$0x1], $0x1, s3, s13, $0xb8;
	[tilespmem:$0x2A80] =	vst v63  }
0x21: {  	_ = 	snop  }
0x22: {  	[spmem:s2] =	stream.indirect.scatter.add.f32 [tilespmem:s12], [sflag:$0x1], $0x1, s13, s13, $0xb8;
	[tilespmem:$0x2A80] =	vst v63  }
0x23: {  	_ = 	snop  }
0x24: {  	[spmem:s2] =	stream.indirect.scatter.add.f32 [tilespmem:s12], [sflag:$0x1], $0x1, s14, s13, $0xb8;
	[tilespmem:$0x2A80] =	vst v63  }
0x25: {  	_ = 	snop  }
0x26: {  	[spmem:s2] =	stream.indirect.scatter.add.f32 [tilespmem:s12], [sflag:$0x1], $0x1, s15, s13, $0xb8;
	[tilespmem:$0x2A80] =	vst v63  }
0x27: {  	_ = 	snop  }
0x28: {  	[spmem:s2] =	stream.indirect.scatter.add.f32 [tilespmem:s12], [sflag:$0x1], $0x1, s16, s13, $0xb8;
	[tilespmem:$0x2A80] =	vst v63  }
0x29: {  	_ = 	snop  }
0x2a: {  	[spmem:s2] =	stream.indirect.scatter.add.f32 [tilespmem:s12], [sflag:$0x1], $0x1, s17, s13, $0xb8;
	[tilespmem:$0x2A80] =	vst v63  }
0x2b: {  	_ = 	snop  }
0x2c: {  	[spmem:s2] =	stream.indirect.scatter.add.f32 [tilespmem:s12], [sflag:$0x1], $0x1, s18, s13, $0xb8;
	[tilespmem:$0x2A80] =	vst v63  }
0x2d: {  	_ = 	snop  }
0x2e: {  	[spmem:s2] =	stream.indirect.scatter.add.f32 [tilespmem:s12], [sflag:$0x1], $0x1, s19, s13, $0xb8;
	[tilespmem:$0x2A80] =	vst v63  }
0x2f: {  	_ =	swait.ge [sflag:s20], $0x80  }
0x30: {  	[sflag:s20] =	ssyncset.done $0x0  }
0x31: {  	s24 =	simm.s32 $0x1200;
	s25 =	simm.s32 $0x400;
	[sflag:s20] =	ssyncadd.s32 $0xFFFFFF80  }
.LBB2_2:
0x32: {  	[spmem:s2] =	stream.indirect.scatter.add.f32 [tilespmem:s12], [sflag:$0x1], $0x1, s25, s13, $0xb8;
	[tilespmem:$0x2A80] =	vst v63  }
0x33: {  	s25 =	smov.u32 s24;
	p0 =	sne.s32 s24, $0x9A00  }
.Ltmp0:
0x34: {  	s24 =	sadd.s32 $0x200, s24;
	(pc) =	sbr.rel @p0 .LBB2_2-.Ltmp0, $4  }
0x35: {  	_ = 	snop  }
0x36: {  	_ =	swait.ge [sflag:s20], $0x80  }
0x37: {  	[sflag:s20] =	ssyncset.done $0x0  }
0x38: {  	s25 =	sshra.s32 s25, $0x2;
	[sflag:s20] =	ssyncadd.s32 $0xFFFFFF80  }
0x39: {  	[spmem:s2] =	stream.indirect.scatter.add.f32 [tilespmem:s12], [sflag:$0x1], $0x1, s25, s13, $0xb8;
	[tilespmem:$0x2A80] =	vst v63  }
0x3a: {  	_ =	swait.ge [sflag:s20], $0x80  }
0x3b: {  	[sflag:s20] =	ssyncset.done $0x0  }
0x3c: {  	[sflag:s20] =	ssyncadd.s32 $0xFFFFFF80  }
0x3d: {  	_ =	swait.ge [sflag:s20], $0x80  }
0x3e: {  	[sflag:s20] =	ssyncset.done $0x0  }
0x3f: {  	[sflag:s20] =	ssyncadd.s32 $0xFFFFFF80  }
0x40: {  	_ =	swait.ge [sflag:s20], $0x80  }
0x41: {  	[sflag:s20] =	ssyncset.done $0x0  }
0x42: {  	[sflag:s20] =	ssyncadd.s32 $0xFFFFFF80  }
0x43: {  	_ =	swait.ge [sflag:s20], $0x80  }
0x44: {  	[sflag:s20] =	ssyncset.done $0x0  }
0x45: {  	[sflag:s20] =	ssyncadd.s32 $0xFFFFFF80  }
0x46: {  	_ =	swait.ge [sflag:s20], $0x80  }
0x47: {  	[sflag:s20] =	ssyncset.done $0x0  }
0x48: {  	[sflag:s20] =	ssyncadd.s32 $0xFFFFFF80  }
0x49: {  	_ =	swait.ge [sflag:s20], $0x80  }
0x4a: {  	[sflag:s20] =	ssyncset.done $0x0  }
0x4b: {  	[sflag:s20] =	ssyncadd.s32 $0xFFFFFF80  }
0x4c: {  	_ =	swait.ge [sflag:s20], $0x80  }
0x4d: {  	[sflag:s20] =	ssyncset.done $0x0  }
0x4e: {  	[sflag:s20] =	ssyncadd.s32 $0xFFFFFF80  }
0x4f: {  	_ =	swait.ge [sflag:s20], $0x80  }
0x50: {  	[sflag:s20] =	ssyncset.done $0x0  }
0x51: {  	[sflag:s20] =	ssyncadd.s32 $0xFFFFFF80  }
0x52: {  	[spmem:s2] =	stream.indirect.scatter.add.f32 [tilespmem:s12], [sflag:$0x2], $0x1, s22, s21, $0xb8;
	[tilespmem:$0x2A80] =	vst v63  }
0x53: {  	_ =	swait.ge [sflag:s11], $0x10  }
0x54: {  	s23 =	sadd.s32 $0x1, s23;
	[sflag:s11] =	ssyncset.done $0x0  }
0x55: {  	p0 =	sne.s32 s23, s9;
	[sflag:s11] =	ssyncadd.s32 $0xFFFFFFF0  }
.Ltmp1:
0x56: {  	[bflag:$0x0] =	sbarrier.arrive $0xFFFF;
	(pc) =	sbr.rel @p0 .LBB2_1-.Ltmp1, $4  }
0x57: {  	[hbm:s8], [sflag:s6] =	dma.local [spmem:s10], $0x50  }
0x58: {  	_ =	swait.ge [sflag:s11], $0x50  }
0x59: {  	[sflag:s11] =	ssyncset.done $0x0  }
0x5a: {  	[sflag:s11] =	ssyncadd.s32 $0xFFFFFFB0  }
0x5b: {  	_ =	sfence.sel $0x180000  }
0x5c: {  	[bflag:$0x0] =	sbarrier.arrive $0xFFFF  }
0x5d: {  	p0 =	sne.s32 s1, $0x0;
	_ =	strace $0x90000047  }
0x5e: {  	s0 =	sadd.s32 @!p0 $0x100000, s0;
	[bflag:$0x2] =	sbarrier.arrive $0xFFFF  }
0x5f: {  	[sflag:s0] =	ssyncadd.tile.s32 @!p0 $0x1;
	_ =	shalt  }
.Lfunc_end2:
_tile_overlayer_lowered:
.L_overlay_start_2:
0x60: {  	(tag) =	ssettag $0x2  }
0x61: {  	s0 =	rddreg [dreg:$0x0];
	s2 =	stileid.u32  }
0x62: {  	s1 =	rddreg [dreg:$0x1];
	p0 =	sne.s32 s2, $0x0  }
0x63: {  	s3 =	rddreg [dreg:$0x2];
	[bflag:$0x3] =	sbarrier.arrive $0xFFFF;
	s2 =	simm.s32 @!p0 $0x1C02  }
0x64: {  	[timem:s3], [sflag:s2] =	dma.local @!p0 [hbm:s0], s1  }
0x65: {  	s0 =	simm.s32 @!p0 $0x2  }
0x66: {  	_ =	swait.ge @!p0 [sflag:s0], s1  }
0x67: {  	s1 =	ssub.s32 @!p0 $0x0, s1;
	[sflag:s0] =	ssyncset.done @!p0 $0x0  }
0x68: {  	[sflag:s0] =	ssyncadd.s32 @!p0 s1  }
0x69: {  	[bflag:$0x3] =	sbarrier.arrive $0xFFFF  }
0x6a: {  	_ =	shalt  }

</sc_bundles>
